<compile_context>
chip_gen: v7x
topology: tpu7x:2x2x1
jax: 0.10.2.dev20260603
libtpu: 0.0.44.dev20260713+nightly
codegen_flags: <defaults>
</compile_context>

<pallas_src>
import functools

import jax
import jax.numpy as jnp
from jax import lax
from jax.experimental import pallas as pl
from jax.experimental.pallas import tpu as pltpu
from jax.experimental.pallas import tpu_sc as plsc

_INFO = plsc.get_sparse_core_info()
_NC = _INFO.num_cores
_NS = _INFO.num_subcores
_NW = _NC * _NS

_ROWS = 8192
_D = 1024
_ROWS_W = _ROWS // _NW
_C = 16
_NCH = _ROWS_W // _C
_VPR = _D // 16


def _make_sc_call():
    mesh = plsc.VectorSubcoreMesh(core_axis_name="c", subcore_axis_name="s")

    @functools.partial(
        pl.kernel,
        out_type=jax.ShapeDtypeStruct((4, _ROWS // 4, _D), jnp.float32),
        mesh=mesh,
        scratch_types=[
            pltpu.VMEM((_ROWS_W,), jnp.int32),
            [pltpu.VMEM((_C, _D), jnp.float32) for _ in range(2)],
            [pltpu.VMEM((_C, _D), jnp.float32) for _ in range(2)],
            [pltpu.SemaphoreType.DMA for _ in range(2)],
            [pltpu.SemaphoreType.DMA for _ in range(2)],
            [pltpu.SemaphoreType.DMA for _ in range(2)],
        ],
    )
    def sc_call(x_hbm, idx_hbm, pe_hbm, out_hbm, idx_v, buf_x, buf_pe,
                sem_x, sem_pe, sem_out):
        wid = lax.axis_index("s") * _NC + lax.axis_index("c")
        nwb = _NW // 4
        b = wid // nwb
        base = (wid % nwb) * _ROWS_W
        idx_cp = pltpu.async_copy(
            idx_hbm.at[b, pl.ds(base, _ROWS_W)], idx_v, sem_pe[1])

        def start_loads(j, p):
            row0 = base + j * _C
            pltpu.async_copy(x_hbm.at[b, pl.ds(row0, _C)], buf_x[p], sem_x[p])
            pltpu.async_copy(
                pe_hbm.at[idx_v.at[pl.ds(j * _C, _C)]], buf_pe[p], sem_pe[p])

        def wait_loads(j, p):
            row0 = base + j * _C
            pltpu.make_async_copy(
                x_hbm.at[b, pl.ds(row0, _C)], buf_x[p], sem_x[p]).wait()
            pltpu.make_async_copy(
                pe_hbm.at[idx_v.at[pl.ds(j * _C, _C)]], buf_pe[p],
                sem_pe[p]).wait()


        def step(j, p):
            wait_loads(j, p)

            @plsc.parallel_loop(0, _C, 1)
            def add_row(r):
                for v in range(_VPR):
                    sl = (r, pl.ds(v * 16, 16))
                    buf_x[p][sl] = buf_x[p][sl] + buf_pe[p][sl]

            pltpu.async_copy(
                buf_x[p], out_hbm.at[b, pl.ds(base + j * _C, _C)], sem_out[p])

        def wait_out(j, p):
            pltpu.make_async_copy(
                buf_x[p], out_hbm.at[b, pl.ds(base + j * _C, _C)],
                sem_out[p]).wait()

        pltpu.async_copy(x_hbm.at[b, pl.ds(base, _C)], buf_x[0], sem_x[0])
        idx_cp.wait()
        pltpu.async_copy(pe_hbm.at[idx_v.at[pl.ds(0, _C)]], buf_pe[0],
                         sem_pe[0])

        def body(j2, carry):
            j = j2 * 2
            @pl.when(j2 > 0)
            def _():
                wait_out(j - 1, 1)
            start_loads(j + 1, 1)
            step(j, 0)
            wait_out(j, 0)

            @pl.when(j2 < _NCH // 2 - 1)
            def _():
                start_loads(j + 2, 0)
            step(j + 1, 1)
            return carry

        lax.fori_loop(0, _NCH // 2, body, 0)
        wait_out(_NCH - 1, 1)

    return sc_call


_SC_CALL = _make_sc_call()


def kernel(x, pids, pe):
    return _SC_CALL(x, pids.astype(jnp.int32), pe)

# --- scband reference (transcript-rebuilt; emitter-appended) ---
"""Pipeline reference for scband-positional-encoding-27865747817047 (READ-ONLY COPY).

The authoritative reference and input builder live on the scoring server;
editing this copy changes nothing except your own understanding.
"""

import jax, jax.numpy as jnp
import numpy as np

MAX_LEN = 8192
D_MODEL = 1024
BATCH = 4
SEQ = 2048

def setup_inputs(seed: int = 0) -> dict:
    key = jax.random.key(seed)
    k1, k2, k3 = jax.random.split(key, 3)
    x = jax.random.normal(k1, (BATCH, SEQ, D_MODEL), dtype=jnp.float32)
    pids = jax.random.randint(k2, (BATCH, SEQ), 0, MAX_LEN, dtype=jnp.int64)
    # sinusoidal positional encoding table, registered as self.pe in the torch module
    pos = np.arange(MAX_LEN)[:, None].astype(np.float32)
    div = np.exp(np.arange(0, D_MODEL, 2).astype(np.float32) * (-np.log(10000.0) / D_MODEL))
    pe_np = np.zeros((MAX_LEN, D_MODEL), dtype=np.float32)
    pe_np[:, 0::2] = np.sin(pos * div)
    pe_np[:, 1::2] = np.cos(pos * div)
    pe = jnp.asarray(pe_np)
    return {"x": x, "pids": pids, "pe": pe}

def reference(x, pids, pe):
    # vanil_forward with pids provided; dropout layers are identity (p=0 / eval)
    B, S, D = x.shape
    posencs = jnp.take(pe, pids.reshape(-1), axis=0).reshape(B, S, D)
    # faithful to `posencs[:x.size(1)]` (no-op slice since B < S)
    posencs = posencs[:S]
    return x + posencs

if __name__ == "__main__":
    import jax
    _d = setup_inputs()
    print(jax.jit(kernel)(*tuple(_d.values())))

</pallas_src>

<mosaic_0001>
#map = affine_map<(d0, d1) -> (0, 0, 0)>
#map1 = affine_map<(d0, d1) -> (0, 0)>
module attributes {stable_mosaic.version = 14 : i64} {
  func.func @sc_call(%arg0: i32, %arg1: i32, %arg2: memref<4x2048x1024xf32, #tpu.memory_space<hbm>>, %arg3: memref<4x2048xi32, #tpu.memory_space<hbm>>, %arg4: memref<8192x1024xf32, #tpu.memory_space<hbm>>, %arg5: memref<4x2048x1024xf32, #tpu.memory_space<hbm>>, %arg6: memref<256xi32, #tpu.memory_space<vmem>>, %arg7: memref<16x1024xf32, #tpu.memory_space<vmem>>, %arg8: memref<16x1024xf32, #tpu.memory_space<vmem>>, %arg9: memref<16x1024xf32, #tpu.memory_space<vmem>>, %arg10: memref<16x1024xf32, #tpu.memory_space<vmem>>, %arg11: memref<!tpu.dma_semaphore, #tpu.memory_space<semaphore_mem>>, %arg12: memref<!tpu.dma_semaphore, #tpu.memory_space<semaphore_mem>>, %arg13: memref<!tpu.dma_semaphore, #tpu.memory_space<semaphore_mem>>, %arg14: memref<!tpu.dma_semaphore, #tpu.memory_space<semaphore_mem>>, %arg15: memref<!tpu.dma_semaphore, #tpu.memory_space<semaphore_mem>>, %arg16: memref<!tpu.dma_semaphore, #tpu.memory_space<semaphore_mem>>) attributes {dimension_semantics = [#tpu.dimension_semantics<core_parallel>, #tpu.dimension_semantics<subcore_parallel>], iteration_bounds = array<i64: 2, 16>, scalar_prefetch = 0 : i64, scratch_operands = 11 : i64, tpu.core_type = #tpu.core_type<sc_vector_subcore>, window_params = [{transform_indices = #map}, {transform_indices = #map1}, {transform_indices = #map1}, {transform_indices = #map}]} {
    %mul3A = arith.constant 2 : i32
    %mul3A_0 = arith.muli %arg1, %mul3A : i32
    %add3A = arith.addi %mul3A_0, %arg0 : i32
    %jit3A = arith.constant 8 : i32
    %div3A = arith.divsi %add3A, %jit3A : i32
    %sign3A = arith.constant 0 : i32
    %sign3A_1 = arith.cmpi sgt, %add3A, %sign3A : i32
    %sign3A_2 = arith.extui %sign3A_1 : i1 to i32
    %sign3A_3 = arith.constant 0 : i32
    %sign3A_4 = arith.cmpi slt, %add3A, %sign3A_3 : i32
    %sign3A_5 = arith.extui %sign3A_4 : i1 to i32
    %sign3A_6 = arith.subi %sign3A_2, %sign3A_5 : i32
    %sign3A_7 = arith.constant 0 : i32
    %sign3A_8 = arith.cmpi sgt, %jit3A, %sign3A_7 : i32
    %sign3A_9 = arith.extui %sign3A_8 : i1 to i32
    %sign3A_10 = arith.constant 0 : i32
    %sign3A_11 = arith.cmpi slt, %jit3A, %sign3A_10 : i32
    %sign3A_12 = arith.extui %sign3A_11 : i1 to i32
    %sign3A_13 = arith.subi %sign3A_9, %sign3A_12 : i32
    %ne3A = arith.cmpi ne, %sign3A_6, %sign3A_13 : i32
    %rem3A = arith.remsi %add3A, %jit3A : i32
    %ne3A_14 = arith.constant 0 : i32
    %ne3A_15 = arith.cmpi ne, %rem3A, %ne3A_14 : i32
    %and3A = arith.andi %ne3A, %ne3A_15 : i1
    %sub3A = arith.constant 1 : i32
    %sub3A_16 = arith.subi %div3A, %sub3A : i32
    %select_n3A = arith.select %and3A, %sub3A_16, %div3A : i32
    %jit3A_17 = arith.constant 8 : i32
    %eq3A = arith.constant 0 : i32
    %eq3A_18 = arith.cmpi eq, %jit3A_17, %eq3A : i32
    %jit3A_19 = arith.constant 1 : i32
    %select_n3A_20 = arith.select %eq3A_18, %jit3A_19, %jit3A_17 : i32
    %rem3A_21 = arith.remsi %add3A, %select_n3A_20 : i32
    %ne3A_22 = arith.constant 0 : i32
    %ne3A_23 = arith.cmpi ne, %rem3A_21, %ne3A_22 : i32
    %lt3A = arith.constant 0 : i32
    %lt3A_24 = arith.cmpi slt, %rem3A_21, %lt3A : i32
    %lt3A_25 = arith.constant 0 : i32
    %lt3A_26 = arith.cmpi slt, %select_n3A_20, %lt3A_25 : i32
    %ne3A_27 = arith.xori %lt3A_24, %lt3A_26 : i1
    %and3A_28 = arith.andi %ne3A_27, %ne3A_23 : i1
    %add3A_29 = arith.addi %rem3A_21, %select_n3A_20 : i32
    %select_n3A_30 = arith.select %and3A_28, %add3A_29, %rem3A_21 : i32
    %mul3A_31 = arith.constant 256 : i32
    %mul3A_32 = arith.muli %select_n3A_30, %mul3A_31 : i32
    %dma_start3A = tpu.memref_slice %arg3[%select_n3A, %mul3A_32] : memref<4x2048xi32, #tpu.memory_space<hbm>> -> memref<1x256xi32, #tpu.memory_space<hbm>>
    %dma_start3A_33 = tpu.memref_squeeze %dma_start3A : memref<1x256xi32, #tpu.memory_space<hbm>> -> memref<256xi32, #tpu.memory_space<hbm>>
    %dma_start3A_34 = tpu.memref_slice %arg3[%select_n3A, %mul3A_32] : memref<4x2048xi32, #tpu.memory_space<hbm>> -> memref<1x256xi32, #tpu.memory_space<hbm>>
    %dma_start3A_35 = tpu.memref_squeeze %dma_start3A_34 : memref<1x256xi32, #tpu.memory_space<hbm>> -> memref<256xi32, #tpu.memory_space<hbm>>
    tpu.enqueue_dma source(%dma_start3A_35 : memref<256xi32, #tpu.memory_space<hbm>>) target(%arg6 : memref<256xi32, #tpu.memory_space<vmem>>) target_semaphore(%arg14 : memref<!tpu.dma_semaphore, #tpu.memory_space<semaphore_mem>>)
    %dma_start3A_36 = arith.constant 0 : i32
    %dma_start3A_37 = tpu.memref_slice %arg2[%select_n3A, %mul3A_32, %dma_start3A_36] : memref<4x2048x1024xf32, #tpu.memory_space<hbm>> -> memref<1x16x1024xf32, #tpu.memory_space<hbm>>
    %dma_start3A_38 = tpu.memref_squeeze %dma_start3A_37 : memref<1x16x1024xf32, #tpu.memory_space<hbm>> -> memref<16x1024xf32, #tpu.memory_space<hbm>>
    %dma_start3A_39 = arith.constant 0 : i32
    %dma_start3A_40 = tpu.memref_slice %arg2[%select_n3A, %mul3A_32, %dma_start3A_39] : memref<4x2048x1024xf32, #tpu.memory_space<hbm>> -> memref<1x16x1024xf32, #tpu.memory_space<hbm>>
    %dma_start3A_41 = tpu.memref_squeeze %dma_start3A_40 : memref<1x16x1024xf32, #tpu.memory_space<hbm>> -> memref<16x1024xf32, #tpu.memory_space<hbm>>
    tpu.enqueue_dma source(%dma_start3A_41 : memref<16x1024xf32, #tpu.memory_space<hbm>>) target(%arg7 : memref<16x1024xf32, #tpu.memory_space<vmem>>) target_semaphore(%arg11 : memref<!tpu.dma_semaphore, #tpu.memory_space<semaphore_mem>>)
    %dma_wait3A = tpu.memref_slice %arg3[%select_n3A, %mul3A_32] : memref<4x2048xi32, #tpu.memory_space<hbm>> -> memref<1x256xi32, #tpu.memory_space<hbm>>
    %dma_wait3A_42 = tpu.memref_squeeze %dma_wait3A : memref<1x256xi32, #tpu.memory_space<hbm>> -> memref<256xi32, #tpu.memory_space<hbm>>
    %dma_wait3A_43 = tpu.memref_slice %arg3[%select_n3A, %mul3A_32] : memref<4x2048xi32, #tpu.memory_space<hbm>> -> memref<1x256xi32, #tpu.memory_space<hbm>>
    %dma_wait3A_44 = tpu.memref_squeeze %dma_wait3A_43 : memref<1x256xi32, #tpu.memory_space<hbm>> -> memref<256xi32, #tpu.memory_space<hbm>>
    tpu.wait_dma2 semaphore(%arg14 : memref<!tpu.dma_semaphore, #tpu.memory_space<semaphore_mem>>) src(%dma_wait3A_44 : memref<256xi32, #tpu.memory_space<hbm>>) dst(%arg6 : memref<256xi32, #tpu.memory_space<vmem>>)
    %dma_start3A_45 = arith.constant 0 : i32
    %dma_start3A_46 = tpu.memref_slice %arg6[%dma_start3A_45] : memref<256xi32, #tpu.memory_space<vmem>> -> memref<16xi32, #tpu.memory_space<vmem>>
    %dma_start3A_47 = arith.constant 0 : i32
    %dma_start3A_48 = arith.constant 0 : i32
    %dma_start3A_49 = tpu.memref_slice %arg4[%dma_start3A_47, %dma_start3A_48] : memref<8192x1024xf32, #tpu.memory_space<hbm>> -> memref<8192x1024xf32, #tpu.memory_space<hbm>>
    tpu.enqueue_indirect_dma source(%dma_start3A_49 : memref<8192x1024xf32, #tpu.memory_space<hbm>>) target(%arg9 : memref<16x1024xf32, #tpu.memory_space<vmem>>) offsets(%dma_start3A_46 : memref<16xi32, #tpu.memory_space<vmem>>) semaphore(%arg13 : memref<!tpu.dma_semaphore, #tpu.memory_space<semaphore_mem>>)
    %scan3A = arith.constant 0 : i32
    %scan3A_50 = arith.constant 0 : i32
    %scan3A_51 = arith.constant 8 : i32
    %scan3A_52 = arith.addi %scan3A_50, %scan3A_51 : i32
    %scan3A_53 = arith.constant 1 : i32
    scf.for %scan3A_63 = %scan3A_50 to %scan3A_52 step %scan3A_53  : i32 {
      %mul3A_64 = arith.constant 2 : i32
      %mul3A_65 = arith.muli %scan3A_63, %mul3A_64 : i32
      %gt3A = arith.constant 0 : i32
      %gt3A_66 = arith.cmpi sgt, %scan3A_63, %gt3A : i32
      %convert_element_type3A = arith.extui %gt3A_66 : i1 to i32
      %cond3A = arith.constant 0 : i32
      %cond3A_67 = arith.cmpi ne, %convert_element_type3A, %cond3A : i32
      scf.if %cond3A_67 {
        %sub3A_154 = arith.constant 1 : i32
        %sub3A_155 = arith.subi %mul3A_65, %sub3A_154 : i32
        %mul3A_156 = arith.constant 16 : i32
        %mul3A_157 = arith.muli %sub3A_155, %mul3A_156 : i32
        %add3A_158 = arith.addi %mul3A_32, %mul3A_157 : i32
        %dma_wait3A_159 = arith.constant 0 : i32
        %dma_wait3A_160 = tpu.memref_slice %arg5[%select_n3A, %add3A_158, %dma_wait3A_159] : memref<4x2048x1024xf32, #tpu.memory_space<hbm>> -> memref<1x16x1024xf32, #tpu.memory_space<hbm>>
        %dma_wait3A_161 = tpu.memref_squeeze %dma_wait3A_160 : memref<1x16x1024xf32, #tpu.memory_space<hbm>> -> memref<16x1024xf32, #tpu.memory_space<hbm>>
        %dma_wait3A_162 = arith.constant 0 : i32
        %dma_wait3A_163 = tpu.memref_slice %arg5[%select_n3A, %add3A_158, %dma_wait3A_162] : memref<4x2048x1024xf32, #tpu.memory_space<hbm>> -> memref<1x16x1024xf32, #tpu.memory_space<hbm>>
        %dma_wait3A_164 = tpu.memref_squeeze %dma_wait3A_163 : memref<1x16x1024xf32, #tpu.memory_space<hbm>> -> memref<16x1024xf32, #tpu.memory_space<hbm>>
        tpu.wait_dma2 semaphore(%arg16 : memref<!tpu.dma_semaphore, #tpu.memory_space<semaphore_mem>>) src(%arg8 : memref<16x1024xf32, #tpu.memory_space<vmem>>) dst(%dma_wait3A_164 : memref<16x1024xf32, #tpu.memory_space<hbm>>)
      } else {
      }
      %add3A_68 = arith.constant 1 : i32
      %add3A_69 = arith.addi %mul3A_65, %add3A_68 : i32
      %mul3A_70 = arith.constant 16 : i32
      %mul3A_71 = arith.muli %add3A_69, %mul3A_70 : i32
      %add3A_72 = arith.addi %mul3A_32, %mul3A_71 : i32
      %dma_start3A_73 = arith.constant 0 : i32
      %dma_start3A_74 = tpu.memref_slice %arg2[%select_n3A, %add3A_72, %dma_start3A_73] : memref<4x2048x1024xf32, #tpu.memory_space<hbm>> -> memref<1x16x1024xf32, #tpu.memory_space<hbm>>
      %dma_start3A_75 = tpu.memref_squeeze %dma_start3A_74 : memref<1x16x1024xf32, #tpu.memory_space<hbm>> -> memref<16x1024xf32, #tpu.memory_space<hbm>>
      %dma_start3A_76 = arith.constant 0 : i32
      %dma_start3A_77 = tpu.memref_slice %arg2[%select_n3A, %add3A_72, %dma_start3A_76] : memref<4x2048x1024xf32, #tpu.memory_space<hbm>> -> memref<1x16x1024xf32, #tpu.memory_space<hbm>>
      %dma_start3A_78 = tpu.memref_squeeze %dma_start3A_77 : memref<1x16x1024xf32, #tpu.memory_space<hbm>> -> memref<16x1024xf32, #tpu.memory_space<hbm>>
      tpu.enqueue_dma source(%dma_start3A_78 : memref<16x1024xf32, #tpu.memory_space<hbm>>) target(%arg8 : memref<16x1024xf32, #tpu.memory_space<vmem>>) target_semaphore(%arg12 : memref<!tpu.dma_semaphore, #tpu.memory_space<semaphore_mem>>)
      %mul3A_79 = arith.constant 16 : i32
      %mul3A_80 = arith.muli %add3A_69, %mul3A_79 : i32
      %dma_start3A_81 = tpu.memref_slice %arg6[%mul3A_80] : memref<256xi32, #tpu.memory_space<vmem>> -> memref<16xi32, #tpu.memory_space<vmem>>
      %dma_start3A_82 = arith.constant 0 : i32
      %dma_start3A_83 = arith.constant 0 : i32
      %dma_start3A_84 = tpu.memref_slice %arg4[%dma_start3A_82, %dma_start3A_83] : memref<8192x1024xf32, #tpu.memory_space<hbm>> -> memref<8192x1024xf32, #tpu.memory_space<hbm>>
      tpu.enqueue_indirect_dma source(%dma_start3A_84 : memref<8192x1024xf32, #tpu.memory_space<hbm>>) target(%arg10 : memref<16x1024xf32, #tpu.memory_space<vmem>>) offsets(%dma_start3A_81 : memref<16xi32, #tpu.memory_space<vmem>>) semaphore(%arg14 : memref<!tpu.dma_semaphore, #tpu.memory_space<semaphore_mem>>)
      %mul3A_85 = arith.constant 16 : i32
      %mul3A_86 = arith.muli %mul3A_65, %mul3A_85 : i32
      %add3A_87 = arith.addi %mul3A_32, %mul3A_86 : i32
      %dma_wait3A_88 = arith.constant 0 : i32
      %dma_wait3A_89 = tpu.memref_slice %arg2[%select_n3A, %add3A_87, %dma_wait3A_88] : memref<4x2048x1024xf32, #tpu.memory_space<hbm>> -> memref<1x16x1024xf32, #tpu.memory_space<hbm>>
      %dma_wait3A_90 = tpu.memref_squeeze %dma_wait3A_89 : memref<1x16x1024xf32, #tpu.memory_space<hbm>> -> memref<16x1024xf32, #tpu.memory_space<hbm>>
      %dma_wait3A_91 = arith.constant 0 : i32
      %dma_wait3A_92 = tpu.memref_slice %arg2[%select_n3A, %add3A_87, %dma_wait3A_91] : memref<4x2048x1024xf32, #tpu.memory_space<hbm>> -> memref<1x16x1024xf32, #tpu.memory_space<hbm>>
      %dma_wait3A_93 = tpu.memref_squeeze %dma_wait3A_92 : memref<1x16x1024xf32, #tpu.memory_space<hbm>> -> memref<16x1024xf32, #tpu.memory_space<hbm>>
      tpu.wait_dma2 semaphore(%arg11 : memref<!tpu.dma_semaphore, #tpu.memory_space<semaphore_mem>>) src(%dma_wait3A_93 : memref<16x1024xf32, #tpu.memory_space<hbm>>) dst(%arg7 : memref<16x1024xf32, #tpu.memory_space<vmem>>)
      %mul3A_94 = arith.constant 16 : i32
      %mul3A_95 = arith.muli %mul3A_65, %mul3A_94 : i32
      %dma_wait3A_96 = tpu.memref_slice %arg6[%mul3A_95] : memref<256xi32, #tpu.memory_space<vmem>> -> memref<16xi32, #tpu.memory_space<vmem>>
      %dma_wait3A_97 = arith.constant 0 : i32
      %dma_wait3A_98 = arith.constant 0 : i32
      %dma_wait3A_99 = tpu.memref_slice %arg4[%dma_wait3A_97, %dma_wait3A_98] : memref<8192x1024xf32, #tpu.memory_space<hbm>> -> memref<8192x1024xf32, #tpu.memory_space<hbm>>
      tpu.wait_indirect_dma semaphore(%arg13 : memref<!tpu.dma_semaphore, #tpu.memory_space<semaphore_mem>>) src(%dma_wait3A_99 : memref<8192x1024xf32, #tpu.memory_space<hbm>>) dst(%arg9 : memref<16x1024xf32, #tpu.memory_space<vmem>>)
      %parallel_loop3A = arith.constant 0 : i32
      %parallel_loop3A_100 = arith.constant 16 : i32
      %parallel_loop3A_101 = arith.constant 1 : i32
      scf.for %parallel_loop3A_154 = %parallel_loop3A to %parallel_loop3A_100 step %parallel_loop3A_101  : i32 {
        %parallel_loop3A_155 = arith.index_cast %parallel_loop3A_154 : i32 to index
        %parallel_loop3A_156 = arith.constant 0 : index
        %parallel_loop3A_157 = tpu.vector_load %arg7[%parallel_loop3A_155, %parallel_loop3A_156] {strides = array<i32>} : memref<16x1024xf32, #tpu.memory_space<vmem>>, vector<1x16xf32>,
        %parallel_loop3A_158 = vector.shape_cast %parallel_loop3A_157 : vector<1x16xf32> to vector<16xf32>
        %parallel_loop3A_159 = arith.index_cast %parallel_loop3A_154 : i32 to index
        %parallel_loop3A_160 = arith.constant 0 : index
        %parallel_loop3A_161 = tpu.vector_load %arg9[%parallel_loop3A_159, %parallel_loop3A_160] {strides = array<i32>} : memref<16x1024xf32, #tpu.memory_space<vmem>>, vector<1x16xf32>,
        %parallel_loop3A_162 = vector.shape_cast %parallel_loop3A_161 : vector<1x16xf32> to vector<16xf32>
        %parallel_loop3A_163 = arith.addf %parallel_loop3A_158, %parallel_loop3A_162 : vector<16xf32>
        %parallel_loop3A_164 = arith.index_cast %parallel_loop3A_154 : i32 to index
        %parallel_loop3A_165 = arith.constant 0 : index
        %parallel_loop3A_166 = tpu.vector_load %arg7[%parallel_loop3A_164, %parallel_loop3A_165] {strides = array<i32>} : memref<16x1024xf32, #tpu.memory_space<vmem>>, vector<1x16xf32>,
        %parallel_loop3A_167 = vector.shape_cast %parallel_loop3A_166 : vector<1x16xf32> to vector<16xf32>
        %parallel_loop3A_168 = vector.shape_cast %parallel_loop3A_163 : vector<16xf32> to vector<1x16xf32>
        tpu.vector_store %arg7[%parallel_loop3A_164, %parallel_loop3A_165], %parallel_loop3A_168 {strides = array<i32>} : memref<16x1024xf32, #tpu.memory_space<vmem>>, vector<1x16xf32>,
        %parallel_loop3A_169 = arith.index_cast %parallel_loop3A_154 : i32 to index
        %parallel_loop3A_170 = arith.constant 16 : index
        %parallel_loop3A_171 = tpu.vector_load %arg7[%parallel_loop3A_169, %parallel_loop3A_170] {strides = array<i32>} : memref<16x1024xf32, #tpu.memory_space<vmem>>, vector<1x16xf32>,
        %parallel_loop3A_172 = vector.shape_cast %parallel_loop3A_171 : vector<1x16xf32> to vector<16xf32>
        %parallel_loop3A_173 = arith.index_cast %parallel_loop3A_154 : i32 to index
        %parallel_loop3A_174 = arith.constant 16 : index
        %parallel_loop3A_175 = tpu.vector_load %arg9[%parallel_loop3A_173, %parallel_loop3A_174] {strides = array<i32>} : memref<16x1024xf32, #tpu.memory_space<vmem>>, vector<1x16xf32>,
        %parallel_loop3A_176 = vector.shape_cast %parallel_loop3A_175 : vector<1x16xf32> to vector<16xf32>
        %parallel_loop3A_177 = arith.addf %parallel_loop3A_172, %parallel_loop3A_176 : vector<16xf32>
        %parallel_loop3A_178 = arith.index_cast %parallel_loop3A_154 : i32 to index
        %parallel_loop3A_179 = arith.constant 16 : index
        %parallel_loop3A_180 = tpu.vector_load %arg7[%parallel_loop3A_178, %parallel_loop3A_179] {strides = array<i32>} : memref<16x1024xf32, #tpu.memory_space<vmem>>, vector<1x16xf32>,
        %parallel_loop3A_181 = vector.shape_cast %parallel_loop3A_180 : vector<1x16xf32> to vector<16xf32>
        %parallel_loop3A_182 = vector.shape_cast %parallel_loop3A_177 : vector<16xf32> to vector<1x16xf32>
        tpu.vector_store %arg7[%parallel_loop3A_178, %parallel_loop3A_179], %parallel_loop3A_182 {strides = array<i32>} : memref<16x1024xf32, #tpu.memory_space<vmem>>, vector<1x16xf32>,
        %parallel_loop3A_183 = arith.index_cast %parallel_loop3A_154 : i32 to index
        %parallel_loop3A_184 = arith.constant 32 : index
        %parallel_loop3A_185 = tpu.vector_load %arg7[%parallel_loop3A_183, %parallel_loop3A_184] {strides = array<i32>} : memref<16x1024xf32, #tpu.memory_space<vmem>>, vector<1x16xf32>,
        %parallel_loop3A_186 = vector.shape_cast %parallel_loop3A_185 : vector<1x16xf32> to vector<16xf32>
        %parallel_loop3A_187 = arith.index_cast %parallel_loop3A_154 : i32 to index
        %parallel_loop3A_188 = arith.constant 32 : index
        %parallel_loop3A_189 = tpu.vector_load %arg9[%parallel_loop3A_187, %parallel_loop3A_188] {strides = array<i32>} : memref<16x1024xf32, #tpu.memory_space<vmem>>, vector<1x16xf32>,
        %parallel_loop3A_190 = vector.shape_cast %parallel_loop3A_189 : vector<1x16xf32> to vector<16xf32>
        %parallel_loop3A_191 = arith.addf %parallel_loop3A_186, %parallel_loop3A_190 : vector<16xf32>
        %parallel_loop3A_192 = arith.index_cast %parallel_loop3A_154 : i32 to index
        %parallel_loop3A_193 = arith.constant 32 : index
        %parallel_loop3A_194 = tpu.vector_load %arg7[%parallel_loop3A_192, %parallel_loop3A_193] {strides = array<i32>} : memref<16x1024xf32, #tpu.memory_space<vmem>>, vector<1x16xf32>,
        %parallel_loop3A_195 = vector.shape_cast %parallel_loop3A_194 : vector<1x16xf32> to vector<16xf32>
        %parallel_loop3A_196 = vector.shape_cast %parallel_loop3A_191 : vector<16xf32> to vector<1x16xf32>
        tpu.vector_store %arg7[%parallel_loop3A_192, %parallel_loop3A_193], %parallel_loop3A_196 {strides = array<i32>} : memref<16x1024xf32, #tpu.memory_space<vmem>>, vector<1x16xf32>,
        %parallel_loop3A_197 = arith.index_cast %parallel_loop3A_154 : i32 to index
        %parallel_loop3A_198 = arith.constant 48 : index
        %parallel_loop3A_199 = tpu.vector_load %arg7[%parallel_loop3A_197, %parallel_loop3A_198] {strides = array<i32>} : memref<16x1024xf32, #tpu.memory_space<vmem>>, vector<1x16xf32>,
        %parallel_loop3A_200 = vector.shape_cast %parallel_loop3A_199 : vector<1x16xf32> to vector<16xf32>
        %parallel_loop3A_201 = arith.index_cast %parallel_loop3A_154 : i32 to index
        %parallel_loop3A_202 = arith.constant 48 : index
        %parallel_loop3A_203 = tpu.vector_load %arg9[%parallel_loop3A_201, %parallel_loop3A_202] {strides = array<i32>} : memref<16x1024xf32, #tpu.memory_space<vmem>>, vector<1x16xf32>,
        %parallel_loop3A_204 = vector.shape_cast %parallel_loop3A_203 : vector<1x16xf32> to vector<16xf32>
        %parallel_loop3A_205 = arith.addf %parallel_loop3A_200, %parallel_loop3A_204 : vector<16xf32>
        %parallel_loop3A_206 = arith.index_cast %parallel_loop3A_154 : i32 to index
        %parallel_loop3A_207 = arith.constant 48 : index
        %parallel_loop3A_208 = tpu.vector_load %arg7[%parallel_loop3A_206, %parallel_loop3A_207] {strides = array<i32>} : memref<16x1024xf32, #tpu.memory_space<vmem>>, vector<1x16xf32>,
        %parallel_loop3A_209 = vector.shape_cast %parallel_loop3A_208 : vector<1x16xf32> to vector<16xf32>
        %parallel_loop3A_210 = vector.shape_cast %parallel_loop3A_205 : vector<16xf32> to vector<1x16xf32>
        tpu.vector_store %arg7[%parallel_loop3A_206, %parallel_loop3A_207], %parallel_loop3A_210 {strides = array<i32>} : memref<16x1024xf32, #tpu.memory_space<vmem>>, vector<1x16xf32>,
        %parallel_loop3A_211 = arith.index_cast %parallel_loop3A_154 : i32 to index
        %parallel_loop3A_212 = arith.constant 64 : index
        %parallel_loop3A_213 = tpu.vector_load %arg7[%parallel_loop3A_211, %parallel_loop3A_212] {strides = array<i32>} : memref<16x1024xf32, #tpu.memory_space<vmem>>, vector<1x16xf32>,
        %parallel_loop3A_214 = vector.shape_cast %parallel_loop3A_213 : vector<1x16xf32> to vector<16xf32>
        %parallel_loop3A_215 = arith.index_cast %parallel_loop3A_154 : i32 to index
        %parallel_loop3A_216 = arith.constant 64 : index
        %parallel_loop3A_217 = tpu.vector_load %arg9[%parallel_loop3A_215, %parallel_loop3A_216] {strides = array<i32>} : memref<16x1024xf32, #tpu.memory_space<vmem>>, vector<1x16xf32>,
        %parallel_loop3A_218 = vector.shape_cast %parallel_loop3A_217 : vector<1x16xf32> to vector<16xf32>
        %parallel_loop3A_219 = arith.addf %parallel_loop3A_214, %parallel_loop3A_218 : vector<16xf32>
        %parallel_loop3A_220 = arith.index_cast %parallel_loop3A_154 : i32 to index
        %parallel_loop3A_221 = arith.constant 64 : index
        %parallel_loop3A_222 = tpu.vector_load %arg7[%parallel_loop3A_220, %parallel_loop3A_221] {strides = array<i32>} : memref<16x1024xf32, #tpu.memory_space<vmem>>, vector<1x16xf32>,
        %parallel_loop3A_223 = vector.shape_cast %parallel_loop3A_222 : vector<1x16xf32> to vector<16xf32>
        %parallel_loop3A_224 = vector.shape_cast %parallel_loop3A_219 : vector<16xf32> to vector<1x16xf32>
        tpu.vector_store %arg7[%parallel_loop3A_220, %parallel_loop3A_221], %parallel_loop3A_224 {strides = array<i32>} : memref<16x1024xf32, #tpu.memory_space<vmem>>, vector<1x16xf32>,
        %parallel_loop3A_225 = arith.index_cast %parallel_loop3A_154 : i32 to index
        %parallel_loop3A_226 = arith.constant 80 : index
        %parallel_loop3A_227 = tpu.vector_load %arg7[%parallel_loop3A_225, %parallel_loop3A_226] {strides = array<i32>} : memref<16x1024xf32, #tpu.memory_space<vmem>>, vector<1x16xf32>,
        %parallel_loop3A_228 = vector.shape_cast %parallel_loop3A_227 : vector<1x16xf32> to vector<16xf32>
        %parallel_loop3A_229 = arith.index_cast %parallel_loop3A_154 : i32 to index
        %parallel_loop3A_230 = arith.constant 80 : index
        %parallel_loop3A_231 = tpu.vector_load %arg9[%parallel_loop3A_229, %parallel_loop3A_230] {strides = array<i32>} : memref<16x1024xf32, #tpu.memory_space<vmem>>, vector<1x16xf32>,
        %parallel_loop3A_232 = vector.shape_cast %parallel_loop3A_231 : vector<1x16xf32> to vector<16xf32>
        %parallel_loop3A_233 = arith.addf %parallel_loop3A_228, %parallel_loop3A_232 : vector<16xf32>
        %parallel_loop3A_234 = arith.index_cast %parallel_loop3A_154 : i32 to index
        %parallel_loop3A_235 = arith.constant 80 : index
        %parallel_loop3A_236 = tpu.vector_load %arg7[%parallel_loop3A_234, %parallel_loop3A_235] {strides = array<i32>} : memref<16x1024xf32, #tpu.memory_space<vmem>>, vector<1x16xf32>,
        %parallel_loop3A_237 = vector.shape_cast %parallel_loop3A_236 : vector<1x16xf32> to vector<16xf32>
        %parallel_loop3A_238 = vector.shape_cast %parallel_loop3A_233 : vector<16xf32> to vector<1x16xf32>
        tpu.vector_store %arg7[%parallel_loop3A_234, %parallel_loop3A_235], %parallel_loop3A_238 {strides = array<i32>} : memref<16x1024xf32, #tpu.memory_space<vmem>>, vector<1x16xf32>,
        %parallel_loop3A_239 = arith.index_cast %parallel_loop3A_154 : i32 to index
        %parallel_loop3A_240 = arith.constant 96 : index
        %parallel_loop3A_241 = tpu.vector_load %arg7[%parallel_loop3A_239, %parallel_loop3A_240] {strides = array<i32>} : memref<16x1024xf32, #tpu.memory_space<vmem>>, vector<1x16xf32>,
        %parallel_loop3A_242 = vector.shape_cast %parallel_loop3A_241 : vector<1x16xf32> to vector<16xf32>
        %parallel_loop3A_243 = arith.index_cast %parallel_loop3A_154 : i32 to index
        %parallel_loop3A_244 = arith.constant 96 : index
        %parallel_loop3A_245 = tpu.vector_load %arg9[%parallel_loop3A_243, %parallel_loop3A_244] {strides = array<i32>} : memref<16x1024xf32, #tpu.memory_space<vmem>>, vector<1x16xf32>,
        %parallel_loop3A_246 = vector.shape_cast %parallel_loop3A_245 : vector<1x16xf32> to vector<16xf32>
        %parallel_loop3A_247 = arith.addf %parallel_loop3A_242, %parallel_loop3A_246 : vector<16xf32>
        %parallel_loop3A_248 = arith.index_cast %parallel_loop3A_154 : i32 to index
        %parallel_loop3A_249 = arith.constant 96 : index
        %parallel_loop3A_250 = tpu.vector_load %arg7[%parallel_loop3A_248, %parallel_loop3A_249] {strides = array<i32>} : memref<16x1024xf32, #tpu.memory_space<vmem>>, vector<1x16xf32>,
        %parallel_loop3A_251 = vector.shape_cast %parallel_loop3A_250 : vector<1x16xf32> to vector<16xf32>
        %parallel_loop3A_252 = vector.shape_cast %parallel_loop3A_247 : vector<16xf32> to vector<1x16xf32>
        tpu.vector_store %arg7[%parallel_loop3A_248, %parallel_loop3A_249], %parallel_loop3A_252 {strides = array<i32>} : memref<16x1024xf32, #tpu.memory_space<vmem>>, vector<1x16xf32>,
        %parallel_loop3A_253 = arith.index_cast %parallel_loop3A_154 : i32 to index
        %parallel_loop3A_254 = arith.constant 112 : index
        %parallel_loop3A_255 = tpu.vector_load %arg7[%parallel_loop3A_253, %parallel_loop3A_254] {strides = array<i32>} : memref<16x1024xf32, #tpu.memory_space<vmem>>, vector<1x16xf32>,
        %parallel_loop3A_256 = vector.shape_cast %parallel_loop3A_255 : vector<1x16xf32> to vector<16xf32>
        %parallel_loop3A_257 = arith.index_cast %parallel_loop3A_154 : i32 to index
        %parallel_loop3A_258 = arith.constant 112 : index
        %parallel_loop3A_259 = tpu.vector_load %arg9[%parallel_loop3A_257, %parallel_loop3A_258] {strides = array<i32>} : memref<16x1024xf32, #tpu.memory_space<vmem>>, vector<1x16xf32>,
        %parallel_loop3A_260 = vector.shape_cast %parallel_loop3A_259 : vector<1x16xf32> to vector<16xf32>
        %parallel_loop3A_261 = arith.addf %parallel_loop3A_256, %parallel_loop3A_260 : vector<16xf32>
        %parallel_loop3A_262 = arith.index_cast %parallel_loop3A_154 : i32 to index
        %parallel_loop3A_263 = arith.constant 112 : index
        %parallel_loop3A_264 = tpu.vector_load %arg7[%parallel_loop3A_262, %parallel_loop3A_263] {strides = array<i32>} : memref<16x1024xf32, #tpu.memory_space<vmem>>, vector<1x16xf32>,
        %parallel_loop3A_265 = vector.shape_cast %parallel_loop3A_264 : vector<1x16xf32> to vector<16xf32>
        %parallel_loop3A_266 = vector.shape_cast %parallel_loop3A_261 : vector<16xf32> to vector<1x16xf32>
        tpu.vector_store %arg7[%parallel_loop3A_262, %parallel_loop3A_263], %parallel_loop3A_266 {strides = array<i32>} : memref<16x1024xf32, #tpu.memory_space<vmem>>, vector<1x16xf32>,
        %parallel_loop3A_267 = arith.index_cast %parallel_loop3A_154 : i32 to index
        %parallel_loop3A_268 = arith.constant 128 : index
        %parallel_loop3A_269 = tpu.vector_load %arg7[%parallel_loop3A_267, %parallel_loop3A_268] {strides = array<i32>} : memref<16x1024xf32, #tpu.memory_space<vmem>>, vector<1x16xf32>,
        %parallel_loop3A_270 = vector.shape_cast %parallel_loop3A_269 : vector<1x16xf32> to vector<16xf32>
        %parallel_loop3A_271 = arith.index_cast %parallel_loop3A_154 : i32 to index
        %parallel_loop3A_272 = arith.constant 128 : index
        %parallel_loop3A_273 = tpu.vector_load %arg9[%parallel_loop3A_271, %parallel_loop3A_272] {strides = array<i32>} : memref<16x1024xf32, #tpu.memory_space<vmem>>, vector<1x16xf32>,
        %parallel_loop3A_274 = vector.shape_cast %parallel_loop3A_273 : vector<1x16xf32> to vector<16xf32>
        %parallel_loop3A_275 = arith.addf %parallel_loop3A_270, %parallel_loop3A_274 : vector<16xf32>
        %parallel_loop3A_276 = arith.index_cast %parallel_loop3A_154 : i32 to index
        %parallel_loop3A_277 = arith.constant 128 : index
        %parallel_loop3A_278 = tpu.vector_load %arg7[%parallel_loop3A_276, %parallel_loop3A_277] {strides = array<i32>} : memref<16x1024xf32, #tpu.memory_space<vmem>>, vector<1x16xf32>,
        %parallel_loop3A_279 = vector.shape_cast %parallel_loop3A_278 : vector<1x16xf32> to vector<16xf32>
        %parallel_loop3A_280 = vector.shape_cast %parallel_loop3A_275 : vector<16xf32> to vector<1x16xf32>
        tpu.vector_store %arg7[%parallel_loop3A_276, %parallel_loop3A_277], %parallel_loop3A_280 {strides = array<i32>} : memref<16x1024xf32, #tpu.memory_space<vmem>>, vector<1x16xf32>,
        %parallel_loop3A_281 = arith.index_cast %parallel_loop3A_154 : i32 to index
        %parallel_loop3A_282 = arith.constant 144 : index
        %parallel_loop3A_283 = tpu.vector_load %arg7[%parallel_loop3A_281, %parallel_loop3A_282] {strides = array<i32>} : memref<16x1024xf32, #tpu.memory_space<vmem>>, vector<1x16xf32>,
        %parallel_loop3A_284 = vector.shape_cast %parallel_loop3A_283 : vector<1x16xf32> to vector<16xf32>
        %parallel_loop3A_285 = arith.index_cast %parallel_loop3A_154 : i32 to index
        %parallel_loop3A_286 = arith.constant 144 : index
        %parallel_loop3A_287 = tpu.vector_load %arg9[%parallel_loop3A_285, %parallel_loop3A_286] {strides = array<i32>} : memref<16x1024xf32, #tpu.memory_space<vmem>>, vector<1x16xf32>,
        %parallel_loop3A_288 = vector.shape_cast %parallel_loop3A_287 : vector<1x16xf32> to vector<16xf32>
        %parallel_loop3A_289 = arith.addf %parallel_loop3A_284, %parallel_loop3A_288 : vector<16xf32>
        %parallel_loop3A_290 = arith.index_cast %parallel_loop3A_154 : i32 to index
        %parallel_loop3A_291 = arith.constant 144 : index
        %parallel_loop3A_292 = tpu.vector_load %arg7[%parallel_loop3A_290, %parallel_loop3A_291] {strides = array<i32>} : memref<16x1024xf32, #tpu.memory_space<vmem>>, vector<1x16xf32>,
        %parallel_loop3A_293 = vector.shape_cast %parallel_loop3A_292 : vector<1x16xf32> to vector<16xf32>
        %parallel_loop3A_294 = vector.shape_cast %parallel_loop3A_289 : vector<16xf32> to vector<1x16xf32>
        tpu.vector_store %arg7[%parallel_loop3A_290, %parallel_loop3A_291], %parallel_loop3A_294 {strides = array<i32>} : memref<16x1024xf32, #tpu.memory_space<vmem>>, vector<1x16xf32>,
        %parallel_loop3A_295 = arith.index_cast %parallel_loop3A_154 : i32 to index
        %parallel_loop3A_296 = arith.constant 160 : index
        %parallel_loop3A_297 = tpu.vector_load %arg7[%parallel_loop3A_295, %parallel_loop3A_296] {strides = array<i32>} : memref<16x1024xf32, #tpu.memory_space<vmem>>, vector<1x16xf32>,
        %parallel_loop3A_298 = vector.shape_cast %parallel_loop3A_297 : vector<1x16xf32> to vector<16xf32>
        %parallel_loop3A_299 = arith.index_cast %parallel_loop3A_154 : i32 to index
        %parallel_loop3A_300 = arith.constant 160 : index
        %parallel_loop3A_301 = tpu.vector_load %arg9[%parallel_loop3A_299, %parallel_loop3A_300] {strides = array<i32>} : memref<16x1024xf32, #tpu.memory_space<vmem>>, vector<1x16xf32>,
        %parallel_loop3A_302 = vector.shape_cast %parallel_loop3A_301 : vector<1x16xf32> to vector<16xf32>
        %parallel_loop3A_303 = arith.addf %parallel_loop3A_298, %parallel_loop3A_302 : vector<16xf32>
        %parallel_loop3A_304 = arith.index_cast %parallel_loop3A_154 : i32 to index
        %parallel_loop3A_305 = arith.constant 160 : index
        %parallel_loop3A_306 = tpu.vector_load %arg7[%parallel_loop3A_304, %parallel_loop3A_305] {strides = array<i32>} : memref<16x1024xf32, #tpu.memory_space<vmem>>, vector<1x16xf32>,
        %parallel_loop3A_307 = vector.shape_cast %parallel_loop3A_306 : vector<1x16xf32> to vector<16xf32>
        %parallel_loop3A_308 = vector.shape_cast %parallel_loop3A_303 : vector<16xf32> to vector<1x16xf32>
        tpu.vector_store %arg7[%parallel_loop3A_304, %parallel_loop3A_305], %parallel_loop3A_308 {strides = array<i32>} : memref<16x1024xf32, #tpu.memory_space<vmem>>, vector<1x16xf32>,
        %parallel_loop3A_309 = arith.index_cast %parallel_loop3A_154 : i32 to index
        %parallel_loop3A_310 = arith.constant 176 : index
        %parallel_loop3A_311 = tpu.vector_load %arg7[%parallel_loop3A_309, %parallel_loop3A_310] {strides = array<i32>} : memref<16x1024xf32, #tpu.memory_space<vmem>>, vector<1x16xf32>,
        %parallel_loop3A_312 = vector.shape_cast %parallel_loop3A_311 : vector<1x16xf32> to vector<16xf32>
        %parallel_loop3A_313 = arith.index_cast %parallel_loop3A_154 : i32 to index
        %parallel_loop3A_314 = arith.constant 176 : index
        %parallel_loop3A_315 = tpu.vector_load %arg9[%parallel_loop3A_313, %parallel_loop3A_314] {strides = array<i32>} : memref<16x1024xf32, #tpu.memory_space<vmem>>, vector<1x16xf32>,
        %parallel_loop3A_316 = vector.shape_cast %parallel_loop3A_315 : vector<1x16xf32> to vector<16xf32>
        %parallel_loop3A_317 = arith.addf %parallel_loop3A_312, %parallel_loop3A_316 : vector<16xf32>
        %parallel_loop3A_318 = arith.index_cast %parallel_loop3A_154 : i32 to index
        %parallel_loop3A_319 = arith.constant 176 : index
        %parallel_loop3A_320 = tpu.vector_load %arg7[%parallel_loop3A_318, %parallel_loop3A_319] {strides = array<i32>} : memref<16x1024xf32, #tpu.memory_space<vmem>>, vector<1x16xf32>,
        %parallel_loop3A_321 = vector.shape_cast %parallel_loop3A_320 : vector<1x16xf32> to vector<16xf32>
        %parallel_loop3A_322 = vector.shape_cast %parallel_loop3A_317 : vector<16xf32> to vector<1x16xf32>
        tpu.vector_store %arg7[%parallel_loop3A_318, %parallel_loop3A_319], %parallel_loop3A_322 {strides = array<i32>} : memref<16x1024xf32, #tpu.memory_space<vmem>>, vector<1x16xf32>,
        %parallel_loop3A_323 = arith.index_cast %parallel_loop3A_154 : i32 to index
        %parallel_loop3A_324 = arith.constant 192 : index
        %parallel_loop3A_325 = tpu.vector_load %arg7[%parallel_loop3A_323, %parallel_loop3A_324] {strides = array<i32>} : memref<16x1024xf32, #tpu.memory_space<vmem>>, vector<1x16xf32>,
        %parallel_loop3A_326 = vector.shape_cast %parallel_loop3A_325 : vector<1x16xf32> to vector<16xf32>
        %parallel_loop3A_327 = arith.index_cast %parallel_loop3A_154 : i32 to index
        %parallel_loop3A_328 = arith.constant 192 : index
        %parallel_loop3A_329 = tpu.vector_load %arg9[%parallel_loop3A_327, %parallel_loop3A_328] {strides = array<i32>} : memref<16x1024xf32, #tpu.memory_space<vmem>>, vector<1x16xf32>,
        %parallel_loop3A_330 = vector.shape_cast %parallel_loop3A_329 : vector<1x16xf32> to vector<16xf32>
        %parallel_loop3A_331 = arith.addf %parallel_loop3A_326, %parallel_loop3A_330 : vector<16xf32>
        %parallel_loop3A_332 = arith.index_cast %parallel_loop3A_154 : i32 to index
        %parallel_loop3A_333 = arith.constant 192 : index
        %parallel_loop3A_334 = tpu.vector_load %arg7[%parallel_loop3A_332, %parallel_loop3A_333] {strides = array<i32>} : memref<16x1024xf32, #tpu.memory_space<vmem>>, vector<1x16xf32>,
        %parallel_loop3A_335 = vector.shape_cast %parallel_loop3A_334 : vector<1x16xf32> to vector<16xf32>
        %parallel_loop3A_336 = vector.shape_cast %parallel_loop3A_331 : vector<16xf32> to vector<1x16xf32>
        tpu.vector_store %arg7[%parallel_loop3A_332, %parallel_loop3A_333], %parallel_loop3A_336 {strides = array<i32>} : memref<16x1024xf32, #tpu.memory_space<vmem>>, vector<1x16xf32>,
        %parallel_loop3A_337 = arith.index_cast %parallel_loop3A_154 : i32 to index
        %parallel_loop3A_338 = arith.constant 208 : index
        %parallel_loop3A_339 = tpu.vector_load %arg7[%parallel_loop3A_337, %parallel_loop3A_338] {strides = array<i32>} : memref<16x1024xf32, #tpu.memory_space<vmem>>, vector<1x16xf32>,
        %parallel_loop3A_340 = vector.shape_cast %parallel_loop3A_339 : vector<1x16xf32> to vector<16xf32>
        %parallel_loop3A_341 = arith.index_cast %parallel_loop3A_154 : i32 to index
        %parallel_loop3A_342 = arith.constant 208 : index
        %parallel_loop3A_343 = tpu.vector_load %arg9[%parallel_loop3A_341, %parallel_loop3A_342] {strides = array<i32>} : memref<16x1024xf32, #tpu.memory_space<vmem>>, vector<1x16xf32>,
        %parallel_loop3A_344 = vector.shape_cast %parallel_loop3A_343 : vector<1x16xf32> to vector<16xf32>
        %parallel_loop3A_345 = arith.addf %parallel_loop3A_340, %parallel_loop3A_344 : vector<16xf32>
        %parallel_loop3A_346 = arith.index_cast %parallel_loop3A_154 : i32 to index
        %parallel_loop3A_347 = arith.constant 208 : index
        %parallel_loop3A_348 = tpu.vector_load %arg7[%parallel_loop3A_346, %parallel_loop3A_347] {strides = array<i32>} : memref<16x1024xf32, #tpu.memory_space<vmem>>, vector<1x16xf32>,
        %parallel_loop3A_349 = vector.shape_cast %parallel_loop3A_348 : vector<1x16xf32> to vector<16xf32>
        %parallel_loop3A_350 = vector.shape_cast %parallel_loop3A_345 : vector<16xf32> to vector<1x16xf32>
        tpu.vector_store %arg7[%parallel_loop3A_346, %parallel_loop3A_347], %parallel_loop3A_350 {strides = array<i32>} : memref<16x1024xf32, #tpu.memory_space<vmem>>, vector<1x16xf32>,
        %parallel_loop3A_351 = arith.index_cast %parallel_loop3A_154 : i32 to index
        %parallel_loop3A_352 = arith.constant 224 : index
        %parallel_loop3A_353 = tpu.vector_load %arg7[%parallel_loop3A_351, %parallel_loop3A_352] {strides = array<i32>} : memref<16x1024xf32, #tpu.memory_space<vmem>>, vector<1x16xf32>,
        %parallel_loop3A_354 = vector.shape_cast %parallel_loop3A_353 : vector<1x16xf32> to vector<16xf32>
        %parallel_loop3A_355 = arith.index_cast %parallel_loop3A_154 : i32 to index
        %parallel_loop3A_356 = arith.constant 224 : index
        %parallel_loop3A_357 = tpu.vector_load %arg9[%parallel_loop3A_355, %parallel_loop3A_356] {strides = array<i32>} : memref<16x1024xf32, #tpu.memory_space<vmem>>, vector<1x16xf32>,
        %parallel_loop3A_358 = vector.shape_cast %parallel_loop3A_357 : vector<1x16xf32> to vector<16xf32>
        %parallel_loop3A_359 = arith.addf %parallel_loop3A_354, %parallel_loop3A_358 : vector<16xf32>
        %parallel_loop3A_360 = arith.index_cast %parallel_loop3A_154 : i32 to index
        %parallel_loop3A_361 = arith.constant 224 : index
        %parallel_loop3A_362 = tpu.vector_load %arg7[%parallel_loop3A_360, %parallel_loop3A_361] {strides = array<i32>} : memref<16x1024xf32, #tpu.memory_space<vmem>>, vector<1x16xf32>,
        %parallel_loop3A_363 = vector.shape_cast %parallel_loop3A_362 : vector<1x16xf32> to vector<16xf32>
        %parallel_loop3A_364 = vector.shape_cast %parallel_loop3A_359 : vector<16xf32> to vector<1x16xf32>
        tpu.vector_store %arg7[%parallel_loop3A_360, %parallel_loop3A_361], %parallel_loop3A_364 {strides = array<i32>} : memref<16x1024xf32, #tpu.memory_space<vmem>>, vector<1x16xf32>,
        %parallel_loop3A_365 = arith.index_cast %parallel_loop3A_154 : i32 to index
        %parallel_loop3A_366 = arith.constant 240 : index
        %parallel_loop3A_367 = tpu.vector_load %arg7[%parallel_loop3A_365, %parallel_loop3A_366] {strides = array<i32>} : memref<16x1024xf32, #tpu.memory_space<vmem>>, vector<1x16xf32>,
        %parallel_loop3A_368 = vector.shape_cast %parallel_loop3A_367 : vector<1x16xf32> to vector<16xf32>
        %parallel_loop3A_369 = arith.index_cast %parallel_loop3A_154 : i32 to index
        %parallel_loop3A_370 = arith.constant 240 : index
        %parallel_loop3A_371 = tpu.vector_load %arg9[%parallel_loop3A_369, %parallel_loop3A_370] {strides = array<i32>} : memref<16x1024xf32, #tpu.memory_space<vmem>>, vector<1x16xf32>,
        %parallel_loop3A_372 = vector.shape_cast %parallel_loop3A_371 : vector<1x16xf32> to vector<16xf32>
        %parallel_loop3A_373 = arith.addf %parallel_loop3A_368, %parallel_loop3A_372 : vector<16xf32>
        %parallel_loop3A_374 = arith.index_cast %parallel_loop3A_154 : i32 to index
        %parallel_loop3A_375 = arith.constant 240 : index
        %parallel_loop3A_376 = tpu.vector_load %arg7[%parallel_loop3A_374, %parallel_loop3A_375] {strides = array<i32>} : memref<16x1024xf32, #tpu.memory_space<vmem>>, vector<1x16xf32>,
        %parallel_loop3A_377 = vector.shape_cast %parallel_loop3A_376 : vector<1x16xf32> to vector<16xf32>
        %parallel_loop3A_378 = vector.shape_cast %parallel_loop3A_373 : vector<16xf32> to vector<1x16xf32>
        tpu.vector_store %arg7[%parallel_loop3A_374, %parallel_loop3A_375], %parallel_loop3A_378 {strides = array<i32>} : memref<16x1024xf32, #tpu.memory_space<vmem>>, vector<1x16xf32>,
        %parallel_loop3A_379 = arith.index_cast %parallel_loop3A_154 : i32 to index
        %parallel_loop3A_380 = arith.constant 256 : index
        %parallel_loop3A_381 = tpu.vector_load %arg7[%parallel_loop3A_379, %parallel_loop3A_380] {strides = array<i32>} : memref<16x1024xf32, #tpu.memory_space<vmem>>, vector<1x16xf32>,
        %parallel_loop3A_382 = vector.shape_cast %parallel_loop3A_381 : vector<1x16xf32> to vector<16xf32>
        %parallel_loop3A_383 = arith.index_cast %parallel_loop3A_154 : i32 to index
        %parallel_loop3A_384 = arith.constant 256 : index
        %parallel_loop3A_385 = tpu.vector_load %arg9[%parallel_loop3A_383, %parallel_loop3A_384] {strides = array<i32>} : memref<16x1024xf32, #tpu.memory_space<vmem>>, vector<1x16xf32>,
        %parallel_loop3A_386 = vector.shape_cast %parallel_loop3A_385 : vector<1x16xf32> to vector<16xf32>
        %parallel_loop3A_387 = arith.addf %parallel_loop3A_382, %parallel_loop3A_386 : vector<16xf32>
        %parallel_loop3A_388 = arith.index_cast %parallel_loop3A_154 : i32 to index
        %parallel_loop3A_389 = arith.constant 256 : index
        %parallel_loop3A_390 = tpu.vector_load %arg7[%parallel_loop3A_388, %parallel_loop3A_389] {strides = array<i32>} : memref<16x1024xf32, #tpu.memory_space<vmem>>, vector<1x16xf32>,
        %parallel_loop3A_391 = vector.shape_cast %parallel_loop3A_390 : vector<1x16xf32> to vector<16xf32>
        %parallel_loop3A_392 = vector.shape_cast %parallel_loop3A_387 : vector<16xf32> to vector<1x16xf32>
        tpu.vector_store %arg7[%parallel_loop3A_388, %parallel_loop3A_389], %parallel_loop3A_392 {strides = array<i32>} : memref<16x1024xf32, #tpu.memory_space<vmem>>, vector<1x16xf32>,
        %parallel_loop3A_393 = arith.index_cast %parallel_loop3A_154 : i32 to index
        %parallel_loop3A_394 = arith.constant 272 : index
        %parallel_loop3A_395 = tpu.vector_load %arg7[%parallel_loop3A_393, %parallel_loop3A_394] {strides = array<i32>} : memref<16x1024xf32, #tpu.memory_space<vmem>>, vector<1x16xf32>,
        %parallel_loop3A_396 = vector.shape_cast %parallel_loop3A_395 : vector<1x16xf32> to vector<16xf32>
        %parallel_loop3A_397 = arith.index_cast %parallel_loop3A_154 : i32 to index
        %parallel_loop3A_398 = arith.constant 272 : index
        %parallel_loop3A_399 = tpu.vector_load %arg9[%parallel_loop3A_397, %parallel_loop3A_398] {strides = array<i32>} : memref<16x1024xf32, #tpu.memory_space<vmem>>, vector<1x16xf32>,
        %parallel_loop3A_400 = vector.shape_cast %parallel_loop3A_399 : vector<1x16xf32> to vector<16xf32>
        %parallel_loop3A_401 = arith.addf %parallel_loop3A_396, %parallel_loop3A_400 : vector<16xf32>
        %parallel_loop3A_402 = arith.index_cast %parallel_loop3A_154 : i32 to index
        %parallel_loop3A_403 = arith.constant 272 : index
        %parallel_loop3A_404 = tpu.vector_load %arg7[%parallel_loop3A_402, %parallel_loop3A_403] {strides = array<i32>} : memref<16x1024xf32, #tpu.memory_space<vmem>>, vector<1x16xf32>,
        %parallel_loop3A_405 = vector.shape_cast %parallel_loop3A_404 : vector<1x16xf32> to vector<16xf32>
        %parallel_loop3A_406 = vector.shape_cast %parallel_loop3A_401 : vector<16xf32> to vector<1x16xf32>
        tpu.vector_store %arg7[%parallel_loop3A_402, %parallel_loop3A_403], %parallel_loop3A_406 {strides = array<i32>} : memref<16x1024xf32, #tpu.memory_space<vmem>>, vector<1x16xf32>,
        %parallel_loop3A_407 = arith.index_cast %parallel_loop3A_154 : i32 to index
        %parallel_loop3A_408 = arith.constant 288 : index
        %parallel_loop3A_409 = tpu.vector_load %arg7[%parallel_loop3A_407, %parallel_loop3A_408] {strides = array<i32>} : memref<16x1024xf32, #tpu.memory_space<vmem>>, vector<1x16xf32>,
        %parallel_loop3A_410 = vector.shape_cast %parallel_loop3A_409 : vector<1x16xf32> to vector<16xf32>
        %parallel_loop3A_411 = arith.index_cast %parallel_loop3A_154 : i32 to index
        %parallel_loop3A_412 = arith.constant 288 : index
        %parallel_loop3A_413 = tpu.vector_load %arg9[%parallel_loop3A_411, %parallel_loop3A_412] {strides = array<i32>} : memref<16x1024xf32, #tpu.memory_space<vmem>>, vector<1x16xf32>,
        %parallel_loop3A_414 = vector.shape_cast %parallel_loop3A_413 : vector<1x16xf32> to vector<16xf32>
        %parallel_loop3A_415 = arith.addf %parallel_loop3A_410, %parallel_loop3A_414 : vector<16xf32>
        %parallel_loop3A_416 = arith.index_cast %parallel_loop3A_154 : i32 to index
        %parallel_loop3A_417 = arith.constant 288 : index
        %parallel_loop3A_418 = tpu.vector_load %arg7[%parallel_loop3A_416, %parallel_loop3A_417] {strides = array<i32>} : memref<16x1024xf32, #tpu.memory_space<vmem>>, vector<1x16xf32>,
        %parallel_loop3A_419 = vector.shape_cast %parallel_loop3A_418 : vector<1x16xf32> to vector<16xf32>
        %parallel_loop3A_420 = vector.shape_cast %parallel_loop3A_415 : vector<16xf32> to vector<1x16xf32>
        tpu.vector_store %arg7[%parallel_loop3A_416, %parallel_loop3A_417], %parallel_loop3A_420 {strides = array<i32>} : memref<16x1024xf32, #tpu.memory_space<vmem>>, vector<1x16xf32>,
        %parallel_loop3A_421 = arith.index_cast %parallel_loop3A_154 : i32 to index
        %parallel_loop3A_422 = arith.constant 304 : index
        %parallel_loop3A_423 = tpu.vector_load %arg7[%parallel_loop3A_421, %parallel_loop3A_422] {strides = array<i32>} : memref<16x1024xf32, #tpu.memory_space<vmem>>, vector<1x16xf32>,
        %parallel_loop3A_424 = vector.shape_cast %parallel_loop3A_423 : vector<1x16xf32> to vector<16xf32>
        %parallel_loop3A_425 = arith.index_cast %parallel_loop3A_154 : i32 to index
        %parallel_loop3A_426 = arith.constant 304 : index
        %parallel_loop3A_427 = tpu.vector_load %arg9[%parallel_loop3A_425, %parallel_loop3A_426] {strides = array<i32>} : memref<16x1024xf32, #tpu.memory_space<vmem>>, vector<1x16xf32>,
        %parallel_loop3A_428 = vector.shape_cast %parallel_loop3A_427 : vector<1x16xf32> to vector<16xf32>
        %parallel_loop3A_429 = arith.addf %parallel_loop3A_424, %parallel_loop3A_428 : vector<16xf32>
        %parallel_loop3A_430 = arith.index_cast %parallel_loop3A_154 : i32 to index
        %parallel_loop3A_431 = arith.constant 304 : index
        %parallel_loop3A_432 = tpu.vector_load %arg7[%parallel_loop3A_430, %parallel_loop3A_431] {strides = array<i32>} : memref<16x1024xf32, #tpu.memory_space<vmem>>, vector<1x16xf32>,
        %parallel_loop3A_433 = vector.shape_cast %parallel_loop3A_432 : vector<1x16xf32> to vector<16xf32>
        %parallel_loop3A_434 = vector.shape_cast %parallel_loop3A_429 : vector<16xf32> to vector<1x16xf32>
        tpu.vector_store %arg7[%parallel_loop3A_430, %parallel_loop3A_431], %parallel_loop3A_434 {strides = array<i32>} : memref<16x1024xf32, #tpu.memory_space<vmem>>, vector<1x16xf32>,
        %parallel_loop3A_435 = arith.index_cast %parallel_loop3A_154 : i32 to index
        %parallel_loop3A_436 = arith.constant 320 : index
        %parallel_loop3A_437 = tpu.vector_load %arg7[%parallel_loop3A_435, %parallel_loop3A_436] {strides = array<i32>} : memref<16x1024xf32, #tpu.memory_space<vmem>>, vector<1x16xf32>,
        %parallel_loop3A_438 = vector.shape_cast %parallel_loop3A_437 : vector<1x16xf32> to vector<16xf32>
        %parallel_loop3A_439 = arith.index_cast %parallel_loop3A_154 : i32 to index
        %parallel_loop3A_440 = arith.constant 320 : index
        %parallel_loop3A_441 = tpu.vector_load %arg9[%parallel_loop3A_439, %parallel_loop3A_440] {strides = array<i32>} : memref<16x1024xf32, #tpu.memory_space<vmem>>, vector<1x16xf32>,
        %parallel_loop3A_442 = vector.shape_cast %parallel_loop3A_441 : vector<1x16xf32> to vector<16xf32>
        %parallel_loop3A_443 = arith.addf %parallel_loop3A_438, %parallel_loop3A_442 : vector<16xf32>
        %parallel_loop3A_444 = arith.index_cast %parallel_loop3A_154 : i32 to index
        %parallel_loop3A_445 = arith.constant 320 : index
        %parallel_loop3A_446 = tpu.vector_load %arg7[%parallel_loop3A_444, %parallel_loop3A_445] {strides = array<i32>} : memref<16x1024xf32, #tpu.memory_space<vmem>>, vector<1x16xf32>,
        %parallel_loop3A_447 = vector.shape_cast %parallel_loop3A_446 : vector<1x16xf32> to vector<16xf32>
        %parallel_loop3A_448 = vector.shape_cast %parallel_loop3A_443 : vector<16xf32> to vector<1x16xf32>
        tpu.vector_store %arg7[%parallel_loop3A_444, %parallel_loop3A_445], %parallel_loop3A_448 {strides = array<i32>} : memref<16x1024xf32, #tpu.memory_space<vmem>>, vector<1x16xf32>,
        %parallel_loop3A_449 = arith.index_cast %parallel_loop3A_154 : i32 to index
        %parallel_loop3A_450 = arith.constant 336 : index
        %parallel_loop3A_451 = tpu.vector_load %arg7[%parallel_loop3A_449, %parallel_loop3A_450] {strides = array<i32>} : memref<16x1024xf32, #tpu.memory_space<vmem>>, vector<1x16xf32>,
        %parallel_loop3A_452 = vector.shape_cast %parallel_loop3A_451 : vector<1x16xf32> to vector<16xf32>
        %parallel_loop3A_453 = arith.index_cast %parallel_loop3A_154 : i32 to index
        %parallel_loop3A_454 = arith.constant 336 : index
        %parallel_loop3A_455 = tpu.vector_load %arg9[%parallel_loop3A_453, %parallel_loop3A_454] {strides = array<i32>} : memref<16x1024xf32, #tpu.memory_space<vmem>>, vector<1x16xf32>,
        %parallel_loop3A_456 = vector.shape_cast %parallel_loop3A_455 : vector<1x16xf32> to vector<16xf32>
        %parallel_loop3A_457 = arith.addf %parallel_loop3A_452, %parallel_loop3A_456 : vector<16xf32>
        %parallel_loop3A_458 = arith.index_cast %parallel_loop3A_154 : i32 to index
        %parallel_loop3A_459 = arith.constant 336 : index
        %parallel_loop3A_460 = tpu.vector_load %arg7[%parallel_loop3A_458, %parallel_loop3A_459] {strides = array<i32>} : memref<16x1024xf32, #tpu.memory_space<vmem>>, vector<1x16xf32>,
        %parallel_loop3A_461 = vector.shape_cast %parallel_loop3A_460 : vector<1x16xf32> to vector<16xf32>
        %parallel_loop3A_462 = vector.shape_cast %parallel_loop3A_457 : vector<16xf32> to vector<1x16xf32>
        tpu.vector_store %arg7[%parallel_loop3A_458, %parallel_loop3A_459], %parallel_loop3A_462 {strides = array<i32>} : memref<16x1024xf32, #tpu.memory_space<vmem>>, vector<1x16xf32>,
        %parallel_loop3A_463 = arith.index_cast %parallel_loop3A_154 : i32 to index
        %parallel_loop3A_464 = arith.constant 352 : index
        %parallel_loop3A_465 = tpu.vector_load %arg7[%parallel_loop3A_463, %parallel_loop3A_464] {strides = array<i32>} : memref<16x1024xf32, #tpu.memory_space<vmem>>, vector<1x16xf32>,
        %parallel_loop3A_466 = vector.shape_cast %parallel_loop3A_465 : vector<1x16xf32> to vector<16xf32>
        %parallel_loop3A_467 = arith.index_cast %parallel_loop3A_154 : i32 to index
        %parallel_loop3A_468 = arith.constant 352 : index
        %parallel_loop3A_469 = tpu.vector_load %arg9[%parallel_loop3A_467, %parallel_loop3A_468] {strides = array<i32>} : memref<16x1024xf32, #tpu.memory_space<vmem>>, vector<1x16xf32>,
        %parallel_loop3A_470 = vector.shape_cast %parallel_loop3A_469 : vector<1x16xf32> to vector<16xf32>
        %parallel_loop3A_471 = arith.addf %parallel_loop3A_466, %parallel_loop3A_470 : vector<16xf32>
        %parallel_loop3A_472 = arith.index_cast %parallel_loop3A_154 : i32 to index
        %parallel_loop3A_473 = arith.constant 352 : index
        %parallel_loop3A_474 = tpu.vector_load %arg7[%parallel_loop3A_472, %parallel_loop3A_473] {strides = array<i32>} : memref<16x1024xf32, #tpu.memory_space<vmem>>, vector<1x16xf32>,
        %parallel_loop3A_475 = vector.shape_cast %parallel_loop3A_474 : vector<1x16xf32> to vector<16xf32>
        %parallel_loop3A_476 = vector.shape_cast %parallel_loop3A_471 : vector<16xf32> to vector<1x16xf32>
        tpu.vector_store %arg7[%parallel_loop3A_472, %parallel_loop3A_473], %parallel_loop3A_476 {strides = array<i32>} : memref<16x1024xf32, #tpu.memory_space<vmem>>, vector<1x16xf32>,
        %parallel_loop3A_477 = arith.index_cast %parallel_loop3A_154 : i32 to index
        %parallel_loop3A_478 = arith.constant 368 : index
        %parallel_loop3A_479 = tpu.vector_load %arg7[%parallel_loop3A_477, %parallel_loop3A_478] {strides = array<i32>} : memref<16x1024xf32, #tpu.memory_space<vmem>>, vector<1x16xf32>,
        %parallel_loop3A_480 = vector.shape_cast %parallel_loop3A_479 : vector<1x16xf32> to vector<16xf32>
        %parallel_loop3A_481 = arith.index_cast %parallel_loop3A_154 : i32 to index
        %parallel_loop3A_482 = arith.constant 368 : index
        %parallel_loop3A_483 = tpu.vector_load %arg9[%parallel_loop3A_481, %parallel_loop3A_482] {strides = array<i32>} : memref<16x1024xf32, #tpu.memory_space<vmem>>, vector<1x16xf32>,
        %parallel_loop3A_484 = vector.shape_cast %parallel_loop3A_483 : vector<1x16xf32> to vector<16xf32>
        %parallel_loop3A_485 = arith.addf %parallel_loop3A_480, %parallel_loop3A_484 : vector<16xf32>
        %parallel_loop3A_486 = arith.index_cast %parallel_loop3A_154 : i32 to index
        %parallel_loop3A_487 = arith.constant 368 : index
        %parallel_loop3A_488 = tpu.vector_load %arg7[%parallel_loop3A_486, %parallel_loop3A_487] {strides = array<i32>} : memref<16x1024xf32, #tpu.memory_space<vmem>>, vector<1x16xf32>,
        %parallel_loop3A_489 = vector.shape_cast %parallel_loop3A_488 : vector<1x16xf32> to vector<16xf32>
        %parallel_loop3A_490 = vector.shape_cast %parallel_loop3A_485 : vector<16xf32> to vector<1x16xf32>
        tpu.vector_store %arg7[%parallel_loop3A_486, %parallel_loop3A_487], %parallel_loop3A_490 {strides = array<i32>} : memref<16x1024xf32, #tpu.memory_space<vmem>>, vector<1x16xf32>,
        %parallel_loop3A_491 = arith.index_cast %parallel_loop3A_154 : i32 to index
        %parallel_loop3A_492 = arith.constant 384 : index
        %parallel_loop3A_493 = tpu.vector_load %arg7[%parallel_loop3A_491, %parallel_loop3A_492] {strides = array<i32>} : memref<16x1024xf32, #tpu.memory_space<vmem>>, vector<1x16xf32>,
        %parallel_loop3A_494 = vector.shape_cast %parallel_loop3A_493 : vector<1x16xf32> to vector<16xf32>
        %parallel_loop3A_495 = arith.index_cast %parallel_loop3A_154 : i32 to index
        %parallel_loop3A_496 = arith.constant 384 : index
        %parallel_loop3A_497 = tpu.vector_load %arg9[%parallel_loop3A_495, %parallel_loop3A_496] {strides = array<i32>} : memref<16x1024xf32, #tpu.memory_space<vmem>>, vector<1x16xf32>,
        %parallel_loop3A_498 = vector.shape_cast %parallel_loop3A_497 : vector<1x16xf32> to vector<16xf32>
        %parallel_loop3A_499 = arith.addf %parallel_loop3A_494, %parallel_loop3A_498 : vector<16xf32>
        %parallel_loop3A_500 = arith.index_cast %parallel_loop3A_154 : i32 to index
        %parallel_loop3A_501 = arith.constant 384 : index
        %parallel_loop3A_502 = tpu.vector_load %arg7[%parallel_loop3A_500, %parallel_loop3A_501] {strides = array<i32>} : memref<16x1024xf32, #tpu.memory_space<vmem>>, vector<1x16xf32>,
        %parallel_loop3A_503 = vector.shape_cast %parallel_loop3A_502 : vector<1x16xf32> to vector<16xf32>
        %parallel_loop3A_504 = vector.shape_cast %parallel_loop3A_499 : vector<16xf32> to vector<1x16xf32>
        tpu.vector_store %arg7[%parallel_loop3A_500, %parallel_loop3A_501], %parallel_loop3A_504 {strides = array<i32>} : memref<16x1024xf32, #tpu.memory_space<vmem>>, vector<1x16xf32>,
        %parallel_loop3A_505 = arith.index_cast %parallel_loop3A_154 : i32 to index
        %parallel_loop3A_506 = arith.constant 400 : index
        %parallel_loop3A_507 = tpu.vector_load %arg7[%parallel_loop3A_505, %parallel_loop3A_506] {strides = array<i32>} : memref<16x1024xf32, #tpu.memory_space<vmem>>, vector<1x16xf32>,
        %parallel_loop3A_508 = vector.shape_cast %parallel_loop3A_507 : vector<1x16xf32> to vector<16xf32>
        %parallel_loop3A_509 = arith.index_cast %parallel_loop3A_154 : i32 to index
        %parallel_loop3A_510 = arith.constant 400 : index
        %parallel_loop3A_511 = tpu.vector_load %arg9[%parallel_loop3A_509, %parallel_loop3A_510] {strides = array<i32>} : memref<16x1024xf32, #tpu.memory_space<vmem>>, vector<1x16xf32>,
        %parallel_loop3A_512 = vector.shape_cast %parallel_loop3A_511 : vector<1x16xf32> to vector<16xf32>
        %parallel_loop3A_513 = arith.addf %parallel_loop3A_508, %parallel_loop3A_512 : vector<16xf32>
        %parallel_loop3A_514 = arith.index_cast %parallel_loop3A_154 : i32 to index
        %parallel_loop3A_515 = arith.constant 400 : index
        %parallel_loop3A_516 = tpu.vector_load %arg7[%parallel_loop3A_514, %parallel_loop3A_515] {strides = array<i32>} : memref<16x1024xf32, #tpu.memory_space<vmem>>, vector<1x16xf32>,
        %parallel_loop3A_517 = vector.shape_cast %parallel_loop3A_516 : vector<1x16xf32> to vector<16xf32>
        %parallel_loop3A_518 = vector.shape_cast %parallel_loop3A_513 : vector<16xf32> to vector<1x16xf32>
        tpu.vector_store %arg7[%parallel_loop3A_514, %parallel_loop3A_515], %parallel_loop3A_518 {strides = array<i32>} : memref<16x1024xf32, #tpu.memory_space<vmem>>, vector<1x16xf32>,
        %parallel_loop3A_519 = arith.index_cast %parallel_loop3A_154 : i32 to index
        %parallel_loop3A_520 = arith.constant 416 : index
        %parallel_loop3A_521 = tpu.vector_load %arg7[%parallel_loop3A_519, %parallel_loop3A_520] {strides = array<i32>} : memref<16x1024xf32, #tpu.memory_space<vmem>>, vector<1x16xf32>,
        %parallel_loop3A_522 = vector.shape_cast %parallel_loop3A_521 : vector<1x16xf32> to vector<16xf32>
        %parallel_loop3A_523 = arith.index_cast %parallel_loop3A_154 : i32 to index
        %parallel_loop3A_524 = arith.constant 416 : index
        %parallel_loop3A_525 = tpu.vector_load %arg9[%parallel_loop3A_523, %parallel_loop3A_524] {strides = array<i32>} : memref<16x1024xf32, #tpu.memory_space<vmem>>, vector<1x16xf32>,
        %parallel_loop3A_526 = vector.shape_cast %parallel_loop3A_525 : vector<1x16xf32> to vector<16xf32>
        %parallel_loop3A_527 = arith.addf %parallel_loop3A_522, %parallel_loop3A_526 : vector<16xf32>
        %parallel_loop3A_528 = arith.index_cast %parallel_loop3A_154 : i32 to index
        %parallel_loop3A_529 = arith.constant 416 : index
        %parallel_loop3A_530 = tpu.vector_load %arg7[%parallel_loop3A_528, %parallel_loop3A_529] {strides = array<i32>} : memref<16x1024xf32, #tpu.memory_space<vmem>>, vector<1x16xf32>,
        %parallel_loop3A_531 = vector.shape_cast %parallel_loop3A_530 : vector<1x16xf32> to vector<16xf32>
        %parallel_loop3A_532 = vector.shape_cast %parallel_loop3A_527 : vector<16xf32> to vector<1x16xf32>
        tpu.vector_store %arg7[%parallel_loop3A_528, %parallel_loop3A_529], %parallel_loop3A_532 {strides = array<i32>} : memref<16x1024xf32, #tpu.memory_space<vmem>>, vector<1x16xf32>,
        %parallel_loop3A_533 = arith.index_cast %parallel_loop3A_154 : i32 to index
        %parallel_loop3A_534 = arith.constant 432 : index
        %parallel_loop3A_535 = tpu.vector_load %arg7[%parallel_loop3A_533, %parallel_loop3A_534] {strides = array<i32>} : memref<16x1024xf32, #tpu.memory_space<vmem>>, vector<1x16xf32>,
        %parallel_loop3A_536 = vector.shape_cast %parallel_loop3A_535 : vector<1x16xf32> to vector<16xf32>
        %parallel_loop3A_537 = arith.index_cast %parallel_loop3A_154 : i32 to index
        %parallel_loop3A_538 = arith.constant 432 : index
        %parallel_loop3A_539 = tpu.vector_load %arg9[%parallel_loop3A_537, %parallel_loop3A_538] {strides = array<i32>} : memref<16x1024xf32, #tpu.memory_space<vmem>>, vector<1x16xf32>,
        %parallel_loop3A_540 = vector.shape_cast %parallel_loop3A_539 : vector<1x16xf32> to vector<16xf32>
        %parallel_loop3A_541 = arith.addf %parallel_loop3A_536, %parallel_loop3A_540 : vector<16xf32>
        %parallel_loop3A_542 = arith.index_cast %parallel_loop3A_154 : i32 to index
        %parallel_loop3A_543 = arith.constant 432 : index
        %parallel_loop3A_544 = tpu.vector_load %arg7[%parallel_loop3A_542, %parallel_loop3A_543] {strides = array<i32>} : memref<16x1024xf32, #tpu.memory_space<vmem>>, vector<1x16xf32>,
        %parallel_loop3A_545 = vector.shape_cast %parallel_loop3A_544 : vector<1x16xf32> to vector<16xf32>
        %parallel_loop3A_546 = vector.shape_cast %parallel_loop3A_541 : vector<16xf32> to vector<1x16xf32>
        tpu.vector_store %arg7[%parallel_loop3A_542, %parallel_loop3A_543], %parallel_loop3A_546 {strides = array<i32>} : memref<16x1024xf32, #tpu.memory_space<vmem>>, vector<1x16xf32>,
        %parallel_loop3A_547 = arith.index_cast %parallel_loop3A_154 : i32 to index
        %parallel_loop3A_548 = arith.constant 448 : index
        %parallel_loop3A_549 = tpu.vector_load %arg7[%parallel_loop3A_547, %parallel_loop3A_548] {strides = array<i32>} : memref<16x1024xf32, #tpu.memory_space<vmem>>, vector<1x16xf32>,
        %parallel_loop3A_550 = vector.shape_cast %parallel_loop3A_549 : vector<1x16xf32> to vector<16xf32>
        %parallel_loop3A_551 = arith.index_cast %parallel_loop3A_154 : i32 to index
        %parallel_loop3A_552 = arith.constant 448 : index
        %parallel_loop3A_553 = tpu.vector_load %arg9[%parallel_loop3A_551, %parallel_loop3A_552] {strides = array<i32>} : memref<16x1024xf32, #tpu.memory_space<vmem>>, vector<1x16xf32>,
        %parallel_loop3A_554 = vector.shape_cast %parallel_loop3A_553 : vector<1x16xf32> to vector<16xf32>
        %parallel_loop3A_555 = arith.addf %parallel_loop3A_550, %parallel_loop3A_554 : vector<16xf32>
        %parallel_loop3A_556 = arith.index_cast %parallel_loop3A_154 : i32 to index
        %parallel_loop3A_557 = arith.constant 448 : index
        %parallel_loop3A_558 = tpu.vector_load %arg7[%parallel_loop3A_556, %parallel_loop3A_557] {strides = array<i32>} : memref<16x1024xf32, #tpu.memory_space<vmem>>, vector<1x16xf32>,
        %parallel_loop3A_559 = vector.shape_cast %parallel_loop3A_558 : vector<1x16xf32> to vector<16xf32>
        %parallel_loop3A_560 = vector.shape_cast %parallel_loop3A_555 : vector<16xf32> to vector<1x16xf32>
        tpu.vector_store %arg7[%parallel_loop3A_556, %parallel_loop3A_557], %parallel_loop3A_560 {strides = array<i32>} : memref<16x1024xf32, #tpu.memory_space<vmem>>, vector<1x16xf32>,
        %parallel_loop3A_561 = arith.index_cast %parallel_loop3A_154 : i32 to index
        %parallel_loop3A_562 = arith.constant 464 : index
        %parallel_loop3A_563 = tpu.vector_load %arg7[%parallel_loop3A_561, %parallel_loop3A_562] {strides = array<i32>} : memref<16x1024xf32, #tpu.memory_space<vmem>>, vector<1x16xf32>,
        %parallel_loop3A_564 = vector.shape_cast %parallel_loop3A_563 : vector<1x16xf32> to vector<16xf32>
        %parallel_loop3A_565 = arith.index_cast %parallel_loop3A_154 : i32 to index
        %parallel_loop3A_566 = arith.constant 464 : index
        %parallel_loop3A_567 = tpu.vector_load %arg9[%parallel_loop3A_565, %parallel_loop3A_566] {strides = array<i32>} : memref<16x1024xf32, #tpu.memory_space<vmem>>, vector<1x16xf32>,
        %parallel_loop3A_568 = vector.shape_cast %parallel_loop3A_567 : vector<1x16xf32> to vector<16xf32>
        %parallel_loop3A_569 = arith.addf %parallel_loop3A_564, %parallel_loop3A_568 : vector<16xf32>
        %parallel_loop3A_570 = arith.index_cast %parallel_loop3A_154 : i32 to index
        %parallel_loop3A_571 = arith.constant 464 : index
        %parallel_loop3A_572 = tpu.vector_load %arg7[%parallel_loop3A_570, %parallel_loop3A_571] {strides = array<i32>} : memref<16x1024xf32, #tpu.memory_space<vmem>>, vector<1x16xf32>,
        %parallel_loop3A_573 = vector.shape_cast %parallel_loop3A_572 : vector<1x16xf32> to vector<16xf32>
        %parallel_loop3A_574 = vector.shape_cast %parallel_loop3A_569 : vector<16xf32> to vector<1x16xf32>
        tpu.vector_store %arg7[%parallel_loop3A_570, %parallel_loop3A_571], %parallel_loop3A_574 {strides = array<i32>} : memref<16x1024xf32, #tpu.memory_space<vmem>>, vector<1x16xf32>,
        %parallel_loop3A_575 = arith.index_cast %parallel_loop3A_154 : i32 to index
        %parallel_loop3A_576 = arith.constant 480 : index
        %parallel_loop3A_577 = tpu.vector_load %arg7[%parallel_loop3A_575, %parallel_loop3A_576] {strides = array<i32>} : memref<16x1024xf32, #tpu.memory_space<vmem>>, vector<1x16xf32>,
        %parallel_loop3A_578 = vector.shape_cast %parallel_loop3A_577 : vector<1x16xf32> to vector<16xf32>
        %parallel_loop3A_579 = arith.index_cast %parallel_loop3A_154 : i32 to index
        %parallel_loop3A_580 = arith.constant 480 : index
        %parallel_loop3A_581 = tpu.vector_load %arg9[%parallel_loop3A_579, %parallel_loop3A_580] {strides = array<i32>} : memref<16x1024xf32, #tpu.memory_space<vmem>>, vector<1x16xf32>,
        %parallel_loop3A_582 = vector.shape_cast %parallel_loop3A_581 : vector<1x16xf32> to vector<16xf32>
        %parallel_loop3A_583 = arith.addf %parallel_loop3A_578, %parallel_loop3A_582 : vector<16xf32>
        %parallel_loop3A_584 = arith.index_cast %parallel_loop3A_154 : i32 to index
        %parallel_loop3A_585 = arith.constant 480 : index
        %parallel_loop3A_586 = tpu.vector_load %arg7[%parallel_loop3A_584, %parallel_loop3A_585] {strides = array<i32>} : memref<16x1024xf32, #tpu.memory_space<vmem>>, vector<1x16xf32>,
        %parallel_loop3A_587 = vector.shape_cast %parallel_loop3A_586 : vector<1x16xf32> to vector<16xf32>
        %parallel_loop3A_588 = vector.shape_cast %parallel_loop3A_583 : vector<16xf32> to vector<1x16xf32>
        tpu.vector_store %arg7[%parallel_loop3A_584, %parallel_loop3A_585], %parallel_loop3A_588 {strides = array<i32>} : memref<16x1024xf32, #tpu.memory_space<vmem>>, vector<1x16xf32>,
        %parallel_loop3A_589 = arith.index_cast %parallel_loop3A_154 : i32 to index
        %parallel_loop3A_590 = arith.constant 496 : index
        %parallel_loop3A_591 = tpu.vector_load %arg7[%parallel_loop3A_589, %parallel_loop3A_590] {strides = array<i32>} : memref<16x1024xf32, #tpu.memory_space<vmem>>, vector<1x16xf32>,
        %parallel_loop3A_592 = vector.shape_cast %parallel_loop3A_591 : vector<1x16xf32> to vector<16xf32>
        %parallel_loop3A_593 = arith.index_cast %parallel_loop3A_154 : i32 to index
        %parallel_loop3A_594 = arith.constant 496 : index
        %parallel_loop3A_595 = tpu.vector_load %arg9[%parallel_loop3A_593, %parallel_loop3A_594] {strides = array<i32>} : memref<16x1024xf32, #tpu.memory_space<vmem>>, vector<1x16xf32>,
        %parallel_loop3A_596 = vector.shape_cast %parallel_loop3A_595 : vector<1x16xf32> to vector<16xf32>
        %parallel_loop3A_597 = arith.addf %parallel_loop3A_592, %parallel_loop3A_596 : vector<16xf32>
        %parallel_loop3A_598 = arith.index_cast %parallel_loop3A_154 : i32 to index
        %parallel_loop3A_599 = arith.constant 496 : index
        %parallel_loop3A_600 = tpu.vector_load %arg7[%parallel_loop3A_598, %parallel_loop3A_599] {strides = array<i32>} : memref<16x1024xf32, #tpu.memory_space<vmem>>, vector<1x16xf32>,
        %parallel_loop3A_601 = vector.shape_cast %parallel_loop3A_600 : vector<1x16xf32> to vector<16xf32>
        %parallel_loop3A_602 = vector.shape_cast %parallel_loop3A_597 : vector<16xf32> to vector<1x16xf32>
        tpu.vector_store %arg7[%parallel_loop3A_598, %parallel_loop3A_599], %parallel_loop3A_602 {strides = array<i32>} : memref<16x1024xf32, #tpu.memory_space<vmem>>, vector<1x16xf32>,
        %parallel_loop3A_603 = arith.index_cast %parallel_loop3A_154 : i32 to index
        %parallel_loop3A_604 = arith.constant 512 : index
        %parallel_loop3A_605 = tpu.vector_load %arg7[%parallel_loop3A_603, %parallel_loop3A_604] {strides = array<i32>} : memref<16x1024xf32, #tpu.memory_space<vmem>>, vector<1x16xf32>,
        %parallel_loop3A_606 = vector.shape_cast %parallel_loop3A_605 : vector<1x16xf32> to vector<16xf32>
        %parallel_loop3A_607 = arith.index_cast %parallel_loop3A_154 : i32 to index
        %parallel_loop3A_608 = arith.constant 512 : index
        %parallel_loop3A_609 = tpu.vector_load %arg9[%parallel_loop3A_607, %parallel_loop3A_608] {strides = array<i32>} : memref<16x1024xf32, #tpu.memory_space<vmem>>, vector<1x16xf32>,
        %parallel_loop3A_610 = vector.shape_cast %parallel_loop3A_609 : vector<1x16xf32> to vector<16xf32>
        %parallel_loop3A_611 = arith.addf %parallel_loop3A_606, %parallel_loop3A_610 : vector<16xf32>
        %parallel_loop3A_612 = arith.index_cast %parallel_loop3A_154 : i32 to index
        %parallel_loop3A_613 = arith.constant 512 : index
        %parallel_loop3A_614 = tpu.vector_load %arg7[%parallel_loop3A_612, %parallel_loop3A_613] {strides = array<i32>} : memref<16x1024xf32, #tpu.memory_space<vmem>>, vector<1x16xf32>,
        %parallel_loop3A_615 = vector.shape_cast %parallel_loop3A_614 : vector<1x16xf32> to vector<16xf32>
        %parallel_loop3A_616 = vector.shape_cast %parallel_loop3A_611 : vector<16xf32> to vector<1x16xf32>
        tpu.vector_store %arg7[%parallel_loop3A_612, %parallel_loop3A_613], %parallel_loop3A_616 {strides = array<i32>} : memref<16x1024xf32, #tpu.memory_space<vmem>>, vector<1x16xf32>,
        %parallel_loop3A_617 = arith.index_cast %parallel_loop3A_154 : i32 to index
        %parallel_loop3A_618 = arith.constant 528 : index
        %parallel_loop3A_619 = tpu.vector_load %arg7[%parallel_loop3A_617, %parallel_loop3A_618] {strides = array<i32>} : memref<16x1024xf32, #tpu.memory_space<vmem>>, vector<1x16xf32>,
        %parallel_loop3A_620 = vector.shape_cast %parallel_loop3A_619 : vector<1x16xf32> to vector<16xf32>
        %parallel_loop3A_621 = arith.index_cast %parallel_loop3A_154 : i32 to index
        %parallel_loop3A_622 = arith.constant 528 : index
        %parallel_loop3A_623 = tpu.vector_load %arg9[%parallel_loop3A_621, %parallel_loop3A_622] {strides = array<i32>} : memref<16x1024xf32, #tpu.memory_space<vmem>>, vector<1x16xf32>,
        %parallel_loop3A_624 = vector.shape_cast %parallel_loop3A_623 : vector<1x16xf32> to vector<16xf32>
        %parallel_loop3A_625 = arith.addf %parallel_loop3A_620, %parallel_loop3A_624 : vector<16xf32>
        %parallel_loop3A_626 = arith.index_cast %parallel_loop3A_154 : i32 to index
        %parallel_loop3A_627 = arith.constant 528 : index
        %parallel_loop3A_628 = tpu.vector_load %arg7[%parallel_loop3A_626, %parallel_loop3A_627] {strides = array<i32>} : memref<16x1024xf32, #tpu.memory_space<vmem>>, vector<1x16xf32>,
        %parallel_loop3A_629 = vector.shape_cast %parallel_loop3A_628 : vector<1x16xf32> to vector<16xf32>
        %parallel_loop3A_630 = vector.shape_cast %parallel_loop3A_625 : vector<16xf32> to vector<1x16xf32>
        tpu.vector_store %arg7[%parallel_loop3A_626, %parallel_loop3A_627], %parallel_loop3A_630 {strides = array<i32>} : memref<16x1024xf32, #tpu.memory_space<vmem>>, vector<1x16xf32>,
        %parallel_loop3A_631 = arith.index_cast %parallel_loop3A_154 : i32 to index
        %parallel_loop3A_632 = arith.constant 544 : index
        %parallel_loop3A_633 = tpu.vector_load %arg7[%parallel_loop3A_631, %parallel_loop3A_632] {strides = array<i32>} : memref<16x1024xf32, #tpu.memory_space<vmem>>, vector<1x16xf32>,
        %parallel_loop3A_634 = vector.shape_cast %parallel_loop3A_633 : vector<1x16xf32> to vector<16xf32>
        %parallel_loop3A_635 = arith.index_cast %parallel_loop3A_154 : i32 to index
        %parallel_loop3A_636 = arith.constant 544 : index
        %parallel_loop3A_637 = tpu.vector_load %arg9[%parallel_loop3A_635, %parallel_loop3A_636] {strides = array<i32>} : memref<16x1024xf32, #tpu.memory_space<vmem>>, vector<1x16xf32>,
        %parallel_loop3A_638 = vector.shape_cast %parallel_loop3A_637 : vector<1x16xf32> to vector<16xf32>
        %parallel_loop3A_639 = arith.addf %parallel_loop3A_634, %parallel_loop3A_638 : vector<16xf32>
        %parallel_loop3A_640 = arith.index_cast %parallel_loop3A_154 : i32 to index
        %parallel_loop3A_641 = arith.constant 544 : index
        %parallel_loop3A_642 = tpu.vector_load %arg7[%parallel_loop3A_640, %parallel_loop3A_641] {strides = array<i32>} : memref<16x1024xf32, #tpu.memory_space<vmem>>, vector<1x16xf32>,
        %parallel_loop3A_643 = vector.shape_cast %parallel_loop3A_642 : vector<1x16xf32> to vector<16xf32>
        %parallel_loop3A_644 = vector.shape_cast %parallel_loop3A_639 : vector<16xf32> to vector<1x16xf32>
        tpu.vector_store %arg7[%parallel_loop3A_640, %parallel_loop3A_641], %parallel_loop3A_644 {strides = array<i32>} : memref<16x1024xf32, #tpu.memory_space<vmem>>, vector<1x16xf32>,
        %parallel_loop3A_645 = arith.index_cast %parallel_loop3A_154 : i32 to index
        %parallel_loop3A_646 = arith.constant 560 : index
        %parallel_loop3A_647 = tpu.vector_load %arg7[%parallel_loop3A_645, %parallel_loop3A_646] {strides = array<i32>} : memref<16x1024xf32, #tpu.memory_space<vmem>>, vector<1x16xf32>,
        %parallel_loop3A_648 = vector.shape_cast %parallel_loop3A_647 : vector<1x16xf32> to vector<16xf32>
        %parallel_loop3A_649 = arith.index_cast %parallel_loop3A_154 : i32 to index
        %parallel_loop3A_650 = arith.constant 560 : index
        %parallel_loop3A_651 = tpu.vector_load %arg9[%parallel_loop3A_649, %parallel_loop3A_650] {strides = array<i32>} : memref<16x1024xf32, #tpu.memory_space<vmem>>, vector<1x16xf32>,
        %parallel_loop3A_652 = vector.shape_cast %parallel_loop3A_651 : vector<1x16xf32> to vector<16xf32>
        %parallel_loop3A_653 = arith.addf %parallel_loop3A_648, %parallel_loop3A_652 : vector<16xf32>
        %parallel_loop3A_654 = arith.index_cast %parallel_loop3A_154 : i32 to index
        %parallel_loop3A_655 = arith.constant 560 : index
        %parallel_loop3A_656 = tpu.vector_load %arg7[%parallel_loop3A_654, %parallel_loop3A_655] {strides = array<i32>} : memref<16x1024xf32, #tpu.memory_space<vmem>>, vector<1x16xf32>,
        %parallel_loop3A_657 = vector.shape_cast %parallel_loop3A_656 : vector<1x16xf32> to vector<16xf32>
        %parallel_loop3A_658 = vector.shape_cast %parallel_loop3A_653 : vector<16xf32> to vector<1x16xf32>
        tpu.vector_store %arg7[%parallel_loop3A_654, %parallel_loop3A_655], %parallel_loop3A_658 {strides = array<i32>} : memref<16x1024xf32, #tpu.memory_space<vmem>>, vector<1x16xf32>,
        %parallel_loop3A_659 = arith.index_cast %parallel_loop3A_154 : i32 to index
        %parallel_loop3A_660 = arith.constant 576 : index
        %parallel_loop3A_661 = tpu.vector_load %arg7[%parallel_loop3A_659, %parallel_loop3A_660] {strides = array<i32>} : memref<16x1024xf32, #tpu.memory_space<vmem>>, vector<1x16xf32>,
        %parallel_loop3A_662 = vector.shape_cast %parallel_loop3A_661 : vector<1x16xf32> to vector<16xf32>
        %parallel_loop3A_663 = arith.index_cast %parallel_loop3A_154 : i32 to index
        %parallel_loop3A_664 = arith.constant 576 : index
        %parallel_loop3A_665 = tpu.vector_load %arg9[%parallel_loop3A_663, %parallel_loop3A_664] {strides = array<i32>} : memref<16x1024xf32, #tpu.memory_space<vmem>>, vector<1x16xf32>,
        %parallel_loop3A_666 = vector.shape_cast %parallel_loop3A_665 : vector<1x16xf32> to vector<16xf32>
        %parallel_loop3A_667 = arith.addf %parallel_loop3A_662, %parallel_loop3A_666 : vector<16xf32>
        %parallel_loop3A_668 = arith.index_cast %parallel_loop3A_154 : i32 to index
        %parallel_loop3A_669 = arith.constant 576 : index
        %parallel_loop3A_670 = tpu.vector_load %arg7[%parallel_loop3A_668, %parallel_loop3A_669] {strides = array<i32>} : memref<16x1024xf32, #tpu.memory_space<vmem>>, vector<1x16xf32>,
        %parallel_loop3A_671 = vector.shape_cast %parallel_loop3A_670 : vector<1x16xf32> to vector<16xf32>
        %parallel_loop3A_672 = vector.shape_cast %parallel_loop3A_667 : vector<16xf32> to vector<1x16xf32>
        tpu.vector_store %arg7[%parallel_loop3A_668, %parallel_loop3A_669], %parallel_loop3A_672 {strides = array<i32>} : memref<16x1024xf32, #tpu.memory_space<vmem>>, vector<1x16xf32>,
        %parallel_loop3A_673 = arith.index_cast %parallel_loop3A_154 : i32 to index
        %parallel_loop3A_674 = arith.constant 592 : index
        %parallel_loop3A_675 = tpu.vector_load %arg7[%parallel_loop3A_673, %parallel_loop3A_674] {strides = array<i32>} : memref<16x1024xf32, #tpu.memory_space<vmem>>, vector<1x16xf32>,
        %parallel_loop3A_676 = vector.shape_cast %parallel_loop3A_675 : vector<1x16xf32> to vector<16xf32>
        %parallel_loop3A_677 = arith.index_cast %parallel_loop3A_154 : i32 to index
        %parallel_loop3A_678 = arith.constant 592 : index
        %parallel_loop3A_679 = tpu.vector_load %arg9[%parallel_loop3A_677, %parallel_loop3A_678] {strides = array<i32>} : memref<16x1024xf32, #tpu.memory_space<vmem>>, vector<1x16xf32>,
        %parallel_loop3A_680 = vector.shape_cast %parallel_loop3A_679 : vector<1x16xf32> to vector<16xf32>
        %parallel_loop3A_681 = arith.addf %parallel_loop3A_676, %parallel_loop3A_680 : vector<16xf32>
        %parallel_loop3A_682 = arith.index_cast %parallel_loop3A_154 : i32 to index
        %parallel_loop3A_683 = arith.constant 592 : index
        %parallel_loop3A_684 = tpu.vector_load %arg7[%parallel_loop3A_682, %parallel_loop3A_683] {strides = array<i32>} : memref<16x1024xf32, #tpu.memory_space<vmem>>, vector<1x16xf32>,
        %parallel_loop3A_685 = vector.shape_cast %parallel_loop3A_684 : vector<1x16xf32> to vector<16xf32>
        %parallel_loop3A_686 = vector.shape_cast %parallel_loop3A_681 : vector<16xf32> to vector<1x16xf32>
        tpu.vector_store %arg7[%parallel_loop3A_682, %parallel_loop3A_683], %parallel_loop3A_686 {strides = array<i32>} : memref<16x1024xf32, #tpu.memory_space<vmem>>, vector<1x16xf32>,
        %parallel_loop3A_687 = arith.index_cast %parallel_loop3A_154 : i32 to index
        %parallel_loop3A_688 = arith.constant 608 : index
        %parallel_loop3A_689 = tpu.vector_load %arg7[%parallel_loop3A_687, %parallel_loop3A_688] {strides = array<i32>} : memref<16x1024xf32, #tpu.memory_space<vmem>>, vector<1x16xf32>,
        %parallel_loop3A_690 = vector.shape_cast %parallel_loop3A_689 : vector<1x16xf32> to vector<16xf32>
        %parallel_loop3A_691 = arith.index_cast %parallel_loop3A_154 : i32 to index
        %parallel_loop3A_692 = arith.constant 608 : index
        %parallel_loop3A_693 = tpu.vector_load %arg9[%parallel_loop3A_691, %parallel_loop3A_692] {strides = array<i32>} : memref<16x1024xf32, #tpu.memory_space<vmem>>, vector<1x16xf32>,
        %parallel_loop3A_694 = vector.shape_cast %parallel_loop3A_693 : vector<1x16xf32> to vector<16xf32>
        %parallel_loop3A_695 = arith.addf %parallel_loop3A_690, %parallel_loop3A_694 : vector<16xf32>
        %parallel_loop3A_696 = arith.index_cast %parallel_loop3A_154 : i32 to index
        %parallel_loop3A_697 = arith.constant 608 : index
        %parallel_loop3A_698 = tpu.vector_load %arg7[%parallel_loop3A_696, %parallel_loop3A_697] {strides = array<i32>} : memref<16x1024xf32, #tpu.memory_space<vmem>>, vector<1x16xf32>,
        %parallel_loop3A_699 = vector.shape_cast %parallel_loop3A_698 : vector<1x16xf32> to vector<16xf32>
        %parallel_loop3A_700 = vector.shape_cast %parallel_loop3A_695 : vector<16xf32> to vector<1x16xf32>
        tpu.vector_store %arg7[%parallel_loop3A_696, %parallel_loop3A_697], %parallel_loop3A_700 {strides = array<i32>} : memref<16x1024xf32, #tpu.memory_space<vmem>>, vector<1x16xf32>,
        %parallel_loop3A_701 = arith.index_cast %parallel_loop3A_154 : i32 to index
        %parallel_loop3A_702 = arith.constant 624 : index
        %parallel_loop3A_703 = tpu.vector_load %arg7[%parallel_loop3A_701, %parallel_loop3A_702] {strides = array<i32>} : memref<16x1024xf32, #tpu.memory_space<vmem>>, vector<1x16xf32>,
        %parallel_loop3A_704 = vector.shape_cast %parallel_loop3A_703 : vector<1x16xf32> to vector<16xf32>
        %parallel_loop3A_705 = arith.index_cast %parallel_loop3A_154 : i32 to index
        %parallel_loop3A_706 = arith.constant 624 : index
        %parallel_loop3A_707 = tpu.vector_load %arg9[%parallel_loop3A_705, %parallel_loop3A_706] {strides = array<i32>} : memref<16x1024xf32, #tpu.memory_space<vmem>>, vector<1x16xf32>,
        %parallel_loop3A_708 = vector.shape_cast %parallel_loop3A_707 : vector<1x16xf32> to vector<16xf32>
        %parallel_loop3A_709 = arith.addf %parallel_loop3A_704, %parallel_loop3A_708 : vector<16xf32>
        %parallel_loop3A_710 = arith.index_cast %parallel_loop3A_154 : i32 to index
        %parallel_loop3A_711 = arith.constant 624 : index
        %parallel_loop3A_712 = tpu.vector_load %arg7[%parallel_loop3A_710, %parallel_loop3A_711] {strides = array<i32>} : memref<16x1024xf32, #tpu.memory_space<vmem>>, vector<1x16xf32>,
        %parallel_loop3A_713 = vector.shape_cast %parallel_loop3A_712 : vector<1x16xf32> to vector<16xf32>
        %parallel_loop3A_714 = vector.shape_cast %parallel_loop3A_709 : vector<16xf32> to vector<1x16xf32>
        tpu.vector_store %arg7[%parallel_loop3A_710, %parallel_loop3A_711], %parallel_loop3A_714 {strides = array<i32>} : memref<16x1024xf32, #tpu.memory_space<vmem>>, vector<1x16xf32>,
        %parallel_loop3A_715 = arith.index_cast %parallel_loop3A_154 : i32 to index
        %parallel_loop3A_716 = arith.constant 640 : index
        %parallel_loop3A_717 = tpu.vector_load %arg7[%parallel_loop3A_715, %parallel_loop3A_716] {strides = array<i32>} : memref<16x1024xf32, #tpu.memory_space<vmem>>, vector<1x16xf32>,
        %parallel_loop3A_718 = vector.shape_cast %parallel_loop3A_717 : vector<1x16xf32> to vector<16xf32>
        %parallel_loop3A_719 = arith.index_cast %parallel_loop3A_154 : i32 to index
        %parallel_loop3A_720 = arith.constant 640 : index
        %parallel_loop3A_721 = tpu.vector_load %arg9[%parallel_loop3A_719, %parallel_loop3A_720] {strides = array<i32>} : memref<16x1024xf32, #tpu.memory_space<vmem>>, vector<1x16xf32>,
        %parallel_loop3A_722 = vector.shape_cast %parallel_loop3A_721 : vector<1x16xf32> to vector<16xf32>
        %parallel_loop3A_723 = arith.addf %parallel_loop3A_718, %parallel_loop3A_722 : vector<16xf32>
        %parallel_loop3A_724 = arith.index_cast %parallel_loop3A_154 : i32 to index
        %parallel_loop3A_725 = arith.constant 640 : index
        %parallel_loop3A_726 = tpu.vector_load %arg7[%parallel_loop3A_724, %parallel_loop3A_725] {strides = array<i32>} : memref<16x1024xf32, #tpu.memory_space<vmem>>, vector<1x16xf32>,
        %parallel_loop3A_727 = vector.shape_cast %parallel_loop3A_726 : vector<1x16xf32> to vector<16xf32>
        %parallel_loop3A_728 = vector.shape_cast %parallel_loop3A_723 : vector<16xf32> to vector<1x16xf32>
        tpu.vector_store %arg7[%parallel_loop3A_724, %parallel_loop3A_725], %parallel_loop3A_728 {strides = array<i32>} : memref<16x1024xf32, #tpu.memory_space<vmem>>, vector<1x16xf32>,
        %parallel_loop3A_729 = arith.index_cast %parallel_loop3A_154 : i32 to index
        %parallel_loop3A_730 = arith.constant 656 : index
        %parallel_loop3A_731 = tpu.vector_load %arg7[%parallel_loop3A_729, %parallel_loop3A_730] {strides = array<i32>} : memref<16x1024xf32, #tpu.memory_space<vmem>>, vector<1x16xf32>,
        %parallel_loop3A_732 = vector.shape_cast %parallel_loop3A_731 : vector<1x16xf32> to vector<16xf32>
        %parallel_loop3A_733 = arith.index_cast %parallel_loop3A_154 : i32 to index
        %parallel_loop3A_734 = arith.constant 656 : index
        %parallel_loop3A_735 = tpu.vector_load %arg9[%parallel_loop3A_733, %parallel_loop3A_734] {strides = array<i32>} : memref<16x1024xf32, #tpu.memory_space<vmem>>, vector<1x16xf32>,
        %parallel_loop3A_736 = vector.shape_cast %parallel_loop3A_735 : vector<1x16xf32> to vector<16xf32>
        %parallel_loop3A_737 = arith.addf %parallel_loop3A_732, %parallel_loop3A_736 : vector<16xf32>
        %parallel_loop3A_738 = arith.index_cast %parallel_loop3A_154 : i32 to index
        %parallel_loop3A_739 = arith.constant 656 : index
        %parallel_loop3A_740 = tpu.vector_load %arg7[%parallel_loop3A_738, %parallel_loop3A_739] {strides = array<i32>} : memref<16x1024xf32, #tpu.memory_space<vmem>>, vector<1x16xf32>,
        %parallel_loop3A_741 = vector.shape_cast %parallel_loop3A_740 : vector<1x16xf32> to vector<16xf32>
        %parallel_loop3A_742 = vector.shape_cast %parallel_loop3A_737 : vector<16xf32> to vector<1x16xf32>
        tpu.vector_store %arg7[%parallel_loop3A_738, %parallel_loop3A_739], %parallel_loop3A_742 {strides = array<i32>} : memref<16x1024xf32, #tpu.memory_space<vmem>>, vector<1x16xf32>,
        %parallel_loop3A_743 = arith.index_cast %parallel_loop3A_154 : i32 to index
        %parallel_loop3A_744 = arith.constant 672 : index
        %parallel_loop3A_745 = tpu.vector_load %arg7[%parallel_loop3A_743, %parallel_loop3A_744] {strides = array<i32>} : memref<16x1024xf32, #tpu.memory_space<vmem>>, vector<1x16xf32>,
        %parallel_loop3A_746 = vector.shape_cast %parallel_loop3A_745 : vector<1x16xf32> to vector<16xf32>
        %parallel_loop3A_747 = arith.index_cast %parallel_loop3A_154 : i32 to index
        %parallel_loop3A_748 = arith.constant 672 : index
        %parallel_loop3A_749 = tpu.vector_load %arg9[%parallel_loop3A_747, %parallel_loop3A_748] {strides = array<i32>} : memref<16x1024xf32, #tpu.memory_space<vmem>>, vector<1x16xf32>,
        %parallel_loop3A_750 = vector.shape_cast %parallel_loop3A_749 : vector<1x16xf32> to vector<16xf32>
        %parallel_loop3A_751 = arith.addf %parallel_loop3A_746, %parallel_loop3A_750 : vector<16xf32>
        %parallel_loop3A_752 = arith.index_cast %parallel_loop3A_154 : i32 to index
        %parallel_loop3A_753 = arith.constant 672 : index
        %parallel_loop3A_754 = tpu.vector_load %arg7[%parallel_loop3A_752, %parallel_loop3A_753] {strides = array<i32>} : memref<16x1024xf32, #tpu.memory_space<vmem>>, vector<1x16xf32>,
        %parallel_loop3A_755 = vector.shape_cast %parallel_loop3A_754 : vector<1x16xf32> to vector<16xf32>
        %parallel_loop3A_756 = vector.shape_cast %parallel_loop3A_751 : vector<16xf32> to vector<1x16xf32>
        tpu.vector_store %arg7[%parallel_loop3A_752, %parallel_loop3A_753], %parallel_loop3A_756 {strides = array<i32>} : memref<16x1024xf32, #tpu.memory_space<vmem>>, vector<1x16xf32>,
        %parallel_loop3A_757 = arith.index_cast %parallel_loop3A_154 : i32 to index
        %parallel_loop3A_758 = arith.constant 688 : index
        %parallel_loop3A_759 = tpu.vector_load %arg7[%parallel_loop3A_757, %parallel_loop3A_758] {strides = array<i32>} : memref<16x1024xf32, #tpu.memory_space<vmem>>, vector<1x16xf32>,
        %parallel_loop3A_760 = vector.shape_cast %parallel_loop3A_759 : vector<1x16xf32> to vector<16xf32>
        %parallel_loop3A_761 = arith.index_cast %parallel_loop3A_154 : i32 to index
        %parallel_loop3A_762 = arith.constant 688 : index
        %parallel_loop3A_763 = tpu.vector_load %arg9[%parallel_loop3A_761, %parallel_loop3A_762] {strides = array<i32>} : memref<16x1024xf32, #tpu.memory_space<vmem>>, vector<1x16xf32>,
        %parallel_loop3A_764 = vector.shape_cast %parallel_loop3A_763 : vector<1x16xf32> to vector<16xf32>
        %parallel_loop3A_765 = arith.addf %parallel_loop3A_760, %parallel_loop3A_764 : vector<16xf32>
        %parallel_loop3A_766 = arith.index_cast %parallel_loop3A_154 : i32 to index
        %parallel_loop3A_767 = arith.constant 688 : index
        %parallel_loop3A_768 = tpu.vector_load %arg7[%parallel_loop3A_766, %parallel_loop3A_767] {strides = array<i32>} : memref<16x1024xf32, #tpu.memory_space<vmem>>, vector<1x16xf32>,
        %parallel_loop3A_769 = vector.shape_cast %parallel_loop3A_768 : vector<1x16xf32> to vector<16xf32>
        %parallel_loop3A_770 = vector.shape_cast %parallel_loop3A_765 : vector<16xf32> to vector<1x16xf32>
        tpu.vector_store %arg7[%parallel_loop3A_766, %parallel_loop3A_767], %parallel_loop3A_770 {strides = array<i32>} : memref<16x1024xf32, #tpu.memory_space<vmem>>, vector<1x16xf32>,
        %parallel_loop3A_771 = arith.index_cast %parallel_loop3A_154 : i32 to index
        %parallel_loop3A_772 = arith.constant 704 : index
        %parallel_loop3A_773 = tpu.vector_load %arg7[%parallel_loop3A_771, %parallel_loop3A_772] {strides = array<i32>} : memref<16x1024xf32, #tpu.memory_space<vmem>>, vector<1x16xf32>,
        %parallel_loop3A_774 = vector.shape_cast %parallel_loop3A_773 : vector<1x16xf32> to vector<16xf32>
        %parallel_loop3A_775 = arith.index_cast %parallel_loop3A_154 : i32 to index
        %parallel_loop3A_776 = arith.constant 704 : index
        %parallel_loop3A_777 = tpu.vector_load %arg9[%parallel_loop3A_775, %parallel_loop3A_776] {strides = array<i32>} : memref<16x1024xf32, #tpu.memory_space<vmem>>, vector<1x16xf32>,
        %parallel_loop3A_778 = vector.shape_cast %parallel_loop3A_777 : vector<1x16xf32> to vector<16xf32>
        %parallel_loop3A_779 = arith.addf %parallel_loop3A_774, %parallel_loop3A_778 : vector<16xf32>
        %parallel_loop3A_780 = arith.index_cast %parallel_loop3A_154 : i32 to index
        %parallel_loop3A_781 = arith.constant 704 : index
        %parallel_loop3A_782 = tpu.vector_load %arg7[%parallel_loop3A_780, %parallel_loop3A_781] {strides = array<i32>} : memref<16x1024xf32, #tpu.memory_space<vmem>>, vector<1x16xf32>,
        %parallel_loop3A_783 = vector.shape_cast %parallel_loop3A_782 : vector<1x16xf32> to vector<16xf32>
        %parallel_loop3A_784 = vector.shape_cast %parallel_loop3A_779 : vector<16xf32> to vector<1x16xf32>
        tpu.vector_store %arg7[%parallel_loop3A_780, %parallel_loop3A_781], %parallel_loop3A_784 {strides = array<i32>} : memref<16x1024xf32, #tpu.memory_space<vmem>>, vector<1x16xf32>,
        %parallel_loop3A_785 = arith.index_cast %parallel_loop3A_154 : i32 to index
        %parallel_loop3A_786 = arith.constant 720 : index
        %parallel_loop3A_787 = tpu.vector_load %arg7[%parallel_loop3A_785, %parallel_loop3A_786] {strides = array<i32>} : memref<16x1024xf32, #tpu.memory_space<vmem>>, vector<1x16xf32>,
        %parallel_loop3A_788 = vector.shape_cast %parallel_loop3A_787 : vector<1x16xf32> to vector<16xf32>
        %parallel_loop3A_789 = arith.index_cast %parallel_loop3A_154 : i32 to index
        %parallel_loop3A_790 = arith.constant 720 : index
        %parallel_loop3A_791 = tpu.vector_load %arg9[%parallel_loop3A_789, %parallel_loop3A_790] {strides = array<i32>} : memref<16x1024xf32, #tpu.memory_space<vmem>>, vector<1x16xf32>,
        %parallel_loop3A_792 = vector.shape_cast %parallel_loop3A_791 : vector<1x16xf32> to vector<16xf32>
        %parallel_loop3A_793 = arith.addf %parallel_loop3A_788, %parallel_loop3A_792 : vector<16xf32>
        %parallel_loop3A_794 = arith.index_cast %parallel_loop3A_154 : i32 to index
        %parallel_loop3A_795 = arith.constant 720 : index
        %parallel_loop3A_796 = tpu.vector_load %arg7[%parallel_loop3A_794, %parallel_loop3A_795] {strides = array<i32>} : memref<16x1024xf32, #tpu.memory_space<vmem>>, vector<1x16xf32>,
        %parallel_loop3A_797 = vector.shape_cast %parallel_loop3A_796 : vector<1x16xf32> to vector<16xf32>
        %parallel_loop3A_798 = vector.shape_cast %parallel_loop3A_793 : vector<16xf32> to vector<1x16xf32>
        tpu.vector_store %arg7[%parallel_loop3A_794, %parallel_loop3A_795], %parallel_loop3A_798 {strides = array<i32>} : memref<16x1024xf32, #tpu.memory_space<vmem>>, vector<1x16xf32>,
        %parallel_loop3A_799 = arith.index_cast %parallel_loop3A_154 : i32 to index
        %parallel_loop3A_800 = arith.constant 736 : index
        %parallel_loop3A_801 = tpu.vector_load %arg7[%parallel_loop3A_799, %parallel_loop3A_800] {strides = array<i32>} : memref<16x1024xf32, #tpu.memory_space<vmem>>, vector<1x16xf32>,
        %parallel_loop3A_802 = vector.shape_cast %parallel_loop3A_801 : vector<1x16xf32> to vector<16xf32>
        %parallel_loop3A_803 = arith.index_cast %parallel_loop3A_154 : i32 to index
        %parallel_loop3A_804 = arith.constant 736 : index
        %parallel_loop3A_805 = tpu.vector_load %arg9[%parallel_loop3A_803, %parallel_loop3A_804] {strides = array<i32>} : memref<16x1024xf32, #tpu.memory_space<vmem>>, vector<1x16xf32>,
        %parallel_loop3A_806 = vector.shape_cast %parallel_loop3A_805 : vector<1x16xf32> to vector<16xf32>
        %parallel_loop3A_807 = arith.addf %parallel_loop3A_802, %parallel_loop3A_806 : vector<16xf32>
        %parallel_loop3A_808 = arith.index_cast %parallel_loop3A_154 : i32 to index
        %parallel_loop3A_809 = arith.constant 736 : index
        %parallel_loop3A_810 = tpu.vector_load %arg7[%parallel_loop3A_808, %parallel_loop3A_809] {strides = array<i32>} : memref<16x1024xf32, #tpu.memory_space<vmem>>, vector<1x16xf32>,
        %parallel_loop3A_811 = vector.shape_cast %parallel_loop3A_810 : vector<1x16xf32> to vector<16xf32>
        %parallel_loop3A_812 = vector.shape_cast %parallel_loop3A_807 : vector<16xf32> to vector<1x16xf32>
        tpu.vector_store %arg7[%parallel_loop3A_808, %parallel_loop3A_809], %parallel_loop3A_812 {strides = array<i32>} : memref<16x1024xf32, #tpu.memory_space<vmem>>, vector<1x16xf32>,
        %parallel_loop3A_813 = arith.index_cast %parallel_loop3A_154 : i32 to index
        %parallel_loop3A_814 = arith.constant 752 : index
        %parallel_loop3A_815 = tpu.vector_load %arg7[%parallel_loop3A_813, %parallel_loop3A_814] {strides = array<i32>} : memref<16x1024xf32, #tpu.memory_space<vmem>>, vector<1x16xf32>,
        %parallel_loop3A_816 = vector.shape_cast %parallel_loop3A_815 : vector<1x16xf32> to vector<16xf32>
        %parallel_loop3A_817 = arith.index_cast %parallel_loop3A_154 : i32 to index
        %parallel_loop3A_818 = arith.constant 752 : index
        %parallel_loop3A_819 = tpu.vector_load %arg9[%parallel_loop3A_817, %parallel_loop3A_818] {strides = array<i32>} : memref<16x1024xf32, #tpu.memory_space<vmem>>, vector<1x16xf32>,
        %parallel_loop3A_820 = vector.shape_cast %parallel_loop3A_819 : vector<1x16xf32> to vector<16xf32>
        %parallel_loop3A_821 = arith.addf %parallel_loop3A_816, %parallel_loop3A_820 : vector<16xf32>
        %parallel_loop3A_822 = arith.index_cast %parallel_loop3A_154 : i32 to index
        %parallel_loop3A_823 = arith.constant 752 : index
        %parallel_loop3A_824 = tpu.vector_load %arg7[%parallel_loop3A_822, %parallel_loop3A_823] {strides = array<i32>} : memref<16x1024xf32, #tpu.memory_space<vmem>>, vector<1x16xf32>,
        %parallel_loop3A_825 = vector.shape_cast %parallel_loop3A_824 : vector<1x16xf32> to vector<16xf32>
        %parallel_loop3A_826 = vector.shape_cast %parallel_loop3A_821 : vector<16xf32> to vector<1x16xf32>
        tpu.vector_store %arg7[%parallel_loop3A_822, %parallel_loop3A_823], %parallel_loop3A_826 {strides = array<i32>} : memref<16x1024xf32, #tpu.memory_space<vmem>>, vector<1x16xf32>,
        %parallel_loop3A_827 = arith.index_cast %parallel_loop3A_154 : i32 to index
        %parallel_loop3A_828 = arith.constant 768 : index
        %parallel_loop3A_829 = tpu.vector_load %arg7[%parallel_loop3A_827, %parallel_loop3A_828] {strides = array<i32>} : memref<16x1024xf32, #tpu.memory_space<vmem>>, vector<1x16xf32>,
        %parallel_loop3A_830 = vector.shape_cast %parallel_loop3A_829 : vector<1x16xf32> to vector<16xf32>
        %parallel_loop3A_831 = arith.index_cast %parallel_loop3A_154 : i32 to index
        %parallel_loop3A_832 = arith.constant 768 : index
        %parallel_loop3A_833 = tpu.vector_load %arg9[%parallel_loop3A_831, %parallel_loop3A_832] {strides = array<i32>} : memref<16x1024xf32, #tpu.memory_space<vmem>>, vector<1x16xf32>,
        %parallel_loop3A_834 = vector.shape_cast %parallel_loop3A_833 : vector<1x16xf32> to vector<16xf32>
        %parallel_loop3A_835 = arith.addf %parallel_loop3A_830, %parallel_loop3A_834 : vector<16xf32>
        %parallel_loop3A_836 = arith.index_cast %parallel_loop3A_154 : i32 to index
        %parallel_loop3A_837 = arith.constant 768 : index
        %parallel_loop3A_838 = tpu.vector_load %arg7[%parallel_loop3A_836, %parallel_loop3A_837] {strides = array<i32>} : memref<16x1024xf32, #tpu.memory_space<vmem>>, vector<1x16xf32>,
        %parallel_loop3A_839 = vector.shape_cast %parallel_loop3A_838 : vector<1x16xf32> to vector<16xf32>
        %parallel_loop3A_840 = vector.shape_cast %parallel_loop3A_835 : vector<16xf32> to vector<1x16xf32>
        tpu.vector_store %arg7[%parallel_loop3A_836, %parallel_loop3A_837], %parallel_loop3A_840 {strides = array<i32>} : memref<16x1024xf32, #tpu.memory_space<vmem>>, vector<1x16xf32>,
        %parallel_loop3A_841 = arith.index_cast %parallel_loop3A_154 : i32 to index
        %parallel_loop3A_842 = arith.constant 784 : index
        %parallel_loop3A_843 = tpu.vector_load %arg7[%parallel_loop3A_841, %parallel_loop3A_842] {strides = array<i32>} : memref<16x1024xf32, #tpu.memory_space<vmem>>, vector<1x16xf32>,
        %parallel_loop3A_844 = vector.shape_cast %parallel_loop3A_843 : vector<1x16xf32> to vector<16xf32>
        %parallel_loop3A_845 = arith.index_cast %parallel_loop3A_154 : i32 to index
        %parallel_loop3A_846 = arith.constant 784 : index
        %parallel_loop3A_847 = tpu.vector_load %arg9[%parallel_loop3A_845, %parallel_loop3A_846] {strides = array<i32>} : memref<16x1024xf32, #tpu.memory_space<vmem>>, vector<1x16xf32>,
        %parallel_loop3A_848 = vector.shape_cast %parallel_loop3A_847 : vector<1x16xf32> to vector<16xf32>
        %parallel_loop3A_849 = arith.addf %parallel_loop3A_844, %parallel_loop3A_848 : vector<16xf32>
        %parallel_loop3A_850 = arith.index_cast %parallel_loop3A_154 : i32 to index
        %parallel_loop3A_851 = arith.constant 784 : index
        %parallel_loop3A_852 = tpu.vector_load %arg7[%parallel_loop3A_850, %parallel_loop3A_851] {strides = array<i32>} : memref<16x1024xf32, #tpu.memory_space<vmem>>, vector<1x16xf32>,
        %parallel_loop3A_853 = vector.shape_cast %parallel_loop3A_852 : vector<1x16xf32> to vector<16xf32>
        %parallel_loop3A_854 = vector.shape_cast %parallel_loop3A_849 : vector<16xf32> to vector<1x16xf32>
        tpu.vector_store %arg7[%parallel_loop3A_850, %parallel_loop3A_851], %parallel_loop3A_854 {strides = array<i32>} : memref<16x1024xf32, #tpu.memory_space<vmem>>, vector<1x16xf32>,
        %parallel_loop3A_855 = arith.index_cast %parallel_loop3A_154 : i32 to index
        %parallel_loop3A_856 = arith.constant 800 : index
        %parallel_loop3A_857 = tpu.vector_load %arg7[%parallel_loop3A_855, %parallel_loop3A_856] {strides = array<i32>} : memref<16x1024xf32, #tpu.memory_space<vmem>>, vector<1x16xf32>,
        %parallel_loop3A_858 = vector.shape_cast %parallel_loop3A_857 : vector<1x16xf32> to vector<16xf32>
        %parallel_loop3A_859 = arith.index_cast %parallel_loop3A_154 : i32 to index
        %parallel_loop3A_860 = arith.constant 800 : index
        %parallel_loop3A_861 = tpu.vector_load %arg9[%parallel_loop3A_859, %parallel_loop3A_860] {strides = array<i32>} : memref<16x1024xf32, #tpu.memory_space<vmem>>, vector<1x16xf32>,
        %parallel_loop3A_862 = vector.shape_cast %parallel_loop3A_861 : vector<1x16xf32> to vector<16xf32>
        %parallel_loop3A_863 = arith.addf %parallel_loop3A_858, %parallel_loop3A_862 : vector<16xf32>
        %parallel_loop3A_864 = arith.index_cast %parallel_loop3A_154 : i32 to index
        %parallel_loop3A_865 = arith.constant 800 : index
        %parallel_loop3A_866 = tpu.vector_load %arg7[%parallel_loop3A_864, %parallel_loop3A_865] {strides = array<i32>} : memref<16x1024xf32, #tpu.memory_space<vmem>>, vector<1x16xf32>,
        %parallel_loop3A_867 = vector.shape_cast %parallel_loop3A_866 : vector<1x16xf32> to vector<16xf32>
        %parallel_loop3A_868 = vector.shape_cast %parallel_loop3A_863 : vector<16xf32> to vector<1x16xf32>
        tpu.vector_store %arg7[%parallel_loop3A_864, %parallel_loop3A_865], %parallel_loop3A_868 {strides = array<i32>} : memref<16x1024xf32, #tpu.memory_space<vmem>>, vector<1x16xf32>,
        %parallel_loop3A_869 = arith.index_cast %parallel_loop3A_154 : i32 to index
        %parallel_loop3A_870 = arith.constant 816 : index
        %parallel_loop3A_871 = tpu.vector_load %arg7[%parallel_loop3A_869, %parallel_loop3A_870] {strides = array<i32>} : memref<16x1024xf32, #tpu.memory_space<vmem>>, vector<1x16xf32>,
        %parallel_loop3A_872 = vector.shape_cast %parallel_loop3A_871 : vector<1x16xf32> to vector<16xf32>
        %parallel_loop3A_873 = arith.index_cast %parallel_loop3A_154 : i32 to index
        %parallel_loop3A_874 = arith.constant 816 : index
        %parallel_loop3A_875 = tpu.vector_load %arg9[%parallel_loop3A_873, %parallel_loop3A_874] {strides = array<i32>} : memref<16x1024xf32, #tpu.memory_space<vmem>>, vector<1x16xf32>,
        %parallel_loop3A_876 = vector.shape_cast %parallel_loop3A_875 : vector<1x16xf32> to vector<16xf32>
        %parallel_loop3A_877 = arith.addf %parallel_loop3A_872, %parallel_loop3A_876 : vector<16xf32>
        %parallel_loop3A_878 = arith.index_cast %parallel_loop3A_154 : i32 to index
        %parallel_loop3A_879 = arith.constant 816 : index
        %parallel_loop3A_880 = tpu.vector_load %arg7[%parallel_loop3A_878, %parallel_loop3A_879] {strides = array<i32>} : memref<16x1024xf32, #tpu.memory_space<vmem>>, vector<1x16xf32>,
        %parallel_loop3A_881 = vector.shape_cast %parallel_loop3A_880 : vector<1x16xf32> to vector<16xf32>
        %parallel_loop3A_882 = vector.shape_cast %parallel_loop3A_877 : vector<16xf32> to vector<1x16xf32>
        tpu.vector_store %arg7[%parallel_loop3A_878, %parallel_loop3A_879], %parallel_loop3A_882 {strides = array<i32>} : memref<16x1024xf32, #tpu.memory_space<vmem>>, vector<1x16xf32>,
        %parallel_loop3A_883 = arith.index_cast %parallel_loop3A_154 : i32 to index
        %parallel_loop3A_884 = arith.constant 832 : index
        %parallel_loop3A_885 = tpu.vector_load %arg7[%parallel_loop3A_883, %parallel_loop3A_884] {strides = array<i32>} : memref<16x1024xf32, #tpu.memory_space<vmem>>, vector<1x16xf32>,
        %parallel_loop3A_886 = vector.shape_cast %parallel_loop3A_885 : vector<1x16xf32> to vector<16xf32>
        %parallel_loop3A_887 = arith.index_cast %parallel_loop3A_154 : i32 to index
        %parallel_loop3A_888 = arith.constant 832 : index
        %parallel_loop3A_889 = tpu.vector_load %arg9[%parallel_loop3A_887, %parallel_loop3A_888] {strides = array<i32>} : memref<16x1024xf32, #tpu.memory_space<vmem>>, vector<1x16xf32>,
        %parallel_loop3A_890 = vector.shape_cast %parallel_loop3A_889 : vector<1x16xf32> to vector<16xf32>
        %parallel_loop3A_891 = arith.addf %parallel_loop3A_886, %parallel_loop3A_890 : vector<16xf32>
        %parallel_loop3A_892 = arith.index_cast %parallel_loop3A_154 : i32 to index
        %parallel_loop3A_893 = arith.constant 832 : index
        %parallel_loop3A_894 = tpu.vector_load %arg7[%parallel_loop3A_892, %parallel_loop3A_893] {strides = array<i32>} : memref<16x1024xf32, #tpu.memory_space<vmem>>, vector<1x16xf32>,
        %parallel_loop3A_895 = vector.shape_cast %parallel_loop3A_894 : vector<1x16xf32> to vector<16xf32>
        %parallel_loop3A_896 = vector.shape_cast %parallel_loop3A_891 : vector<16xf32> to vector<1x16xf32>
        tpu.vector_store %arg7[%parallel_loop3A_892, %parallel_loop3A_893], %parallel_loop3A_896 {strides = array<i32>} : memref<16x1024xf32, #tpu.memory_space<vmem>>, vector<1x16xf32>,
        %parallel_loop3A_897 = arith.index_cast %parallel_loop3A_154 : i32 to index
        %parallel_loop3A_898 = arith.constant 848 : index
        %parallel_loop3A_899 = tpu.vector_load %arg7[%parallel_loop3A_897, %parallel_loop3A_898] {strides = array<i32>} : memref<16x1024xf32, #tpu.memory_space<vmem>>, vector<1x16xf32>,
        %parallel_loop3A_900 = vector.shape_cast %parallel_loop3A_899 : vector<1x16xf32> to vector<16xf32>
        %parallel_loop3A_901 = arith.index_cast %parallel_loop3A_154 : i32 to index
        %parallel_loop3A_902 = arith.constant 848 : index
        %parallel_loop3A_903 = tpu.vector_load %arg9[%parallel_loop3A_901, %parallel_loop3A_902] {strides = array<i32>} : memref<16x1024xf32, #tpu.memory_space<vmem>>, vector<1x16xf32>,
        %parallel_loop3A_904 = vector.shape_cast %parallel_loop3A_903 : vector<1x16xf32> to vector<16xf32>
        %parallel_loop3A_905 = arith.addf %parallel_loop3A_900, %parallel_loop3A_904 : vector<16xf32>
        %parallel_loop3A_906 = arith.index_cast %parallel_loop3A_154 : i32 to index
        %parallel_loop3A_907 = arith.constant 848 : index
        %parallel_loop3A_908 = tpu.vector_load %arg7[%parallel_loop3A_906, %parallel_loop3A_907] {strides = array<i32>} : memref<16x1024xf32, #tpu.memory_space<vmem>>, vector<1x16xf32>,
        %parallel_loop3A_909 = vector.shape_cast %parallel_loop3A_908 : vector<1x16xf32> to vector<16xf32>
        %parallel_loop3A_910 = vector.shape_cast %parallel_loop3A_905 : vector<16xf32> to vector<1x16xf32>
        tpu.vector_store %arg7[%parallel_loop3A_906, %parallel_loop3A_907], %parallel_loop3A_910 {strides = array<i32>} : memref<16x1024xf32, #tpu.memory_space<vmem>>, vector<1x16xf32>,
        %parallel_loop3A_911 = arith.index_cast %parallel_loop3A_154 : i32 to index
        %parallel_loop3A_912 = arith.constant 864 : index
        %parallel_loop3A_913 = tpu.vector_load %arg7[%parallel_loop3A_911, %parallel_loop3A_912] {strides = array<i32>} : memref<16x1024xf32, #tpu.memory_space<vmem>>, vector<1x16xf32>,
        %parallel_loop3A_914 = vector.shape_cast %parallel_loop3A_913 : vector<1x16xf32> to vector<16xf32>
        %parallel_loop3A_915 = arith.index_cast %parallel_loop3A_154 : i32 to index
        %parallel_loop3A_916 = arith.constant 864 : index
        %parallel_loop3A_917 = tpu.vector_load %arg9[%parallel_loop3A_915, %parallel_loop3A_916] {strides = array<i32>} : memref<16x1024xf32, #tpu.memory_space<vmem>>, vector<1x16xf32>,
        %parallel_loop3A_918 = vector.shape_cast %parallel_loop3A_917 : vector<1x16xf32> to vector<16xf32>
        %parallel_loop3A_919 = arith.addf %parallel_loop3A_914, %parallel_loop3A_918 : vector<16xf32>
        %parallel_loop3A_920 = arith.index_cast %parallel_loop3A_154 : i32 to index
        %parallel_loop3A_921 = arith.constant 864 : index
        %parallel_loop3A_922 = tpu.vector_load %arg7[%parallel_loop3A_920, %parallel_loop3A_921] {strides = array<i32>} : memref<16x1024xf32, #tpu.memory_space<vmem>>, vector<1x16xf32>,
        %parallel_loop3A_923 = vector.shape_cast %parallel_loop3A_922 : vector<1x16xf32> to vector<16xf32>
        %parallel_loop3A_924 = vector.shape_cast %parallel_loop3A_919 : vector<16xf32> to vector<1x16xf32>
        tpu.vector_store %arg7[%parallel_loop3A_920, %parallel_loop3A_921], %parallel_loop3A_924 {strides = array<i32>} : memref<16x1024xf32, #tpu.memory_space<vmem>>, vector<1x16xf32>,
        %parallel_loop3A_925 = arith.index_cast %parallel_loop3A_154 : i32 to index
        %parallel_loop3A_926 = arith.constant 880 : index
        %parallel_loop3A_927 = tpu.vector_load %arg7[%parallel_loop3A_925, %parallel_loop3A_926] {strides = array<i32>} : memref<16x1024xf32, #tpu.memory_space<vmem>>, vector<1x16xf32>,
        %parallel_loop3A_928 = vector.shape_cast %parallel_loop3A_927 : vector<1x16xf32> to vector<16xf32>
        %parallel_loop3A_929 = arith.index_cast %parallel_loop3A_154 : i32 to index
        %parallel_loop3A_930 = arith.constant 880 : index
        %parallel_loop3A_931 = tpu.vector_load %arg9[%parallel_loop3A_929, %parallel_loop3A_930] {strides = array<i32>} : memref<16x1024xf32, #tpu.memory_space<vmem>>, vector<1x16xf32>,
        %parallel_loop3A_932 = vector.shape_cast %parallel_loop3A_931 : vector<1x16xf32> to vector<16xf32>
        %parallel_loop3A_933 = arith.addf %parallel_loop3A_928, %parallel_loop3A_932 : vector<16xf32>
        %parallel_loop3A_934 = arith.index_cast %parallel_loop3A_154 : i32 to index
        %parallel_loop3A_935 = arith.constant 880 : index
        %parallel_loop3A_936 = tpu.vector_load %arg7[%parallel_loop3A_934, %parallel_loop3A_935] {strides = array<i32>} : memref<16x1024xf32, #tpu.memory_space<vmem>>, vector<1x16xf32>,
        %parallel_loop3A_937 = vector.shape_cast %parallel_loop3A_936 : vector<1x16xf32> to vector<16xf32>
        %parallel_loop3A_938 = vector.shape_cast %parallel_loop3A_933 : vector<16xf32> to vector<1x16xf32>
        tpu.vector_store %arg7[%parallel_loop3A_934, %parallel_loop3A_935], %parallel_loop3A_938 {strides = array<i32>} : memref<16x1024xf32, #tpu.memory_space<vmem>>, vector<1x16xf32>,
        %parallel_loop3A_939 = arith.index_cast %parallel_loop3A_154 : i32 to index
        %parallel_loop3A_940 = arith.constant 896 : index
        %parallel_loop3A_941 = tpu.vector_load %arg7[%parallel_loop3A_939, %parallel_loop3A_940] {strides = array<i32>} : memref<16x1024xf32, #tpu.memory_space<vmem>>, vector<1x16xf32>,
        %parallel_loop3A_942 = vector.shape_cast %parallel_loop3A_941 : vector<1x16xf32> to vector<16xf32>
        %parallel_loop3A_943 = arith.index_cast %parallel_loop3A_154 : i32 to index
        %parallel_loop3A_944 = arith.constant 896 : index
        %parallel_loop3A_945 = tpu.vector_load %arg9[%parallel_loop3A_943, %parallel_loop3A_944] {strides = array<i32>} : memref<16x1024xf32, #tpu.memory_space<vmem>>, vector<1x16xf32>,
        %parallel_loop3A_946 = vector.shape_cast %parallel_loop3A_945 : vector<1x16xf32> to vector<16xf32>
        %parallel_loop3A_947 = arith.addf %parallel_loop3A_942, %parallel_loop3A_946 : vector<16xf32>
        %parallel_loop3A_948 = arith.index_cast %parallel_loop3A_154 : i32 to index
        %parallel_loop3A_949 = arith.constant 896 : index
        %parallel_loop3A_950 = tpu.vector_load %arg7[%parallel_loop3A_948, %parallel_loop3A_949] {strides = array<i32>} : memref<16x1024xf32, #tpu.memory_space<vmem>>, vector<1x16xf32>,
        %parallel_loop3A_951 = vector.shape_cast %parallel_loop3A_950 : vector<1x16xf32> to vector<16xf32>
        %parallel_loop3A_952 = vector.shape_cast %parallel_loop3A_947 : vector<16xf32> to vector<1x16xf32>
        tpu.vector_store %arg7[%parallel_loop3A_948, %parallel_loop3A_949], %parallel_loop3A_952 {strides = array<i32>} : memref<16x1024xf32, #tpu.memory_space<vmem>>, vector<1x16xf32>,
        %parallel_loop3A_953 = arith.index_cast %parallel_loop3A_154 : i32 to index
        %parallel_loop3A_954 = arith.constant 912 : index
        %parallel_loop3A_955 = tpu.vector_load %arg7[%parallel_loop3A_953, %parallel_loop3A_954] {strides = array<i32>} : memref<16x1024xf32, #tpu.memory_space<vmem>>, vector<1x16xf32>,
        %parallel_loop3A_956 = vector.shape_cast %parallel_loop3A_955 : vector<1x16xf32> to vector<16xf32>
        %parallel_loop3A_957 = arith.index_cast %parallel_loop3A_154 : i32 to index
        %parallel_loop3A_958 = arith.constant 912 : index
        %parallel_loop3A_959 = tpu.vector_load %arg9[%parallel_loop3A_957, %parallel_loop3A_958] {strides = array<i32>} : memref<16x1024xf32, #tpu.memory_space<vmem>>, vector<1x16xf32>,
        %parallel_loop3A_960 = vector.shape_cast %parallel_loop3A_959 : vector<1x16xf32> to vector<16xf32>
        %parallel_loop3A_961 = arith.addf %parallel_loop3A_956, %parallel_loop3A_960 : vector<16xf32>
        %parallel_loop3A_962 = arith.index_cast %parallel_loop3A_154 : i32 to index
        %parallel_loop3A_963 = arith.constant 912 : index
        %parallel_loop3A_964 = tpu.vector_load %arg7[%parallel_loop3A_962, %parallel_loop3A_963] {strides = array<i32>} : memref<16x1024xf32, #tpu.memory_space<vmem>>, vector<1x16xf32>,
        %parallel_loop3A_965 = vector.shape_cast %parallel_loop3A_964 : vector<1x16xf32> to vector<16xf32>
        %parallel_loop3A_966 = vector.shape_cast %parallel_loop3A_961 : vector<16xf32> to vector<1x16xf32>
        tpu.vector_store %arg7[%parallel_loop3A_962, %parallel_loop3A_963], %parallel_loop3A_966 {strides = array<i32>} : memref<16x1024xf32, #tpu.memory_space<vmem>>, vector<1x16xf32>,
        %parallel_loop3A_967 = arith.index_cast %parallel_loop3A_154 : i32 to index
        %parallel_loop3A_968 = arith.constant 928 : index
        %parallel_loop3A_969 = tpu.vector_load %arg7[%parallel_loop3A_967, %parallel_loop3A_968] {strides = array<i32>} : memref<16x1024xf32, #tpu.memory_space<vmem>>, vector<1x16xf32>,
        %parallel_loop3A_970 = vector.shape_cast %parallel_loop3A_969 : vector<1x16xf32> to vector<16xf32>
        %parallel_loop3A_971 = arith.index_cast %parallel_loop3A_154 : i32 to index
        %parallel_loop3A_972 = arith.constant 928 : index
        %parallel_loop3A_973 = tpu.vector_load %arg9[%parallel_loop3A_971, %parallel_loop3A_972] {strides = array<i32>} : memref<16x1024xf32, #tpu.memory_space<vmem>>, vector<1x16xf32>,
        %parallel_loop3A_974 = vector.shape_cast %parallel_loop3A_973 : vector<1x16xf32> to vector<16xf32>
        %parallel_loop3A_975 = arith.addf %parallel_loop3A_970, %parallel_loop3A_974 : vector<16xf32>
        %parallel_loop3A_976 = arith.index_cast %parallel_loop3A_154 : i32 to index
        %parallel_loop3A_977 = arith.constant 928 : index
        %parallel_loop3A_978 = tpu.vector_load %arg7[%parallel_loop3A_976, %parallel_loop3A_977] {strides = array<i32>} : memref<16x1024xf32, #tpu.memory_space<vmem>>, vector<1x16xf32>,
        %parallel_loop3A_979 = vector.shape_cast %parallel_loop3A_978 : vector<1x16xf32> to vector<16xf32>
        %parallel_loop3A_980 = vector.shape_cast %parallel_loop3A_975 : vector<16xf32> to vector<1x16xf32>
        tpu.vector_store %arg7[%parallel_loop3A_976, %parallel_loop3A_977], %parallel_loop3A_980 {strides = array<i32>} : memref<16x1024xf32, #tpu.memory_space<vmem>>, vector<1x16xf32>,
        %parallel_loop3A_981 = arith.index_cast %parallel_loop3A_154 : i32 to index
        %parallel_loop3A_982 = arith.constant 944 : index
        %parallel_loop3A_983 = tpu.vector_load %arg7[%parallel_loop3A_981, %parallel_loop3A_982] {strides = array<i32>} : memref<16x1024xf32, #tpu.memory_space<vmem>>, vector<1x16xf32>,
        %parallel_loop3A_984 = vector.shape_cast %parallel_loop3A_983 : vector<1x16xf32> to vector<16xf32>
        %parallel_loop3A_985 = arith.index_cast %parallel_loop3A_154 : i32 to index
        %parallel_loop3A_986 = arith.constant 944 : index
        %parallel_loop3A_987 = tpu.vector_load %arg9[%parallel_loop3A_985, %parallel_loop3A_986] {strides = array<i32>} : memref<16x1024xf32, #tpu.memory_space<vmem>>, vector<1x16xf32>,
        %parallel_loop3A_988 = vector.shape_cast %parallel_loop3A_987 : vector<1x16xf32> to vector<16xf32>
        %parallel_loop3A_989 = arith.addf %parallel_loop3A_984, %parallel_loop3A_988 : vector<16xf32>
        %parallel_loop3A_990 = arith.index_cast %parallel_loop3A_154 : i32 to index
        %parallel_loop3A_991 = arith.constant 944 : index
        %parallel_loop3A_992 = tpu.vector_load %arg7[%parallel_loop3A_990, %parallel_loop3A_991] {strides = array<i32>} : memref<16x1024xf32, #tpu.memory_space<vmem>>, vector<1x16xf32>,
        %parallel_loop3A_993 = vector.shape_cast %parallel_loop3A_992 : vector<1x16xf32> to vector<16xf32>
        %parallel_loop3A_994 = vector.shape_cast %parallel_loop3A_989 : vector<16xf32> to vector<1x16xf32>
        tpu.vector_store %arg7[%parallel_loop3A_990, %parallel_loop3A_991], %parallel_loop3A_994 {strides = array<i32>} : memref<16x1024xf32, #tpu.memory_space<vmem>>, vector<1x16xf32>,
        %parallel_loop3A_995 = arith.index_cast %parallel_loop3A_154 : i32 to index
        %parallel_loop3A_996 = arith.constant 960 : index
        %parallel_loop3A_997 = tpu.vector_load %arg7[%parallel_loop3A_995, %parallel_loop3A_996] {strides = array<i32>} : memref<16x1024xf32, #tpu.memory_space<vmem>>, vector<1x16xf32>,
        %parallel_loop3A_998 = vector.shape_cast %parallel_loop3A_997 : vector<1x16xf32> to vector<16xf32>
        %parallel_loop3A_999 = arith.index_cast %parallel_loop3A_154 : i32 to index
        %parallel_loop3A_1000 = arith.constant 960 : index
        %parallel_loop3A_1001 = tpu.vector_load %arg9[%parallel_loop3A_999, %parallel_loop3A_1000] {strides = array<i32>} : memref<16x1024xf32, #tpu.memory_space<vmem>>, vector<1x16xf32>,
        %parallel_loop3A_1002 = vector.shape_cast %parallel_loop3A_1001 : vector<1x16xf32> to vector<16xf32>
        %parallel_loop3A_1003 = arith.addf %parallel_loop3A_998, %parallel_loop3A_1002 : vector<16xf32>
        %parallel_loop3A_1004 = arith.index_cast %parallel_loop3A_154 : i32 to index
        %parallel_loop3A_1005 = arith.constant 960 : index
        %parallel_loop3A_1006 = tpu.vector_load %arg7[%parallel_loop3A_1004, %parallel_loop3A_1005] {strides = array<i32>} : memref<16x1024xf32, #tpu.memory_space<vmem>>, vector<1x16xf32>,
        %parallel_loop3A_1007 = vector.shape_cast %parallel_loop3A_1006 : vector<1x16xf32> to vector<16xf32>
        %parallel_loop3A_1008 = vector.shape_cast %parallel_loop3A_1003 : vector<16xf32> to vector<1x16xf32>
        tpu.vector_store %arg7[%parallel_loop3A_1004, %parallel_loop3A_1005], %parallel_loop3A_1008 {strides = array<i32>} : memref<16x1024xf32, #tpu.memory_space<vmem>>, vector<1x16xf32>,
        %parallel_loop3A_1009 = arith.index_cast %parallel_loop3A_154 : i32 to index
        %parallel_loop3A_1010 = arith.constant 976 : index
        %parallel_loop3A_1011 = tpu.vector_load %arg7[%parallel_loop3A_1009, %parallel_loop3A_1010] {strides = array<i32>} : memref<16x1024xf32, #tpu.memory_space<vmem>>, vector<1x16xf32>,
        %parallel_loop3A_1012 = vector.shape_cast %parallel_loop3A_1011 : vector<1x16xf32> to vector<16xf32>
        %parallel_loop3A_1013 = arith.index_cast %parallel_loop3A_154 : i32 to index
        %parallel_loop3A_1014 = arith.constant 976 : index
        %parallel_loop3A_1015 = tpu.vector_load %arg9[%parallel_loop3A_1013, %parallel_loop3A_1014] {strides = array<i32>} : memref<16x1024xf32, #tpu.memory_space<vmem>>, vector<1x16xf32>,
        %parallel_loop3A_1016 = vector.shape_cast %parallel_loop3A_1015 : vector<1x16xf32> to vector<16xf32>
        %parallel_loop3A_1017 = arith.addf %parallel_loop3A_1012, %parallel_loop3A_1016 : vector<16xf32>
        %parallel_loop3A_1018 = arith.index_cast %parallel_loop3A_154 : i32 to index
        %parallel_loop3A_1019 = arith.constant 976 : index
        %parallel_loop3A_1020 = tpu.vector_load %arg7[%parallel_loop3A_1018, %parallel_loop3A_1019] {strides = array<i32>} : memref<16x1024xf32, #tpu.memory_space<vmem>>, vector<1x16xf32>,
        %parallel_loop3A_1021 = vector.shape_cast %parallel_loop3A_1020 : vector<1x16xf32> to vector<16xf32>
        %parallel_loop3A_1022 = vector.shape_cast %parallel_loop3A_1017 : vector<16xf32> to vector<1x16xf32>
        tpu.vector_store %arg7[%parallel_loop3A_1018, %parallel_loop3A_1019], %parallel_loop3A_1022 {strides = array<i32>} : memref<16x1024xf32, #tpu.memory_space<vmem>>, vector<1x16xf32>,
        %parallel_loop3A_1023 = arith.index_cast %parallel_loop3A_154 : i32 to index
        %parallel_loop3A_1024 = arith.constant 992 : index
        %parallel_loop3A_1025 = tpu.vector_load %arg7[%parallel_loop3A_1023, %parallel_loop3A_1024] {strides = array<i32>} : memref<16x1024xf32, #tpu.memory_space<vmem>>, vector<1x16xf32>,
        %parallel_loop3A_1026 = vector.shape_cast %parallel_loop3A_1025 : vector<1x16xf32> to vector<16xf32>
        %parallel_loop3A_1027 = arith.index_cast %parallel_loop3A_154 : i32 to index
        %parallel_loop3A_1028 = arith.constant 992 : index
        %parallel_loop3A_1029 = tpu.vector_load %arg9[%parallel_loop3A_1027, %parallel_loop3A_1028] {strides = array<i32>} : memref<16x1024xf32, #tpu.memory_space<vmem>>, vector<1x16xf32>,
        %parallel_loop3A_1030 = vector.shape_cast %parallel_loop3A_1029 : vector<1x16xf32> to vector<16xf32>
        %parallel_loop3A_1031 = arith.addf %parallel_loop3A_1026, %parallel_loop3A_1030 : vector<16xf32>
        %parallel_loop3A_1032 = arith.index_cast %parallel_loop3A_154 : i32 to index
        %parallel_loop3A_1033 = arith.constant 992 : index
        %parallel_loop3A_1034 = tpu.vector_load %arg7[%parallel_loop3A_1032, %parallel_loop3A_1033] {strides = array<i32>} : memref<16x1024xf32, #tpu.memory_space<vmem>>, vector<1x16xf32>,
        %parallel_loop3A_1035 = vector.shape_cast %parallel_loop3A_1034 : vector<1x16xf32> to vector<16xf32>
        %parallel_loop3A_1036 = vector.shape_cast %parallel_loop3A_1031 : vector<16xf32> to vector<1x16xf32>
        tpu.vector_store %arg7[%parallel_loop3A_1032, %parallel_loop3A_1033], %parallel_loop3A_1036 {strides = array<i32>} : memref<16x1024xf32, #tpu.memory_space<vmem>>, vector<1x16xf32>,
        %parallel_loop3A_1037 = arith.index_cast %parallel_loop3A_154 : i32 to index
        %parallel_loop3A_1038 = arith.constant 1008 : index
        %parallel_loop3A_1039 = tpu.vector_load %arg7[%parallel_loop3A_1037, %parallel_loop3A_1038] {strides = array<i32>} : memref<16x1024xf32, #tpu.memory_space<vmem>>, vector<1x16xf32>,
        %parallel_loop3A_1040 = vector.shape_cast %parallel_loop3A_1039 : vector<1x16xf32> to vector<16xf32>
        %parallel_loop3A_1041 = arith.index_cast %parallel_loop3A_154 : i32 to index
        %parallel_loop3A_1042 = arith.constant 1008 : index
        %parallel_loop3A_1043 = tpu.vector_load %arg9[%parallel_loop3A_1041, %parallel_loop3A_1042] {strides = array<i32>} : memref<16x1024xf32, #tpu.memory_space<vmem>>, vector<1x16xf32>,
        %parallel_loop3A_1044 = vector.shape_cast %parallel_loop3A_1043 : vector<1x16xf32> to vector<16xf32>
        %parallel_loop3A_1045 = arith.addf %parallel_loop3A_1040, %parallel_loop3A_1044 : vector<16xf32>
        %parallel_loop3A_1046 = arith.index_cast %parallel_loop3A_154 : i32 to index
        %parallel_loop3A_1047 = arith.constant 1008 : index
        %parallel_loop3A_1048 = tpu.vector_load %arg7[%parallel_loop3A_1046, %parallel_loop3A_1047] {strides = array<i32>} : memref<16x1024xf32, #tpu.memory_space<vmem>>, vector<1x16xf32>,
        %parallel_loop3A_1049 = vector.shape_cast %parallel_loop3A_1048 : vector<1x16xf32> to vector<16xf32>
        %parallel_loop3A_1050 = vector.shape_cast %parallel_loop3A_1045 : vector<16xf32> to vector<1x16xf32>
        tpu.vector_store %arg7[%parallel_loop3A_1046, %parallel_loop3A_1047], %parallel_loop3A_1050 {strides = array<i32>} : memref<16x1024xf32, #tpu.memory_space<vmem>>, vector<1x16xf32>,
      } {sc.loop_unroll_factor = 1 : i64, sc.parallel_access}
      %mul3A_102 = arith.constant 16 : i32
      %mul3A_103 = arith.muli %mul3A_65, %mul3A_102 : i32
      %add3A_104 = arith.addi %mul3A_32, %mul3A_103 : i32
      %dma_start3A_105 = arith.constant 0 : i32
      %dma_start3A_106 = tpu.memref_slice %arg5[%select_n3A, %add3A_104, %dma_start3A_105] : memref<4x2048x1024xf32, #tpu.memory_space<hbm>> -> memref<1x16x1024xf32, #tpu.memory_space<hbm>>
      %dma_start3A_107 = tpu.memref_squeeze %dma_start3A_106 : memref<1x16x1024xf32, #tpu.memory_space<hbm>> -> memref<16x1024xf32, #tpu.memory_space<hbm>>
      %dma_start3A_108 = arith.constant 0 : i32
      %dma_start3A_109 = tpu.memref_slice %arg5[%select_n3A, %add3A_104, %dma_start3A_108] : memref<4x2048x1024xf32, #tpu.memory_space<hbm>> -> memref<1x16x1024xf32, #tpu.memory_space<hbm>>
      %dma_start3A_110 = tpu.memref_squeeze %dma_start3A_109 : memref<1x16x1024xf32, #tpu.memory_space<hbm>> -> memref<16x1024xf32, #tpu.memory_space<hbm>>
      tpu.enqueue_dma source(%arg7 : memref<16x1024xf32, #tpu.memory_space<vmem>>) target(%dma_start3A_110 : memref<16x1024xf32, #tpu.memory_space<hbm>>) target_semaphore(%arg15 : memref<!tpu.dma_semaphore, #tpu.memory_space<semaphore_mem>>)
      %mul3A_111 = arith.constant 16 : i32
      %mul3A_112 = arith.muli %mul3A_65, %mul3A_111 : i32
      %add3A_113 = arith.addi %mul3A_32, %mul3A_112 : i32
      %dma_wait3A_114 = arith.constant 0 : i32
      %dma_wait3A_115 = tpu.memref_slice %arg5[%select_n3A, %add3A_113, %dma_wait3A_114] : memref<4x2048x1024xf32, #tpu.memory_space<hbm>> -> memref<1x16x1024xf32, #tpu.memory_space<hbm>>
      %dma_wait3A_116 = tpu.memref_squeeze %dma_wait3A_115 : memref<1x16x1024xf32, #tpu.memory_space<hbm>> -> memref<16x1024xf32, #tpu.memory_space<hbm>>
      %dma_wait3A_117 = arith.constant 0 : i32
      %dma_wait3A_118 = tpu.memref_slice %arg5[%select_n3A, %add3A_113, %dma_wait3A_117] : memref<4x2048x1024xf32, #tpu.memory_space<hbm>> -> memref<1x16x1024xf32, #tpu.memory_space<hbm>>
      %dma_wait3A_119 = tpu.memref_squeeze %dma_wait3A_118 : memref<1x16x1024xf32, #tpu.memory_space<hbm>> -> memref<16x1024xf32, #tpu.memory_space<hbm>>
      tpu.wait_dma2 semaphore(%arg15 : memref<!tpu.dma_semaphore, #tpu.memory_space<semaphore_mem>>) src(%arg7 : memref<16x1024xf32, #tpu.memory_space<vmem>>) dst(%dma_wait3A_119 : memref<16x1024xf32, #tpu.memory_space<hbm>>)
      %lt3A_120 = arith.constant 7 : i32
      %lt3A_121 = arith.cmpi slt, %scan3A_63, %lt3A_120 : i32
      %convert_element_type3A_122 = arith.extui %lt3A_121 : i1 to i32
      %cond3A_123 = arith.constant 0 : i32
      %cond3A_124 = arith.cmpi ne, %convert_element_type3A_122, %cond3A_123 : i32
      scf.if %cond3A_124 {
        %add3A_154 = arith.constant 2 : i32
        %add3A_155 = arith.addi %mul3A_65, %add3A_154 : i32
        %mul3A_156 = arith.constant 16 : i32
        %mul3A_157 = arith.muli %add3A_155, %mul3A_156 : i32
        %add3A_158 = arith.addi %mul3A_32, %mul3A_157 : i32
        %dma_start3A_159 = arith.constant 0 : i32
        %dma_start3A_160 = tpu.memref_slice %arg2[%select_n3A, %add3A_158, %dma_start3A_159] : memref<4x2048x1024xf32, #tpu.memory_space<hbm>> -> memref<1x16x1024xf32, #tpu.memory_space<hbm>>
        %dma_start3A_161 = tpu.memref_squeeze %dma_start3A_160 : memref<1x16x1024xf32, #tpu.memory_space<hbm>> -> memref<16x1024xf32, #tpu.memory_space<hbm>>
        %dma_start3A_162 = arith.constant 0 : i32
        %dma_start3A_163 = tpu.memref_slice %arg2[%select_n3A, %add3A_158, %dma_start3A_162] : memref<4x2048x1024xf32, #tpu.memory_space<hbm>> -> memref<1x16x1024xf32, #tpu.memory_space<hbm>>
        %dma_start3A_164 = tpu.memref_squeeze %dma_start3A_163 : memref<1x16x1024xf32, #tpu.memory_space<hbm>> -> memref<16x1024xf32, #tpu.memory_space<hbm>>
        tpu.enqueue_dma source(%dma_start3A_164 : memref<16x1024xf32, #tpu.memory_space<hbm>>) target(%arg7 : memref<16x1024xf32, #tpu.memory_space<vmem>>) target_semaphore(%arg11 : memref<!tpu.dma_semaphore, #tpu.memory_space<semaphore_mem>>)
        %mul3A_165 = arith.constant 16 : i32
        %mul3A_166 = arith.muli %add3A_155, %mul3A_165 : i32
        %dma_start3A_167 = tpu.memref_slice %arg6[%mul3A_166] : memref<256xi32, #tpu.memory_space<vmem>> -> memref<16xi32, #tpu.memory_space<vmem>>
        %dma_start3A_168 = arith.constant 0 : i32
        %dma_start3A_169 = arith.constant 0 : i32
        %dma_start3A_170 = tpu.memref_slice %arg4[%dma_start3A_168, %dma_start3A_169] : memref<8192x1024xf32, #tpu.memory_space<hbm>> -> memref<8192x1024xf32, #tpu.memory_space<hbm>>
        tpu.enqueue_indirect_dma source(%dma_start3A_170 : memref<8192x1024xf32, #tpu.memory_space<hbm>>) target(%arg9 : memref<16x1024xf32, #tpu.memory_space<vmem>>) offsets(%dma_start3A_167 : memref<16xi32, #tpu.memory_space<vmem>>) semaphore(%arg13 : memref<!tpu.dma_semaphore, #tpu.memory_space<semaphore_mem>>)
      } else {
      }
      %add3A_125 = arith.constant 1 : i32
      %add3A_126 = arith.addi %mul3A_65, %add3A_125 : i32
      %mul3A_127 = arith.constant 16 : i32
      %mul3A_128 = arith.muli %add3A_126, %mul3A_127 : i32
      %add3A_129 = arith.addi %mul3A_32, %mul3A_128 : i32
      %dma_wait3A_130 = arith.constant 0 : i32
      %dma_wait3A_131 = tpu.memref_slice %arg2[%select_n3A, %add3A_129, %dma_wait3A_130] : memref<4x2048x1024xf32, #tpu.memory_space<hbm>> -> memref<1x16x1024xf32, #tpu.memory_space<hbm>>
      %dma_wait3A_132 = tpu.memref_squeeze %dma_wait3A_131 : memref<1x16x1024xf32, #tpu.memory_space<hbm>> -> memref<16x1024xf32, #tpu.memory_space<hbm>>
      %dma_wait3A_133 = arith.constant 0 : i32
      %dma_wait3A_134 = tpu.memref_slice %arg2[%select_n3A, %add3A_129, %dma_wait3A_133] : memref<4x2048x1024xf32, #tpu.memory_space<hbm>> -> memref<1x16x1024xf32, #tpu.memory_space<hbm>>
      %dma_wait3A_135 = tpu.memref_squeeze %dma_wait3A_134 : memref<1x16x1024xf32, #tpu.memory_space<hbm>> -> memref<16x1024xf32, #tpu.memory_space<hbm>>
      tpu.wait_dma2 semaphore(%arg12 : memref<!tpu.dma_semaphore, #tpu.memory_space<semaphore_mem>>) src(%dma_wait3A_135 : memref<16x1024xf32, #tpu.memory_space<hbm>>) dst(%arg8 : memref<16x1024xf32, #tpu.memory_space<vmem>>)
      %mul3A_136 = arith.constant 16 : i32
      %mul3A_137 = arith.muli %add3A_126, %mul3A_136 : i32
      %dma_wait3A_138 = tpu.memref_slice %arg6[%mul3A_137] : memref<256xi32, #tpu.memory_space<vmem>> -> memref<16xi32, #tpu.memory_space<vmem>>
      %dma_wait3A_139 = arith.constant 0 : i32
      %dma_wait3A_140 = arith.constant 0 : i32
      %dma_wait3A_141 = tpu.memref_slice %arg4[%dma_wait3A_139, %dma_wait3A_140] : memref<8192x1024xf32, #tpu.memory_space<hbm>> -> memref<8192x1024xf32, #tpu.memory_space<hbm>>
      tpu.wait_indirect_dma semaphore(%arg14 : memref<!tpu.dma_semaphore, #tpu.memory_space<semaphore_mem>>) src(%dma_wait3A_141 : memref<8192x1024xf32, #tpu.memory_space<hbm>>) dst(%arg10 : memref<16x1024xf32, #tpu.memory_space<vmem>>)
      %parallel_loop3A_142 = arith.constant 0 : i32
      %parallel_loop3A_143 = arith.constant 16 : i32
      %parallel_loop3A_144 = arith.constant 1 : i32
      scf.for %parallel_loop3A_154 = %parallel_loop3A_142 to %parallel_loop3A_143 step %parallel_loop3A_144  : i32 {
        %parallel_loop3A_155 = arith.index_cast %parallel_loop3A_154 : i32 to index
        %parallel_loop3A_156 = arith.constant 0 : index
        %parallel_loop3A_157 = tpu.vector_load %arg8[%parallel_loop3A_155, %parallel_loop3A_156] {strides = array<i32>} : memref<16x1024xf32, #tpu.memory_space<vmem>>, vector<1x16xf32>,
        %parallel_loop3A_158 = vector.shape_cast %parallel_loop3A_157 : vector<1x16xf32> to vector<16xf32>
        %parallel_loop3A_159 = arith.index_cast %parallel_loop3A_154 : i32 to index
        %parallel_loop3A_160 = arith.constant 0 : index
        %parallel_loop3A_161 = tpu.vector_load %arg10[%parallel_loop3A_159, %parallel_loop3A_160] {strides = array<i32>} : memref<16x1024xf32, #tpu.memory_space<vmem>>, vector<1x16xf32>,
        %parallel_loop3A_162 = vector.shape_cast %parallel_loop3A_161 : vector<1x16xf32> to vector<16xf32>
        %parallel_loop3A_163 = arith.addf %parallel_loop3A_158, %parallel_loop3A_162 : vector<16xf32>
        %parallel_loop3A_164 = arith.index_cast %parallel_loop3A_154 : i32 to index
        %parallel_loop3A_165 = arith.constant 0 : index
        %parallel_loop3A_166 = tpu.vector_load %arg8[%parallel_loop3A_164, %parallel_loop3A_165] {strides = array<i32>} : memref<16x1024xf32, #tpu.memory_space<vmem>>, vector<1x16xf32>,
        %parallel_loop3A_167 = vector.shape_cast %parallel_loop3A_166 : vector<1x16xf32> to vector<16xf32>
        %parallel_loop3A_168 = vector.shape_cast %parallel_loop3A_163 : vector<16xf32> to vector<1x16xf32>
        tpu.vector_store %arg8[%parallel_loop3A_164, %parallel_loop3A_165], %parallel_loop3A_168 {strides = array<i32>} : memref<16x1024xf32, #tpu.memory_space<vmem>>, vector<1x16xf32>,
        %parallel_loop3A_169 = arith.index_cast %parallel_loop3A_154 : i32 to index
        %parallel_loop3A_170 = arith.constant 16 : index
        %parallel_loop3A_171 = tpu.vector_load %arg8[%parallel_loop3A_169, %parallel_loop3A_170] {strides = array<i32>} : memref<16x1024xf32, #tpu.memory_space<vmem>>, vector<1x16xf32>,
        %parallel_loop3A_172 = vector.shape_cast %parallel_loop3A_171 : vector<1x16xf32> to vector<16xf32>
        %parallel_loop3A_173 = arith.index_cast %parallel_loop3A_154 : i32 to index
        %parallel_loop3A_174 = arith.constant 16 : index
        %parallel_loop3A_175 = tpu.vector_load %arg10[%parallel_loop3A_173, %parallel_loop3A_174] {strides = array<i32>} : memref<16x1024xf32, #tpu.memory_space<vmem>>, vector<1x16xf32>,
        %parallel_loop3A_176 = vector.shape_cast %parallel_loop3A_175 : vector<1x16xf32> to vector<16xf32>
        %parallel_loop3A_177 = arith.addf %parallel_loop3A_172, %parallel_loop3A_176 : vector<16xf32>
        %parallel_loop3A_178 = arith.index_cast %parallel_loop3A_154 : i32 to index
        %parallel_loop3A_179 = arith.constant 16 : index
        %parallel_loop3A_180 = tpu.vector_load %arg8[%parallel_loop3A_178, %parallel_loop3A_179] {strides = array<i32>} : memref<16x1024xf32, #tpu.memory_space<vmem>>, vector<1x16xf32>,
        %parallel_loop3A_181 = vector.shape_cast %parallel_loop3A_180 : vector<1x16xf32> to vector<16xf32>
        %parallel_loop3A_182 = vector.shape_cast %parallel_loop3A_177 : vector<16xf32> to vector<1x16xf32>
        tpu.vector_store %arg8[%parallel_loop3A_178, %parallel_loop3A_179], %parallel_loop3A_182 {strides = array<i32>} : memref<16x1024xf32, #tpu.memory_space<vmem>>, vector<1x16xf32>,
        %parallel_loop3A_183 = arith.index_cast %parallel_loop3A_154 : i32 to index
        %parallel_loop3A_184 = arith.constant 32 : index
        %parallel_loop3A_185 = tpu.vector_load %arg8[%parallel_loop3A_183, %parallel_loop3A_184] {strides = array<i32>} : memref<16x1024xf32, #tpu.memory_space<vmem>>, vector<1x16xf32>,
        %parallel_loop3A_186 = vector.shape_cast %parallel_loop3A_185 : vector<1x16xf32> to vector<16xf32>
        %parallel_loop3A_187 = arith.index_cast %parallel_loop3A_154 : i32 to index
        %parallel_loop3A_188 = arith.constant 32 : index
        %parallel_loop3A_189 = tpu.vector_load %arg10[%parallel_loop3A_187, %parallel_loop3A_188] {strides = array<i32>} : memref<16x1024xf32, #tpu.memory_space<vmem>>, vector<1x16xf32>,
        %parallel_loop3A_190 = vector.shape_cast %parallel_loop3A_189 : vector<1x16xf32> to vector<16xf32>
        %parallel_loop3A_191 = arith.addf %parallel_loop3A_186, %parallel_loop3A_190 : vector<16xf32>
        %parallel_loop3A_192 = arith.index_cast %parallel_loop3A_154 : i32 to index
        %parallel_loop3A_193 = arith.constant 32 : index
        %parallel_loop3A_194 = tpu.vector_load %arg8[%parallel_loop3A_192, %parallel_loop3A_193] {strides = array<i32>} : memref<16x1024xf32, #tpu.memory_space<vmem>>, vector<1x16xf32>,
        %parallel_loop3A_195 = vector.shape_cast %parallel_loop3A_194 : vector<1x16xf32> to vector<16xf32>
        %parallel_loop3A_196 = vector.shape_cast %parallel_loop3A_191 : vector<16xf32> to vector<1x16xf32>
        tpu.vector_store %arg8[%parallel_loop3A_192, %parallel_loop3A_193], %parallel_loop3A_196 {strides = array<i32>} : memref<16x1024xf32, #tpu.memory_space<vmem>>, vector<1x16xf32>,
        %parallel_loop3A_197 = arith.index_cast %parallel_loop3A_154 : i32 to index
        %parallel_loop3A_198 = arith.constant 48 : index
        %parallel_loop3A_199 = tpu.vector_load %arg8[%parallel_loop3A_197, %parallel_loop3A_198] {strides = array<i32>} : memref<16x1024xf32, #tpu.memory_space<vmem>>, vector<1x16xf32>,
        %parallel_loop3A_200 = vector.shape_cast %parallel_loop3A_199 : vector<1x16xf32> to vector<16xf32>
        %parallel_loop3A_201 = arith.index_cast %parallel_loop3A_154 : i32 to index
        %parallel_loop3A_202 = arith.constant 48 : index
        %parallel_loop3A_203 = tpu.vector_load %arg10[%parallel_loop3A_201, %parallel_loop3A_202] {strides = array<i32>} : memref<16x1024xf32, #tpu.memory_space<vmem>>, vector<1x16xf32>,
        %parallel_loop3A_204 = vector.shape_cast %parallel_loop3A_203 : vector<1x16xf32> to vector<16xf32>
        %parallel_loop3A_205 = arith.addf %parallel_loop3A_200, %parallel_loop3A_204 : vector<16xf32>
        %parallel_loop3A_206 = arith.index_cast %parallel_loop3A_154 : i32 to index
        %parallel_loop3A_207 = arith.constant 48 : index
        %parallel_loop3A_208 = tpu.vector_load %arg8[%parallel_loop3A_206, %parallel_loop3A_207] {strides = array<i32>} : memref<16x1024xf32, #tpu.memory_space<vmem>>, vector<1x16xf32>,
        %parallel_loop3A_209 = vector.shape_cast %parallel_loop3A_208 : vector<1x16xf32> to vector<16xf32>
        %parallel_loop3A_210 = vector.shape_cast %parallel_loop3A_205 : vector<16xf32> to vector<1x16xf32>
        tpu.vector_store %arg8[%parallel_loop3A_206, %parallel_loop3A_207], %parallel_loop3A_210 {strides = array<i32>} : memref<16x1024xf32, #tpu.memory_space<vmem>>, vector<1x16xf32>,
        %parallel_loop3A_211 = arith.index_cast %parallel_loop3A_154 : i32 to index
        %parallel_loop3A_212 = arith.constant 64 : index
        %parallel_loop3A_213 = tpu.vector_load %arg8[%parallel_loop3A_211, %parallel_loop3A_212] {strides = array<i32>} : memref<16x1024xf32, #tpu.memory_space<vmem>>, vector<1x16xf32>,
        %parallel_loop3A_214 = vector.shape_cast %parallel_loop3A_213 : vector<1x16xf32> to vector<16xf32>
        %parallel_loop3A_215 = arith.index_cast %parallel_loop3A_154 : i32 to index
        %parallel_loop3A_216 = arith.constant 64 : index
        %parallel_loop3A_217 = tpu.vector_load %arg10[%parallel_loop3A_215, %parallel_loop3A_216] {strides = array<i32>} : memref<16x1024xf32, #tpu.memory_space<vmem>>, vector<1x16xf32>,
        %parallel_loop3A_218 = vector.shape_cast %parallel_loop3A_217 : vector<1x16xf32> to vector<16xf32>
        %parallel_loop3A_219 = arith.addf %parallel_loop3A_214, %parallel_loop3A_218 : vector<16xf32>
        %parallel_loop3A_220 = arith.index_cast %parallel_loop3A_154 : i32 to index
        %parallel_loop3A_221 = arith.constant 64 : index
        %parallel_loop3A_222 = tpu.vector_load %arg8[%parallel_loop3A_220, %parallel_loop3A_221] {strides = array<i32>} : memref<16x1024xf32, #tpu.memory_space<vmem>>, vector<1x16xf32>,
        %parallel_loop3A_223 = vector.shape_cast %parallel_loop3A_222 : vector<1x16xf32> to vector<16xf32>
        %parallel_loop3A_224 = vector.shape_cast %parallel_loop3A_219 : vector<16xf32> to vector<1x16xf32>
        tpu.vector_store %arg8[%parallel_loop3A_220, %parallel_loop3A_221], %parallel_loop3A_224 {strides = array<i32>} : memref<16x1024xf32, #tpu.memory_space<vmem>>, vector<1x16xf32>,
        %parallel_loop3A_225 = arith.index_cast %parallel_loop3A_154 : i32 to index
        %parallel_loop3A_226 = arith.constant 80 : index
        %parallel_loop3A_227 = tpu.vector_load %arg8[%parallel_loop3A_225, %parallel_loop3A_226] {strides = array<i32>} : memref<16x1024xf32, #tpu.memory_space<vmem>>, vector<1x16xf32>,
        %parallel_loop3A_228 = vector.shape_cast %parallel_loop3A_227 : vector<1x16xf32> to vector<16xf32>
        %parallel_loop3A_229 = arith.index_cast %parallel_loop3A_154 : i32 to index
        %parallel_loop3A_230 = arith.constant 80 : index
        %parallel_loop3A_231 = tpu.vector_load %arg10[%parallel_loop3A_229, %parallel_loop3A_230] {strides = array<i32>} : memref<16x1024xf32, #tpu.memory_space<vmem>>, vector<1x16xf32>,
        %parallel_loop3A_232 = vector.shape_cast %parallel_loop3A_231 : vector<1x16xf32> to vector<16xf32>
        %parallel_loop3A_233 = arith.addf %parallel_loop3A_228, %parallel_loop3A_232 : vector<16xf32>
        %parallel_loop3A_234 = arith.index_cast %parallel_loop3A_154 : i32 to index
        %parallel_loop3A_235 = arith.constant 80 : index
        %parallel_loop3A_236 = tpu.vector_load %arg8[%parallel_loop3A_234, %parallel_loop3A_235] {strides = array<i32>} : memref<16x1024xf32, #tpu.memory_space<vmem>>, vector<1x16xf32>,
        %parallel_loop3A_237 = vector.shape_cast %parallel_loop3A_236 : vector<1x16xf32> to vector<16xf32>
        %parallel_loop3A_238 = vector.shape_cast %parallel_loop3A_233 : vector<16xf32> to vector<1x16xf32>
        tpu.vector_store %arg8[%parallel_loop3A_234, %parallel_loop3A_235], %parallel_loop3A_238 {strides = array<i32>} : memref<16x1024xf32, #tpu.memory_space<vmem>>, vector<1x16xf32>,
        %parallel_loop3A_239 = arith.index_cast %parallel_loop3A_154 : i32 to index
        %parallel_loop3A_240 = arith.constant 96 : index
        %parallel_loop3A_241 = tpu.vector_load %arg8[%parallel_loop3A_239, %parallel_loop3A_240] {strides = array<i32>} : memref<16x1024xf32, #tpu.memory_space<vmem>>, vector<1x16xf32>,
        %parallel_loop3A_242 = vector.shape_cast %parallel_loop3A_241 : vector<1x16xf32> to vector<16xf32>
        %parallel_loop3A_243 = arith.index_cast %parallel_loop3A_154 : i32 to index
        %parallel_loop3A_244 = arith.constant 96 : index
        %parallel_loop3A_245 = tpu.vector_load %arg10[%parallel_loop3A_243, %parallel_loop3A_244] {strides = array<i32>} : memref<16x1024xf32, #tpu.memory_space<vmem>>, vector<1x16xf32>,
        %parallel_loop3A_246 = vector.shape_cast %parallel_loop3A_245 : vector<1x16xf32> to vector<16xf32>
        %parallel_loop3A_247 = arith.addf %parallel_loop3A_242, %parallel_loop3A_246 : vector<16xf32>
        %parallel_loop3A_248 = arith.index_cast %parallel_loop3A_154 : i32 to index
        %parallel_loop3A_249 = arith.constant 96 : index
        %parallel_loop3A_250 = tpu.vector_load %arg8[%parallel_loop3A_248, %parallel_loop3A_249] {strides = array<i32>} : memref<16x1024xf32, #tpu.memory_space<vmem>>, vector<1x16xf32>,
        %parallel_loop3A_251 = vector.shape_cast %parallel_loop3A_250 : vector<1x16xf32> to vector<16xf32>
        %parallel_loop3A_252 = vector.shape_cast %parallel_loop3A_247 : vector<16xf32> to vector<1x16xf32>
        tpu.vector_store %arg8[%parallel_loop3A_248, %parallel_loop3A_249], %parallel_loop3A_252 {strides = array<i32>} : memref<16x1024xf32, #tpu.memory_space<vmem>>, vector<1x16xf32>,
        %parallel_loop3A_253 = arith.index_cast %parallel_loop3A_154 : i32 to index
        %parallel_loop3A_254 = arith.constant 112 : index
        %parallel_loop3A_255 = tpu.vector_load %arg8[%parallel_loop3A_253, %parallel_loop3A_254] {strides = array<i32>} : memref<16x1024xf32, #tpu.memory_space<vmem>>, vector<1x16xf32>,
        %parallel_loop3A_256 = vector.shape_cast %parallel_loop3A_255 : vector<1x16xf32> to vector<16xf32>
        %parallel_loop3A_257 = arith.index_cast %parallel_loop3A_154 : i32 to index
        %parallel_loop3A_258 = arith.constant 112 : index
        %parallel_loop3A_259 = tpu.vector_load %arg10[%parallel_loop3A_257, %parallel_loop3A_258] {strides = array<i32>} : memref<16x1024xf32, #tpu.memory_space<vmem>>, vector<1x16xf32>,
        %parallel_loop3A_260 = vector.shape_cast %parallel_loop3A_259 : vector<1x16xf32> to vector<16xf32>
        %parallel_loop3A_261 = arith.addf %parallel_loop3A_256, %parallel_loop3A_260 : vector<16xf32>
        %parallel_loop3A_262 = arith.index_cast %parallel_loop3A_154 : i32 to index
        %parallel_loop3A_263 = arith.constant 112 : index
        %parallel_loop3A_264 = tpu.vector_load %arg8[%parallel_loop3A_262, %parallel_loop3A_263] {strides = array<i32>} : memref<16x1024xf32, #tpu.memory_space<vmem>>, vector<1x16xf32>,
        %parallel_loop3A_265 = vector.shape_cast %parallel_loop3A_264 : vector<1x16xf32> to vector<16xf32>
        %parallel_loop3A_266 = vector.shape_cast %parallel_loop3A_261 : vector<16xf32> to vector<1x16xf32>
        tpu.vector_store %arg8[%parallel_loop3A_262, %parallel_loop3A_263], %parallel_loop3A_266 {strides = array<i32>} : memref<16x1024xf32, #tpu.memory_space<vmem>>, vector<1x16xf32>,
        %parallel_loop3A_267 = arith.index_cast %parallel_loop3A_154 : i32 to index
        %parallel_loop3A_268 = arith.constant 128 : index
        %parallel_loop3A_269 = tpu.vector_load %arg8[%parallel_loop3A_267, %parallel_loop3A_268] {strides = array<i32>} : memref<16x1024xf32, #tpu.memory_space<vmem>>, vector<1x16xf32>,
        %parallel_loop3A_270 = vector.shape_cast %parallel_loop3A_269 : vector<1x16xf32> to vector<16xf32>
        %parallel_loop3A_271 = arith.index_cast %parallel_loop3A_154 : i32 to index
        %parallel_loop3A_272 = arith.constant 128 : index
        %parallel_loop3A_273 = tpu.vector_load %arg10[%parallel_loop3A_271, %parallel_loop3A_272] {strides = array<i32>} : memref<16x1024xf32, #tpu.memory_space<vmem>>, vector<1x16xf32>,
        %parallel_loop3A_274 = vector.shape_cast %parallel_loop3A_273 : vector<1x16xf32> to vector<16xf32>
        %parallel_loop3A_275 = arith.addf %parallel_loop3A_270, %parallel_loop3A_274 : vector<16xf32>
        %parallel_loop3A_276 = arith.index_cast %parallel_loop3A_154 : i32 to index
        %parallel_loop3A_277 = arith.constant 128 : index
        %parallel_loop3A_278 = tpu.vector_load %arg8[%parallel_loop3A_276, %parallel_loop3A_277] {strides = array<i32>} : memref<16x1024xf32, #tpu.memory_space<vmem>>, vector<1x16xf32>,
        %parallel_loop3A_279 = vector.shape_cast %parallel_loop3A_278 : vector<1x16xf32> to vector<16xf32>
        %parallel_loop3A_280 = vector.shape_cast %parallel_loop3A_275 : vector<16xf32> to vector<1x16xf32>
        tpu.vector_store %arg8[%parallel_loop3A_276, %parallel_loop3A_277], %parallel_loop3A_280 {strides = array<i32>} : memref<16x1024xf32, #tpu.memory_space<vmem>>, vector<1x16xf32>,
        %parallel_loop3A_281 = arith.index_cast %parallel_loop3A_154 : i32 to index
        %parallel_loop3A_282 = arith.constant 144 : index
        %parallel_loop3A_283 = tpu.vector_load %arg8[%parallel_loop3A_281, %parallel_loop3A_282] {strides = array<i32>} : memref<16x1024xf32, #tpu.memory_space<vmem>>, vector<1x16xf32>,
        %parallel_loop3A_284 = vector.shape_cast %parallel_loop3A_283 : vector<1x16xf32> to vector<16xf32>
        %parallel_loop3A_285 = arith.index_cast %parallel_loop3A_154 : i32 to index
        %parallel_loop3A_286 = arith.constant 144 : index
        %parallel_loop3A_287 = tpu.vector_load %arg10[%parallel_loop3A_285, %parallel_loop3A_286] {strides = array<i32>} : memref<16x1024xf32, #tpu.memory_space<vmem>>, vector<1x16xf32>,
        %parallel_loop3A_288 = vector.shape_cast %parallel_loop3A_287 : vector<1x16xf32> to vector<16xf32>
        %parallel_loop3A_289 = arith.addf %parallel_loop3A_284, %parallel_loop3A_288 : vector<16xf32>
        %parallel_loop3A_290 = arith.index_cast %parallel_loop3A_154 : i32 to index
        %parallel_loop3A_291 = arith.constant 144 : index
        %parallel_loop3A_292 = tpu.vector_load %arg8[%parallel_loop3A_290, %parallel_loop3A_291] {strides = array<i32>} : memref<16x1024xf32, #tpu.memory_space<vmem>>, vector<1x16xf32>,
        %parallel_loop3A_293 = vector.shape_cast %parallel_loop3A_292 : vector<1x16xf32> to vector<16xf32>
        %parallel_loop3A_294 = vector.shape_cast %parallel_loop3A_289 : vector<16xf32> to vector<1x16xf32>
        tpu.vector_store %arg8[%parallel_loop3A_290, %parallel_loop3A_291], %parallel_loop3A_294 {strides = array<i32>} : memref<16x1024xf32, #tpu.memory_space<vmem>>, vector<1x16xf32>,
        %parallel_loop3A_295 = arith.index_cast %parallel_loop3A_154 : i32 to index
        %parallel_loop3A_296 = arith.constant 160 : index
        %parallel_loop3A_297 = tpu.vector_load %arg8[%parallel_loop3A_295, %parallel_loop3A_296] {strides = array<i32>} : memref<16x1024xf32, #tpu.memory_space<vmem>>, vector<1x16xf32>,
        %parallel_loop3A_298 = vector.shape_cast %parallel_loop3A_297 : vector<1x16xf32> to vector<16xf32>
        %parallel_loop3A_299 = arith.index_cast %parallel_loop3A_154 : i32 to index
        %parallel_loop3A_300 = arith.constant 160 : index
        %parallel_loop3A_301 = tpu.vector_load %arg10[%parallel_loop3A_299, %parallel_loop3A_300] {strides = array<i32>} : memref<16x1024xf32, #tpu.memory_space<vmem>>, vector<1x16xf32>,
        %parallel_loop3A_302 = vector.shape_cast %parallel_loop3A_301 : vector<1x16xf32> to vector<16xf32>
        %parallel_loop3A_303 = arith.addf %parallel_loop3A_298, %parallel_loop3A_302 : vector<16xf32>
        %parallel_loop3A_304 = arith.index_cast %parallel_loop3A_154 : i32 to index
        %parallel_loop3A_305 = arith.constant 160 : index
        %parallel_loop3A_306 = tpu.vector_load %arg8[%parallel_loop3A_304, %parallel_loop3A_305] {strides = array<i32>} : memref<16x1024xf32, #tpu.memory_space<vmem>>, vector<1x16xf32>,
        %parallel_loop3A_307 = vector.shape_cast %parallel_loop3A_306 : vector<1x16xf32> to vector<16xf32>
        %parallel_loop3A_308 = vector.shape_cast %parallel_loop3A_303 : vector<16xf32> to vector<1x16xf32>
        tpu.vector_store %arg8[%parallel_loop3A_304, %parallel_loop3A_305], %parallel_loop3A_308 {strides = array<i32>} : memref<16x1024xf32, #tpu.memory_space<vmem>>, vector<1x16xf32>,
        %parallel_loop3A_309 = arith.index_cast %parallel_loop3A_154 : i32 to index
        %parallel_loop3A_310 = arith.constant 176 : index
        %parallel_loop3A_311 = tpu.vector_load %arg8[%parallel_loop3A_309, %parallel_loop3A_310] {strides = array<i32>} : memref<16x1024xf32, #tpu.memory_space<vmem>>, vector<1x16xf32>,
        %parallel_loop3A_312 = vector.shape_cast %parallel_loop3A_311 : vector<1x16xf32> to vector<16xf32>
        %parallel_loop3A_313 = arith.index_cast %parallel_loop3A_154 : i32 to index
        %parallel_loop3A_314 = arith.constant 176 : index
        %parallel_loop3A_315 = tpu.vector_load %arg10[%parallel_loop3A_313, %parallel_loop3A_314] {strides = array<i32>} : memref<16x1024xf32, #tpu.memory_space<vmem>>, vector<1x16xf32>,
        %parallel_loop3A_316 = vector.shape_cast %parallel_loop3A_315 : vector<1x16xf32> to vector<16xf32>
        %parallel_loop3A_317 = arith.addf %parallel_loop3A_312, %parallel_loop3A_316 : vector<16xf32>
        %parallel_loop3A_318 = arith.index_cast %parallel_loop3A_154 : i32 to index
        %parallel_loop3A_319 = arith.constant 176 : index
        %parallel_loop3A_320 = tpu.vector_load %arg8[%parallel_loop3A_318, %parallel_loop3A_319] {strides = array<i32>} : memref<16x1024xf32, #tpu.memory_space<vmem>>, vector<1x16xf32>,
        %parallel_loop3A_321 = vector.shape_cast %parallel_loop3A_320 : vector<1x16xf32> to vector<16xf32>
        %parallel_loop3A_322 = vector.shape_cast %parallel_loop3A_317 : vector<16xf32> to vector<1x16xf32>
        tpu.vector_store %arg8[%parallel_loop3A_318, %parallel_loop3A_319], %parallel_loop3A_322 {strides = array<i32>} : memref<16x1024xf32, #tpu.memory_space<vmem>>, vector<1x16xf32>,
        %parallel_loop3A_323 = arith.index_cast %parallel_loop3A_154 : i32 to index
        %parallel_loop3A_324 = arith.constant 192 : index
        %parallel_loop3A_325 = tpu.vector_load %arg8[%parallel_loop3A_323, %parallel_loop3A_324] {strides = array<i32>} : memref<16x1024xf32, #tpu.memory_space<vmem>>, vector<1x16xf32>,
        %parallel_loop3A_326 = vector.shape_cast %parallel_loop3A_325 : vector<1x16xf32> to vector<16xf32>
        %parallel_loop3A_327 = arith.index_cast %parallel_loop3A_154 : i32 to index
        %parallel_loop3A_328 = arith.constant 192 : index
        %parallel_loop3A_329 = tpu.vector_load %arg10[%parallel_loop3A_327, %parallel_loop3A_328] {strides = array<i32>} : memref<16x1024xf32, #tpu.memory_space<vmem>>, vector<1x16xf32>,
        %parallel_loop3A_330 = vector.shape_cast %parallel_loop3A_329 : vector<1x16xf32> to vector<16xf32>
        %parallel_loop3A_331 = arith.addf %parallel_loop3A_326, %parallel_loop3A_330 : vector<16xf32>
        %parallel_loop3A_332 = arith.index_cast %parallel_loop3A_154 : i32 to index
        %parallel_loop3A_333 = arith.constant 192 : index
        %parallel_loop3A_334 = tpu.vector_load %arg8[%parallel_loop3A_332, %parallel_loop3A_333] {strides = array<i32>} : memref<16x1024xf32, #tpu.memory_space<vmem>>, vector<1x16xf32>,
        %parallel_loop3A_335 = vector.shape_cast %parallel_loop3A_334 : vector<1x16xf32> to vector<16xf32>
        %parallel_loop3A_336 = vector.shape_cast %parallel_loop3A_331 : vector<16xf32> to vector<1x16xf32>
        tpu.vector_store %arg8[%parallel_loop3A_332, %parallel_loop3A_333], %parallel_loop3A_336 {strides = array<i32>} : memref<16x1024xf32, #tpu.memory_space<vmem>>, vector<1x16xf32>,
        %parallel_loop3A_337 = arith.index_cast %parallel_loop3A_154 : i32 to index
        %parallel_loop3A_338 = arith.constant 208 : index
        %parallel_loop3A_339 = tpu.vector_load %arg8[%parallel_loop3A_337, %parallel_loop3A_338] {strides = array<i32>} : memref<16x1024xf32, #tpu.memory_space<vmem>>, vector<1x16xf32>,
        %parallel_loop3A_340 = vector.shape_cast %parallel_loop3A_339 : vector<1x16xf32> to vector<16xf32>
        %parallel_loop3A_341 = arith.index_cast %parallel_loop3A_154 : i32 to index
        %parallel_loop3A_342 = arith.constant 208 : index
        %parallel_loop3A_343 = tpu.vector_load %arg10[%parallel_loop3A_341, %parallel_loop3A_342] {strides = array<i32>} : memref<16x1024xf32, #tpu.memory_space<vmem>>, vector<1x16xf32>,
        %parallel_loop3A_344 = vector.shape_cast %parallel_loop3A_343 : vector<1x16xf32> to vector<16xf32>
        %parallel_loop3A_345 = arith.addf %parallel_loop3A_340, %parallel_loop3A_344 : vector<16xf32>
        %parallel_loop3A_346 = arith.index_cast %parallel_loop3A_154 : i32 to index
        %parallel_loop3A_347 = arith.constant 208 : index
        %parallel_loop3A_348 = tpu.vector_load %arg8[%parallel_loop3A_346, %parallel_loop3A_347] {strides = array<i32>} : memref<16x1024xf32, #tpu.memory_space<vmem>>, vector<1x16xf32>,
        %parallel_loop3A_349 = vector.shape_cast %parallel_loop3A_348 : vector<1x16xf32> to vector<16xf32>
        %parallel_loop3A_350 = vector.shape_cast %parallel_loop3A_345 : vector<16xf32> to vector<1x16xf32>
        tpu.vector_store %arg8[%parallel_loop3A_346, %parallel_loop3A_347], %parallel_loop3A_350 {strides = array<i32>} : memref<16x1024xf32, #tpu.memory_space<vmem>>, vector<1x16xf32>,
        %parallel_loop3A_351 = arith.index_cast %parallel_loop3A_154 : i32 to index
        %parallel_loop3A_352 = arith.constant 224 : index
        %parallel_loop3A_353 = tpu.vector_load %arg8[%parallel_loop3A_351, %parallel_loop3A_352] {strides = array<i32>} : memref<16x1024xf32, #tpu.memory_space<vmem>>, vector<1x16xf32>,
        %parallel_loop3A_354 = vector.shape_cast %parallel_loop3A_353 : vector<1x16xf32> to vector<16xf32>
        %parallel_loop3A_355 = arith.index_cast %parallel_loop3A_154 : i32 to index
        %parallel_loop3A_356 = arith.constant 224 : index
        %parallel_loop3A_357 = tpu.vector_load %arg10[%parallel_loop3A_355, %parallel_loop3A_356] {strides = array<i32>} : memref<16x1024xf32, #tpu.memory_space<vmem>>, vector<1x16xf32>,
        %parallel_loop3A_358 = vector.shape_cast %parallel_loop3A_357 : vector<1x16xf32> to vector<16xf32>
        %parallel_loop3A_359 = arith.addf %parallel_loop3A_354, %parallel_loop3A_358 : vector<16xf32>
        %parallel_loop3A_360 = arith.index_cast %parallel_loop3A_154 : i32 to index
        %parallel_loop3A_361 = arith.constant 224 : index
        %parallel_loop3A_362 = tpu.vector_load %arg8[%parallel_loop3A_360, %parallel_loop3A_361] {strides = array<i32>} : memref<16x1024xf32, #tpu.memory_space<vmem>>, vector<1x16xf32>,
        %parallel_loop3A_363 = vector.shape_cast %parallel_loop3A_362 : vector<1x16xf32> to vector<16xf32>
        %parallel_loop3A_364 = vector.shape_cast %parallel_loop3A_359 : vector<16xf32> to vector<1x16xf32>
        tpu.vector_store %arg8[%parallel_loop3A_360, %parallel_loop3A_361], %parallel_loop3A_364 {strides = array<i32>} : memref<16x1024xf32, #tpu.memory_space<vmem>>, vector<1x16xf32>,
        %parallel_loop3A_365 = arith.index_cast %parallel_loop3A_154 : i32 to index
        %parallel_loop3A_366 = arith.constant 240 : index
        %parallel_loop3A_367 = tpu.vector_load %arg8[%parallel_loop3A_365, %parallel_loop3A_366] {strides = array<i32>} : memref<16x1024xf32, #tpu.memory_space<vmem>>, vector<1x16xf32>,
        %parallel_loop3A_368 = vector.shape_cast %parallel_loop3A_367 : vector<1x16xf32> to vector<16xf32>
        %parallel_loop3A_369 = arith.index_cast %parallel_loop3A_154 : i32 to index
        %parallel_loop3A_370 = arith.constant 240 : index
        %parallel_loop3A_371 = tpu.vector_load %arg10[%parallel_loop3A_369, %parallel_loop3A_370] {strides = array<i32>} : memref<16x1024xf32, #tpu.memory_space<vmem>>, vector<1x16xf32>,
        %parallel_loop3A_372 = vector.shape_cast %parallel_loop3A_371 : vector<1x16xf32> to vector<16xf32>
        %parallel_loop3A_373 = arith.addf %parallel_loop3A_368, %parallel_loop3A_372 : vector<16xf32>
        %parallel_loop3A_374 = arith.index_cast %parallel_loop3A_154 : i32 to index
        %parallel_loop3A_375 = arith.constant 240 : index
        %parallel_loop3A_376 = tpu.vector_load %arg8[%parallel_loop3A_374, %parallel_loop3A_375] {strides = array<i32>} : memref<16x1024xf32, #tpu.memory_space<vmem>>, vector<1x16xf32>,
        %parallel_loop3A_377 = vector.shape_cast %parallel_loop3A_376 : vector<1x16xf32> to vector<16xf32>
        %parallel_loop3A_378 = vector.shape_cast %parallel_loop3A_373 : vector<16xf32> to vector<1x16xf32>
        tpu.vector_store %arg8[%parallel_loop3A_374, %parallel_loop3A_375], %parallel_loop3A_378 {strides = array<i32>} : memref<16x1024xf32, #tpu.memory_space<vmem>>, vector<1x16xf32>,
        %parallel_loop3A_379 = arith.index_cast %parallel_loop3A_154 : i32 to index
        %parallel_loop3A_380 = arith.constant 256 : index
        %parallel_loop3A_381 = tpu.vector_load %arg8[%parallel_loop3A_379, %parallel_loop3A_380] {strides = array<i32>} : memref<16x1024xf32, #tpu.memory_space<vmem>>, vector<1x16xf32>,
        %parallel_loop3A_382 = vector.shape_cast %parallel_loop3A_381 : vector<1x16xf32> to vector<16xf32>
        %parallel_loop3A_383 = arith.index_cast %parallel_loop3A_154 : i32 to index
        %parallel_loop3A_384 = arith.constant 256 : index
        %parallel_loop3A_385 = tpu.vector_load %arg10[%parallel_loop3A_383, %parallel_loop3A_384] {strides = array<i32>} : memref<16x1024xf32, #tpu.memory_space<vmem>>, vector<1x16xf32>,
        %parallel_loop3A_386 = vector.shape_cast %parallel_loop3A_385 : vector<1x16xf32> to vector<16xf32>
        %parallel_loop3A_387 = arith.addf %parallel_loop3A_382, %parallel_loop3A_386 : vector<16xf32>
        %parallel_loop3A_388 = arith.index_cast %parallel_loop3A_154 : i32 to index
        %parallel_loop3A_389 = arith.constant 256 : index
        %parallel_loop3A_390 = tpu.vector_load %arg8[%parallel_loop3A_388, %parallel_loop3A_389] {strides = array<i32>} : memref<16x1024xf32, #tpu.memory_space<vmem>>, vector<1x16xf32>,
        %parallel_loop3A_391 = vector.shape_cast %parallel_loop3A_390 : vector<1x16xf32> to vector<16xf32>
        %parallel_loop3A_392 = vector.shape_cast %parallel_loop3A_387 : vector<16xf32> to vector<1x16xf32>
        tpu.vector_store %arg8[%parallel_loop3A_388, %parallel_loop3A_389], %parallel_loop3A_392 {strides = array<i32>} : memref<16x1024xf32, #tpu.memory_space<vmem>>, vector<1x16xf32>,
        %parallel_loop3A_393 = arith.index_cast %parallel_loop3A_154 : i32 to index
        %parallel_loop3A_394 = arith.constant 272 : index
        %parallel_loop3A_395 = tpu.vector_load %arg8[%parallel_loop3A_393, %parallel_loop3A_394] {strides = array<i32>} : memref<16x1024xf32, #tpu.memory_space<vmem>>, vector<1x16xf32>,
        %parallel_loop3A_396 = vector.shape_cast %parallel_loop3A_395 : vector<1x16xf32> to vector<16xf32>
        %parallel_loop3A_397 = arith.index_cast %parallel_loop3A_154 : i32 to index
        %parallel_loop3A_398 = arith.constant 272 : index
        %parallel_loop3A_399 = tpu.vector_load %arg10[%parallel_loop3A_397, %parallel_loop3A_398] {strides = array<i32>} : memref<16x1024xf32, #tpu.memory_space<vmem>>, vector<1x16xf32>,
        %parallel_loop3A_400 = vector.shape_cast %parallel_loop3A_399 : vector<1x16xf32> to vector<16xf32>
        %parallel_loop3A_401 = arith.addf %parallel_loop3A_396, %parallel_loop3A_400 : vector<16xf32>
        %parallel_loop3A_402 = arith.index_cast %parallel_loop3A_154 : i32 to index
        %parallel_loop3A_403 = arith.constant 272 : index
        %parallel_loop3A_404 = tpu.vector_load %arg8[%parallel_loop3A_402, %parallel_loop3A_403] {strides = array<i32>} : memref<16x1024xf32, #tpu.memory_space<vmem>>, vector<1x16xf32>,
        %parallel_loop3A_405 = vector.shape_cast %parallel_loop3A_404 : vector<1x16xf32> to vector<16xf32>
        %parallel_loop3A_406 = vector.shape_cast %parallel_loop3A_401 : vector<16xf32> to vector<1x16xf32>
        tpu.vector_store %arg8[%parallel_loop3A_402, %parallel_loop3A_403], %parallel_loop3A_406 {strides = array<i32>} : memref<16x1024xf32, #tpu.memory_space<vmem>>, vector<1x16xf32>,
        %parallel_loop3A_407 = arith.index_cast %parallel_loop3A_154 : i32 to index
        %parallel_loop3A_408 = arith.constant 288 : index
        %parallel_loop3A_409 = tpu.vector_load %arg8[%parallel_loop3A_407, %parallel_loop3A_408] {strides = array<i32>} : memref<16x1024xf32, #tpu.memory_space<vmem>>, vector<1x16xf32>,
        %parallel_loop3A_410 = vector.shape_cast %parallel_loop3A_409 : vector<1x16xf32> to vector<16xf32>
        %parallel_loop3A_411 = arith.index_cast %parallel_loop3A_154 : i32 to index
        %parallel_loop3A_412 = arith.constant 288 : index
        %parallel_loop3A_413 = tpu.vector_load %arg10[%parallel_loop3A_411, %parallel_loop3A_412] {strides = array<i32>} : memref<16x1024xf32, #tpu.memory_space<vmem>>, vector<1x16xf32>,
        %parallel_loop3A_414 = vector.shape_cast %parallel_loop3A_413 : vector<1x16xf32> to vector<16xf32>
        %parallel_loop3A_415 = arith.addf %parallel_loop3A_410, %parallel_loop3A_414 : vector<16xf32>
        %parallel_loop3A_416 = arith.index_cast %parallel_loop3A_154 : i32 to index
        %parallel_loop3A_417 = arith.constant 288 : index
        %parallel_loop3A_418 = tpu.vector_load %arg8[%parallel_loop3A_416, %parallel_loop3A_417] {strides = array<i32>} : memref<16x1024xf32, #tpu.memory_space<vmem>>, vector<1x16xf32>,
        %parallel_loop3A_419 = vector.shape_cast %parallel_loop3A_418 : vector<1x16xf32> to vector<16xf32>
        %parallel_loop3A_420 = vector.shape_cast %parallel_loop3A_415 : vector<16xf32> to vector<1x16xf32>
        tpu.vector_store %arg8[%parallel_loop3A_416, %parallel_loop3A_417], %parallel_loop3A_420 {strides = array<i32>} : memref<16x1024xf32, #tpu.memory_space<vmem>>, vector<1x16xf32>,
        %parallel_loop3A_421 = arith.index_cast %parallel_loop3A_154 : i32 to index
        %parallel_loop3A_422 = arith.constant 304 : index
        %parallel_loop3A_423 = tpu.vector_load %arg8[%parallel_loop3A_421, %parallel_loop3A_422] {strides = array<i32>} : memref<16x1024xf32, #tpu.memory_space<vmem>>, vector<1x16xf32>,
        %parallel_loop3A_424 = vector.shape_cast %parallel_loop3A_423 : vector<1x16xf32> to vector<16xf32>
        %parallel_loop3A_425 = arith.index_cast %parallel_loop3A_154 : i32 to index
        %parallel_loop3A_426 = arith.constant 304 : index
        %parallel_loop3A_427 = tpu.vector_load %arg10[%parallel_loop3A_425, %parallel_loop3A_426] {strides = array<i32>} : memref<16x1024xf32, #tpu.memory_space<vmem>>, vector<1x16xf32>,
        %parallel_loop3A_428 = vector.shape_cast %parallel_loop3A_427 : vector<1x16xf32> to vector<16xf32>
        %parallel_loop3A_429 = arith.addf %parallel_loop3A_424, %parallel_loop3A_428 : vector<16xf32>
        %parallel_loop3A_430 = arith.index_cast %parallel_loop3A_154 : i32 to index
        %parallel_loop3A_431 = arith.constant 304 : index
        %parallel_loop3A_432 = tpu.vector_load %arg8[%parallel_loop3A_430, %parallel_loop3A_431] {strides = array<i32>} : memref<16x1024xf32, #tpu.memory_space<vmem>>, vector<1x16xf32>,
        %parallel_loop3A_433 = vector.shape_cast %parallel_loop3A_432 : vector<1x16xf32> to vector<16xf32>
        %parallel_loop3A_434 = vector.shape_cast %parallel_loop3A_429 : vector<16xf32> to vector<1x16xf32>
        tpu.vector_store %arg8[%parallel_loop3A_430, %parallel_loop3A_431], %parallel_loop3A_434 {strides = array<i32>} : memref<16x1024xf32, #tpu.memory_space<vmem>>, vector<1x16xf32>,
        %parallel_loop3A_435 = arith.index_cast %parallel_loop3A_154 : i32 to index
        %parallel_loop3A_436 = arith.constant 320 : index
        %parallel_loop3A_437 = tpu.vector_load %arg8[%parallel_loop3A_435, %parallel_loop3A_436] {strides = array<i32>} : memref<16x1024xf32, #tpu.memory_space<vmem>>, vector<1x16xf32>,
        %parallel_loop3A_438 = vector.shape_cast %parallel_loop3A_437 : vector<1x16xf32> to vector<16xf32>
        %parallel_loop3A_439 = arith.index_cast %parallel_loop3A_154 : i32 to index
        %parallel_loop3A_440 = arith.constant 320 : index
        %parallel_loop3A_441 = tpu.vector_load %arg10[%parallel_loop3A_439, %parallel_loop3A_440] {strides = array<i32>} : memref<16x1024xf32, #tpu.memory_space<vmem>>, vector<1x16xf32>,
        %parallel_loop3A_442 = vector.shape_cast %parallel_loop3A_441 : vector<1x16xf32> to vector<16xf32>
        %parallel_loop3A_443 = arith.addf %parallel_loop3A_438, %parallel_loop3A_442 : vector<16xf32>
        %parallel_loop3A_444 = arith.index_cast %parallel_loop3A_154 : i32 to index
        %parallel_loop3A_445 = arith.constant 320 : index
        %parallel_loop3A_446 = tpu.vector_load %arg8[%parallel_loop3A_444, %parallel_loop3A_445] {strides = array<i32>} : memref<16x1024xf32, #tpu.memory_space<vmem>>, vector<1x16xf32>,
        %parallel_loop3A_447 = vector.shape_cast %parallel_loop3A_446 : vector<1x16xf32> to vector<16xf32>
        %parallel_loop3A_448 = vector.shape_cast %parallel_loop3A_443 : vector<16xf32> to vector<1x16xf32>
        tpu.vector_store %arg8[%parallel_loop3A_444, %parallel_loop3A_445], %parallel_loop3A_448 {strides = array<i32>} : memref<16x1024xf32, #tpu.memory_space<vmem>>, vector<1x16xf32>,
        %parallel_loop3A_449 = arith.index_cast %parallel_loop3A_154 : i32 to index
        %parallel_loop3A_450 = arith.constant 336 : index
        %parallel_loop3A_451 = tpu.vector_load %arg8[%parallel_loop3A_449, %parallel_loop3A_450] {strides = array<i32>} : memref<16x1024xf32, #tpu.memory_space<vmem>>, vector<1x16xf32>,
        %parallel_loop3A_452 = vector.shape_cast %parallel_loop3A_451 : vector<1x16xf32> to vector<16xf32>
        %parallel_loop3A_453 = arith.index_cast %parallel_loop3A_154 : i32 to index
        %parallel_loop3A_454 = arith.constant 336 : index
        %parallel_loop3A_455 = tpu.vector_load %arg10[%parallel_loop3A_453, %parallel_loop3A_454] {strides = array<i32>} : memref<16x1024xf32, #tpu.memory_space<vmem>>, vector<1x16xf32>,
        %parallel_loop3A_456 = vector.shape_cast %parallel_loop3A_455 : vector<1x16xf32> to vector<16xf32>
        %parallel_loop3A_457 = arith.addf %parallel_loop3A_452, %parallel_loop3A_456 : vector<16xf32>
        %parallel_loop3A_458 = arith.index_cast %parallel_loop3A_154 : i32 to index
        %parallel_loop3A_459 = arith.constant 336 : index
        %parallel_loop3A_460 = tpu.vector_load %arg8[%parallel_loop3A_458, %parallel_loop3A_459] {strides = array<i32>} : memref<16x1024xf32, #tpu.memory_space<vmem>>, vector<1x16xf32>,
        %parallel_loop3A_461 = vector.shape_cast %parallel_loop3A_460 : vector<1x16xf32> to vector<16xf32>
        %parallel_loop3A_462 = vector.shape_cast %parallel_loop3A_457 : vector<16xf32> to vector<1x16xf32>
        tpu.vector_store %arg8[%parallel_loop3A_458, %parallel_loop3A_459], %parallel_loop3A_462 {strides = array<i32>} : memref<16x1024xf32, #tpu.memory_space<vmem>>, vector<1x16xf32>,
        %parallel_loop3A_463 = arith.index_cast %parallel_loop3A_154 : i32 to index
        %parallel_loop3A_464 = arith.constant 352 : index
        %parallel_loop3A_465 = tpu.vector_load %arg8[%parallel_loop3A_463, %parallel_loop3A_464] {strides = array<i32>} : memref<16x1024xf32, #tpu.memory_space<vmem>>, vector<1x16xf32>,
        %parallel_loop3A_466 = vector.shape_cast %parallel_loop3A_465 : vector<1x16xf32> to vector<16xf32>
        %parallel_loop3A_467 = arith.index_cast %parallel_loop3A_154 : i32 to index
        %parallel_loop3A_468 = arith.constant 352 : index
        %parallel_loop3A_469 = tpu.vector_load %arg10[%parallel_loop3A_467, %parallel_loop3A_468] {strides = array<i32>} : memref<16x1024xf32, #tpu.memory_space<vmem>>, vector<1x16xf32>,
        %parallel_loop3A_470 = vector.shape_cast %parallel_loop3A_469 : vector<1x16xf32> to vector<16xf32>
        %parallel_loop3A_471 = arith.addf %parallel_loop3A_466, %parallel_loop3A_470 : vector<16xf32>
        %parallel_loop3A_472 = arith.index_cast %parallel_loop3A_154 : i32 to index
        %parallel_loop3A_473 = arith.constant 352 : index
        %parallel_loop3A_474 = tpu.vector_load %arg8[%parallel_loop3A_472, %parallel_loop3A_473] {strides = array<i32>} : memref<16x1024xf32, #tpu.memory_space<vmem>>, vector<1x16xf32>,
        %parallel_loop3A_475 = vector.shape_cast %parallel_loop3A_474 : vector<1x16xf32> to vector<16xf32>
        %parallel_loop3A_476 = vector.shape_cast %parallel_loop3A_471 : vector<16xf32> to vector<1x16xf32>
        tpu.vector_store %arg8[%parallel_loop3A_472, %parallel_loop3A_473], %parallel_loop3A_476 {strides = array<i32>} : memref<16x1024xf32, #tpu.memory_space<vmem>>, vector<1x16xf32>,
        %parallel_loop3A_477 = arith.index_cast %parallel_loop3A_154 : i32 to index
        %parallel_loop3A_478 = arith.constant 368 : index
        %parallel_loop3A_479 = tpu.vector_load %arg8[%parallel_loop3A_477, %parallel_loop3A_478] {strides = array<i32>} : memref<16x1024xf32, #tpu.memory_space<vmem>>, vector<1x16xf32>,
        %parallel_loop3A_480 = vector.shape_cast %parallel_loop3A_479 : vector<1x16xf32> to vector<16xf32>
        %parallel_loop3A_481 = arith.index_cast %parallel_loop3A_154 : i32 to index
        %parallel_loop3A_482 = arith.constant 368 : index
        %parallel_loop3A_483 = tpu.vector_load %arg10[%parallel_loop3A_481, %parallel_loop3A_482] {strides = array<i32>} : memref<16x1024xf32, #tpu.memory_space<vmem>>, vector<1x16xf32>,
        %parallel_loop3A_484 = vector.shape_cast %parallel_loop3A_483 : vector<1x16xf32> to vector<16xf32>
        %parallel_loop3A_485 = arith.addf %parallel_loop3A_480, %parallel_loop3A_484 : vector<16xf32>
        %parallel_loop3A_486 = arith.index_cast %parallel_loop3A_154 : i32 to index
        %parallel_loop3A_487 = arith.constant 368 : index
        %parallel_loop3A_488 = tpu.vector_load %arg8[%parallel_loop3A_486, %parallel_loop3A_487] {strides = array<i32>} : memref<16x1024xf32, #tpu.memory_space<vmem>>, vector<1x16xf32>,
        %parallel_loop3A_489 = vector.shape_cast %parallel_loop3A_488 : vector<1x16xf32> to vector<16xf32>
        %parallel_loop3A_490 = vector.shape_cast %parallel_loop3A_485 : vector<16xf32> to vector<1x16xf32>
        tpu.vector_store %arg8[%parallel_loop3A_486, %parallel_loop3A_487], %parallel_loop3A_490 {strides = array<i32>} : memref<16x1024xf32, #tpu.memory_space<vmem>>, vector<1x16xf32>,
        %parallel_loop3A_491 = arith.index_cast %parallel_loop3A_154 : i32 to index
        %parallel_loop3A_492 = arith.constant 384 : index
        %parallel_loop3A_493 = tpu.vector_load %arg8[%parallel_loop3A_491, %parallel_loop3A_492] {strides = array<i32>} : memref<16x1024xf32, #tpu.memory_space<vmem>>, vector<1x16xf32>,
        %parallel_loop3A_494 = vector.shape_cast %parallel_loop3A_493 : vector<1x16xf32> to vector<16xf32>
        %parallel_loop3A_495 = arith.index_cast %parallel_loop3A_154 : i32 to index
        %parallel_loop3A_496 = arith.constant 384 : index
        %parallel_loop3A_497 = tpu.vector_load %arg10[%parallel_loop3A_495, %parallel_loop3A_496] {strides = array<i32>} : memref<16x1024xf32, #tpu.memory_space<vmem>>, vector<1x16xf32>,
        %parallel_loop3A_498 = vector.shape_cast %parallel_loop3A_497 : vector<1x16xf32> to vector<16xf32>
        %parallel_loop3A_499 = arith.addf %parallel_loop3A_494, %parallel_loop3A_498 : vector<16xf32>
        %parallel_loop3A_500 = arith.index_cast %parallel_loop3A_154 : i32 to index
        %parallel_loop3A_501 = arith.constant 384 : index
        %parallel_loop3A_502 = tpu.vector_load %arg8[%parallel_loop3A_500, %parallel_loop3A_501] {strides = array<i32>} : memref<16x1024xf32, #tpu.memory_space<vmem>>, vector<1x16xf32>,
        %parallel_loop3A_503 = vector.shape_cast %parallel_loop3A_502 : vector<1x16xf32> to vector<16xf32>
        %parallel_loop3A_504 = vector.shape_cast %parallel_loop3A_499 : vector<16xf32> to vector<1x16xf32>
        tpu.vector_store %arg8[%parallel_loop3A_500, %parallel_loop3A_501], %parallel_loop3A_504 {strides = array<i32>} : memref<16x1024xf32, #tpu.memory_space<vmem>>, vector<1x16xf32>,
        %parallel_loop3A_505 = arith.index_cast %parallel_loop3A_154 : i32 to index
        %parallel_loop3A_506 = arith.constant 400 : index
        %parallel_loop3A_507 = tpu.vector_load %arg8[%parallel_loop3A_505, %parallel_loop3A_506] {strides = array<i32>} : memref<16x1024xf32, #tpu.memory_space<vmem>>, vector<1x16xf32>,
        %parallel_loop3A_508 = vector.shape_cast %parallel_loop3A_507 : vector<1x16xf32> to vector<16xf32>
        %parallel_loop3A_509 = arith.index_cast %parallel_loop3A_154 : i32 to index
        %parallel_loop3A_510 = arith.constant 400 : index
        %parallel_loop3A_511 = tpu.vector_load %arg10[%parallel_loop3A_509, %parallel_loop3A_510] {strides = array<i32>} : memref<16x1024xf32, #tpu.memory_space<vmem>>, vector<1x16xf32>,
        %parallel_loop3A_512 = vector.shape_cast %parallel_loop3A_511 : vector<1x16xf32> to vector<16xf32>
        %parallel_loop3A_513 = arith.addf %parallel_loop3A_508, %parallel_loop3A_512 : vector<16xf32>
        %parallel_loop3A_514 = arith.index_cast %parallel_loop3A_154 : i32 to index
        %parallel_loop3A_515 = arith.constant 400 : index
        %parallel_loop3A_516 = tpu.vector_load %arg8[%parallel_loop3A_514, %parallel_loop3A_515] {strides = array<i32>} : memref<16x1024xf32, #tpu.memory_space<vmem>>, vector<1x16xf32>,
        %parallel_loop3A_517 = vector.shape_cast %parallel_loop3A_516 : vector<1x16xf32> to vector<16xf32>
        %parallel_loop3A_518 = vector.shape_cast %parallel_loop3A_513 : vector<16xf32> to vector<1x16xf32>
        tpu.vector_store %arg8[%parallel_loop3A_514, %parallel_loop3A_515], %parallel_loop3A_518 {strides = array<i32>} : memref<16x1024xf32, #tpu.memory_space<vmem>>, vector<1x16xf32>,
        %parallel_loop3A_519 = arith.index_cast %parallel_loop3A_154 : i32 to index
        %parallel_loop3A_520 = arith.constant 416 : index
        %parallel_loop3A_521 = tpu.vector_load %arg8[%parallel_loop3A_519, %parallel_loop3A_520] {strides = array<i32>} : memref<16x1024xf32, #tpu.memory_space<vmem>>, vector<1x16xf32>,
        %parallel_loop3A_522 = vector.shape_cast %parallel_loop3A_521 : vector<1x16xf32> to vector<16xf32>
        %parallel_loop3A_523 = arith.index_cast %parallel_loop3A_154 : i32 to index
        %parallel_loop3A_524 = arith.constant 416 : index
        %parallel_loop3A_525 = tpu.vector_load %arg10[%parallel_loop3A_523, %parallel_loop3A_524] {strides = array<i32>} : memref<16x1024xf32, #tpu.memory_space<vmem>>, vector<1x16xf32>,
        %parallel_loop3A_526 = vector.shape_cast %parallel_loop3A_525 : vector<1x16xf32> to vector<16xf32>
        %parallel_loop3A_527 = arith.addf %parallel_loop3A_522, %parallel_loop3A_526 : vector<16xf32>
        %parallel_loop3A_528 = arith.index_cast %parallel_loop3A_154 : i32 to index
        %parallel_loop3A_529 = arith.constant 416 : index
        %parallel_loop3A_530 = tpu.vector_load %arg8[%parallel_loop3A_528, %parallel_loop3A_529] {strides = array<i32>} : memref<16x1024xf32, #tpu.memory_space<vmem>>, vector<1x16xf32>,
        %parallel_loop3A_531 = vector.shape_cast %parallel_loop3A_530 : vector<1x16xf32> to vector<16xf32>
        %parallel_loop3A_532 = vector.shape_cast %parallel_loop3A_527 : vector<16xf32> to vector<1x16xf32>
        tpu.vector_store %arg8[%parallel_loop3A_528, %parallel_loop3A_529], %parallel_loop3A_532 {strides = array<i32>} : memref<16x1024xf32, #tpu.memory_space<vmem>>, vector<1x16xf32>,
        %parallel_loop3A_533 = arith.index_cast %parallel_loop3A_154 : i32 to index
        %parallel_loop3A_534 = arith.constant 432 : index
        %parallel_loop3A_535 = tpu.vector_load %arg8[%parallel_loop3A_533, %parallel_loop3A_534] {strides = array<i32>} : memref<16x1024xf32, #tpu.memory_space<vmem>>, vector<1x16xf32>,
        %parallel_loop3A_536 = vector.shape_cast %parallel_loop3A_535 : vector<1x16xf32> to vector<16xf32>
        %parallel_loop3A_537 = arith.index_cast %parallel_loop3A_154 : i32 to index
        %parallel_loop3A_538 = arith.constant 432 : index
        %parallel_loop3A_539 = tpu.vector_load %arg10[%parallel_loop3A_537, %parallel_loop3A_538] {strides = array<i32>} : memref<16x1024xf32, #tpu.memory_space<vmem>>, vector<1x16xf32>,
        %parallel_loop3A_540 = vector.shape_cast %parallel_loop3A_539 : vector<1x16xf32> to vector<16xf32>
        %parallel_loop3A_541 = arith.addf %parallel_loop3A_536, %parallel_loop3A_540 : vector<16xf32>
        %parallel_loop3A_542 = arith.index_cast %parallel_loop3A_154 : i32 to index
        %parallel_loop3A_543 = arith.constant 432 : index
        %parallel_loop3A_544 = tpu.vector_load %arg8[%parallel_loop3A_542, %parallel_loop3A_543] {strides = array<i32>} : memref<16x1024xf32, #tpu.memory_space<vmem>>, vector<1x16xf32>,
        %parallel_loop3A_545 = vector.shape_cast %parallel_loop3A_544 : vector<1x16xf32> to vector<16xf32>
        %parallel_loop3A_546 = vector.shape_cast %parallel_loop3A_541 : vector<16xf32> to vector<1x16xf32>
        tpu.vector_store %arg8[%parallel_loop3A_542, %parallel_loop3A_543], %parallel_loop3A_546 {strides = array<i32>} : memref<16x1024xf32, #tpu.memory_space<vmem>>, vector<1x16xf32>,
        %parallel_loop3A_547 = arith.index_cast %parallel_loop3A_154 : i32 to index
        %parallel_loop3A_548 = arith.constant 448 : index
        %parallel_loop3A_549 = tpu.vector_load %arg8[%parallel_loop3A_547, %parallel_loop3A_548] {strides = array<i32>} : memref<16x1024xf32, #tpu.memory_space<vmem>>, vector<1x16xf32>,
        %parallel_loop3A_550 = vector.shape_cast %parallel_loop3A_549 : vector<1x16xf32> to vector<16xf32>
        %parallel_loop3A_551 = arith.index_cast %parallel_loop3A_154 : i32 to index
        %parallel_loop3A_552 = arith.constant 448 : index
        %parallel_loop3A_553 = tpu.vector_load %arg10[%parallel_loop3A_551, %parallel_loop3A_552] {strides = array<i32>} : memref<16x1024xf32, #tpu.memory_space<vmem>>, vector<1x16xf32>,
        %parallel_loop3A_554 = vector.shape_cast %parallel_loop3A_553 : vector<1x16xf32> to vector<16xf32>
        %parallel_loop3A_555 = arith.addf %parallel_loop3A_550, %parallel_loop3A_554 : vector<16xf32>
        %parallel_loop3A_556 = arith.index_cast %parallel_loop3A_154 : i32 to index
        %parallel_loop3A_557 = arith.constant 448 : index
        %parallel_loop3A_558 = tpu.vector_load %arg8[%parallel_loop3A_556, %parallel_loop3A_557] {strides = array<i32>} : memref<16x1024xf32, #tpu.memory_space<vmem>>, vector<1x16xf32>,
        %parallel_loop3A_559 = vector.shape_cast %parallel_loop3A_558 : vector<1x16xf32> to vector<16xf32>
        %parallel_loop3A_560 = vector.shape_cast %parallel_loop3A_555 : vector<16xf32> to vector<1x16xf32>
        tpu.vector_store %arg8[%parallel_loop3A_556, %parallel_loop3A_557], %parallel_loop3A_560 {strides = array<i32>} : memref<16x1024xf32, #tpu.memory_space<vmem>>, vector<1x16xf32>,
        %parallel_loop3A_561 = arith.index_cast %parallel_loop3A_154 : i32 to index
        %parallel_loop3A_562 = arith.constant 464 : index
        %parallel_loop3A_563 = tpu.vector_load %arg8[%parallel_loop3A_561, %parallel_loop3A_562] {strides = array<i32>} : memref<16x1024xf32, #tpu.memory_space<vmem>>, vector<1x16xf32>,
        %parallel_loop3A_564 = vector.shape_cast %parallel_loop3A_563 : vector<1x16xf32> to vector<16xf32>
        %parallel_loop3A_565 = arith.index_cast %parallel_loop3A_154 : i32 to index
        %parallel_loop3A_566 = arith.constant 464 : index
        %parallel_loop3A_567 = tpu.vector_load %arg10[%parallel_loop3A_565, %parallel_loop3A_566] {strides = array<i32>} : memref<16x1024xf32, #tpu.memory_space<vmem>>, vector<1x16xf32>,
        %parallel_loop3A_568 = vector.shape_cast %parallel_loop3A_567 : vector<1x16xf32> to vector<16xf32>
        %parallel_loop3A_569 = arith.addf %parallel_loop3A_564, %parallel_loop3A_568 : vector<16xf32>
        %parallel_loop3A_570 = arith.index_cast %parallel_loop3A_154 : i32 to index
        %parallel_loop3A_571 = arith.constant 464 : index
        %parallel_loop3A_572 = tpu.vector_load %arg8[%parallel_loop3A_570, %parallel_loop3A_571] {strides = array<i32>} : memref<16x1024xf32, #tpu.memory_space<vmem>>, vector<1x16xf32>,
        %parallel_loop3A_573 = vector.shape_cast %parallel_loop3A_572 : vector<1x16xf32> to vector<16xf32>
        %parallel_loop3A_574 = vector.shape_cast %parallel_loop3A_569 : vector<16xf32> to vector<1x16xf32>
        tpu.vector_store %arg8[%parallel_loop3A_570, %parallel_loop3A_571], %parallel_loop3A_574 {strides = array<i32>} : memref<16x1024xf32, #tpu.memory_space<vmem>>, vector<1x16xf32>,
        %parallel_loop3A_575 = arith.index_cast %parallel_loop3A_154 : i32 to index
        %parallel_loop3A_576 = arith.constant 480 : index
        %parallel_loop3A_577 = tpu.vector_load %arg8[%parallel_loop3A_575, %parallel_loop3A_576] {strides = array<i32>} : memref<16x1024xf32, #tpu.memory_space<vmem>>, vector<1x16xf32>,
        %parallel_loop3A_578 = vector.shape_cast %parallel_loop3A_577 : vector<1x16xf32> to vector<16xf32>
        %parallel_loop3A_579 = arith.index_cast %parallel_loop3A_154 : i32 to index
        %parallel_loop3A_580 = arith.constant 480 : index
        %parallel_loop3A_581 = tpu.vector_load %arg10[%parallel_loop3A_579, %parallel_loop3A_580] {strides = array<i32>} : memref<16x1024xf32, #tpu.memory_space<vmem>>, vector<1x16xf32>,
        %parallel_loop3A_582 = vector.shape_cast %parallel_loop3A_581 : vector<1x16xf32> to vector<16xf32>
        %parallel_loop3A_583 = arith.addf %parallel_loop3A_578, %parallel_loop3A_582 : vector<16xf32>
        %parallel_loop3A_584 = arith.index_cast %parallel_loop3A_154 : i32 to index
        %parallel_loop3A_585 = arith.constant 480 : index
        %parallel_loop3A_586 = tpu.vector_load %arg8[%parallel_loop3A_584, %parallel_loop3A_585] {strides = array<i32>} : memref<16x1024xf32, #tpu.memory_space<vmem>>, vector<1x16xf32>,
        %parallel_loop3A_587 = vector.shape_cast %parallel_loop3A_586 : vector<1x16xf32> to vector<16xf32>
        %parallel_loop3A_588 = vector.shape_cast %parallel_loop3A_583 : vector<16xf32> to vector<1x16xf32>
        tpu.vector_store %arg8[%parallel_loop3A_584, %parallel_loop3A_585], %parallel_loop3A_588 {strides = array<i32>} : memref<16x1024xf32, #tpu.memory_space<vmem>>, vector<1x16xf32>,
        %parallel_loop3A_589 = arith.index_cast %parallel_loop3A_154 : i32 to index
        %parallel_loop3A_590 = arith.constant 496 : index
        %parallel_loop3A_591 = tpu.vector_load %arg8[%parallel_loop3A_589, %parallel_loop3A_590] {strides = array<i32>} : memref<16x1024xf32, #tpu.memory_space<vmem>>, vector<1x16xf32>,
        %parallel_loop3A_592 = vector.shape_cast %parallel_loop3A_591 : vector<1x16xf32> to vector<16xf32>
        %parallel_loop3A_593 = arith.index_cast %parallel_loop3A_154 : i32 to index
        %parallel_loop3A_594 = arith.constant 496 : index
        %parallel_loop3A_595 = tpu.vector_load %arg10[%parallel_loop3A_593, %parallel_loop3A_594] {strides = array<i32>} : memref<16x1024xf32, #tpu.memory_space<vmem>>, vector<1x16xf32>,
        %parallel_loop3A_596 = vector.shape_cast %parallel_loop3A_595 : vector<1x16xf32> to vector<16xf32>
        %parallel_loop3A_597 = arith.addf %parallel_loop3A_592, %parallel_loop3A_596 : vector<16xf32>
        %parallel_loop3A_598 = arith.index_cast %parallel_loop3A_154 : i32 to index
        %parallel_loop3A_599 = arith.constant 496 : index
        %parallel_loop3A_600 = tpu.vector_load %arg8[%parallel_loop3A_598, %parallel_loop3A_599] {strides = array<i32>} : memref<16x1024xf32, #tpu.memory_space<vmem>>, vector<1x16xf32>,
        %parallel_loop3A_601 = vector.shape_cast %parallel_loop3A_600 : vector<1x16xf32> to vector<16xf32>
        %parallel_loop3A_602 = vector.shape_cast %parallel_loop3A_597 : vector<16xf32> to vector<1x16xf32>
        tpu.vector_store %arg8[%parallel_loop3A_598, %parallel_loop3A_599], %parallel_loop3A_602 {strides = array<i32>} : memref<16x1024xf32, #tpu.memory_space<vmem>>, vector<1x16xf32>,
        %parallel_loop3A_603 = arith.index_cast %parallel_loop3A_154 : i32 to index
        %parallel_loop3A_604 = arith.constant 512 : index
        %parallel_loop3A_605 = tpu.vector_load %arg8[%parallel_loop3A_603, %parallel_loop3A_604] {strides = array<i32>} : memref<16x1024xf32, #tpu.memory_space<vmem>>, vector<1x16xf32>,
        %parallel_loop3A_606 = vector.shape_cast %parallel_loop3A_605 : vector<1x16xf32> to vector<16xf32>
        %parallel_loop3A_607 = arith.index_cast %parallel_loop3A_154 : i32 to index
        %parallel_loop3A_608 = arith.constant 512 : index
        %parallel_loop3A_609 = tpu.vector_load %arg10[%parallel_loop3A_607, %parallel_loop3A_608] {strides = array<i32>} : memref<16x1024xf32, #tpu.memory_space<vmem>>, vector<1x16xf32>,
        %parallel_loop3A_610 = vector.shape_cast %parallel_loop3A_609 : vector<1x16xf32> to vector<16xf32>
        %parallel_loop3A_611 = arith.addf %parallel_loop3A_606, %parallel_loop3A_610 : vector<16xf32>
        %parallel_loop3A_612 = arith.index_cast %parallel_loop3A_154 : i32 to index
        %parallel_loop3A_613 = arith.constant 512 : index
        %parallel_loop3A_614 = tpu.vector_load %arg8[%parallel_loop3A_612, %parallel_loop3A_613] {strides = array<i32>} : memref<16x1024xf32, #tpu.memory_space<vmem>>, vector<1x16xf32>,
        %parallel_loop3A_615 = vector.shape_cast %parallel_loop3A_614 : vector<1x16xf32> to vector<16xf32>
        %parallel_loop3A_616 = vector.shape_cast %parallel_loop3A_611 : vector<16xf32> to vector<1x16xf32>
        tpu.vector_store %arg8[%parallel_loop3A_612, %parallel_loop3A_613], %parallel_loop3A_616 {strides = array<i32>} : memref<16x1024xf32, #tpu.memory_space<vmem>>, vector<1x16xf32>,
        %parallel_loop3A_617 = arith.index_cast %parallel_loop3A_154 : i32 to index
        %parallel_loop3A_618 = arith.constant 528 : index
        %parallel_loop3A_619 = tpu.vector_load %arg8[%parallel_loop3A_617, %parallel_loop3A_618] {strides = array<i32>} : memref<16x1024xf32, #tpu.memory_space<vmem>>, vector<1x16xf32>,
        %parallel_loop3A_620 = vector.shape_cast %parallel_loop3A_619 : vector<1x16xf32> to vector<16xf32>
        %parallel_loop3A_621 = arith.index_cast %parallel_loop3A_154 : i32 to index
        %parallel_loop3A_622 = arith.constant 528 : index
        %parallel_loop3A_623 = tpu.vector_load %arg10[%parallel_loop3A_621, %parallel_loop3A_622] {strides = array<i32>} : memref<16x1024xf32, #tpu.memory_space<vmem>>, vector<1x16xf32>,
        %parallel_loop3A_624 = vector.shape_cast %parallel_loop3A_623 : vector<1x16xf32> to vector<16xf32>
        %parallel_loop3A_625 = arith.addf %parallel_loop3A_620, %parallel_loop3A_624 : vector<16xf32>
        %parallel_loop3A_626 = arith.index_cast %parallel_loop3A_154 : i32 to index
        %parallel_loop3A_627 = arith.constant 528 : index
        %parallel_loop3A_628 = tpu.vector_load %arg8[%parallel_loop3A_626, %parallel_loop3A_627] {strides = array<i32>} : memref<16x1024xf32, #tpu.memory_space<vmem>>, vector<1x16xf32>,
        %parallel_loop3A_629 = vector.shape_cast %parallel_loop3A_628 : vector<1x16xf32> to vector<16xf32>
        %parallel_loop3A_630 = vector.shape_cast %parallel_loop3A_625 : vector<16xf32> to vector<1x16xf32>
        tpu.vector_store %arg8[%parallel_loop3A_626, %parallel_loop3A_627], %parallel_loop3A_630 {strides = array<i32>} : memref<16x1024xf32, #tpu.memory_space<vmem>>, vector<1x16xf32>,
        %parallel_loop3A_631 = arith.index_cast %parallel_loop3A_154 : i32 to index
        %parallel_loop3A_632 = arith.constant 544 : index
        %parallel_loop3A_633 = tpu.vector_load %arg8[%parallel_loop3A_631, %parallel_loop3A_632] {strides = array<i32>} : memref<16x1024xf32, #tpu.memory_space<vmem>>, vector<1x16xf32>,
        %parallel_loop3A_634 = vector.shape_cast %parallel_loop3A_633 : vector<1x16xf32> to vector<16xf32>
        %parallel_loop3A_635 = arith.index_cast %parallel_loop3A_154 : i32 to index
        %parallel_loop3A_636 = arith.constant 544 : index
        %parallel_loop3A_637 = tpu.vector_load %arg10[%parallel_loop3A_635, %parallel_loop3A_636] {strides = array<i32>} : memref<16x1024xf32, #tpu.memory_space<vmem>>, vector<1x16xf32>,
        %parallel_loop3A_638 = vector.shape_cast %parallel_loop3A_637 : vector<1x16xf32> to vector<16xf32>
        %parallel_loop3A_639 = arith.addf %parallel_loop3A_634, %parallel_loop3A_638 : vector<16xf32>
        %parallel_loop3A_640 = arith.index_cast %parallel_loop3A_154 : i32 to index
        %parallel_loop3A_641 = arith.constant 544 : index
        %parallel_loop3A_642 = tpu.vector_load %arg8[%parallel_loop3A_640, %parallel_loop3A_641] {strides = array<i32>} : memref<16x1024xf32, #tpu.memory_space<vmem>>, vector<1x16xf32>,
        %parallel_loop3A_643 = vector.shape_cast %parallel_loop3A_642 : vector<1x16xf32> to vector<16xf32>
        %parallel_loop3A_644 = vector.shape_cast %parallel_loop3A_639 : vector<16xf32> to vector<1x16xf32>
        tpu.vector_store %arg8[%parallel_loop3A_640, %parallel_loop3A_641], %parallel_loop3A_644 {strides = array<i32>} : memref<16x1024xf32, #tpu.memory_space<vmem>>, vector<1x16xf32>,
        %parallel_loop3A_645 = arith.index_cast %parallel_loop3A_154 : i32 to index
        %parallel_loop3A_646 = arith.constant 560 : index
        %parallel_loop3A_647 = tpu.vector_load %arg8[%parallel_loop3A_645, %parallel_loop3A_646] {strides = array<i32>} : memref<16x1024xf32, #tpu.memory_space<vmem>>, vector<1x16xf32>,
        %parallel_loop3A_648 = vector.shape_cast %parallel_loop3A_647 : vector<1x16xf32> to vector<16xf32>
        %parallel_loop3A_649 = arith.index_cast %parallel_loop3A_154 : i32 to index
        %parallel_loop3A_650 = arith.constant 560 : index
        %parallel_loop3A_651 = tpu.vector_load %arg10[%parallel_loop3A_649, %parallel_loop3A_650] {strides = array<i32>} : memref<16x1024xf32, #tpu.memory_space<vmem>>, vector<1x16xf32>,
        %parallel_loop3A_652 = vector.shape_cast %parallel_loop3A_651 : vector<1x16xf32> to vector<16xf32>
        %parallel_loop3A_653 = arith.addf %parallel_loop3A_648, %parallel_loop3A_652 : vector<16xf32>
        %parallel_loop3A_654 = arith.index_cast %parallel_loop3A_154 : i32 to index
        %parallel_loop3A_655 = arith.constant 560 : index
        %parallel_loop3A_656 = tpu.vector_load %arg8[%parallel_loop3A_654, %parallel_loop3A_655] {strides = array<i32>} : memref<16x1024xf32, #tpu.memory_space<vmem>>, vector<1x16xf32>,
        %parallel_loop3A_657 = vector.shape_cast %parallel_loop3A_656 : vector<1x16xf32> to vector<16xf32>
        %parallel_loop3A_658 = vector.shape_cast %parallel_loop3A_653 : vector<16xf32> to vector<1x16xf32>
        tpu.vector_store %arg8[%parallel_loop3A_654, %parallel_loop3A_655], %parallel_loop3A_658 {strides = array<i32>} : memref<16x1024xf32, #tpu.memory_space<vmem>>, vector<1x16xf32>,
        %parallel_loop3A_659 = arith.index_cast %parallel_loop3A_154 : i32 to index
        %parallel_loop3A_660 = arith.constant 576 : index
        %parallel_loop3A_661 = tpu.vector_load %arg8[%parallel_loop3A_659, %parallel_loop3A_660] {strides = array<i32>} : memref<16x1024xf32, #tpu.memory_space<vmem>>, vector<1x16xf32>,
        %parallel_loop3A_662 = vector.shape_cast %parallel_loop3A_661 : vector<1x16xf32> to vector<16xf32>
        %parallel_loop3A_663 = arith.index_cast %parallel_loop3A_154 : i32 to index
        %parallel_loop3A_664 = arith.constant 576 : index
        %parallel_loop3A_665 = tpu.vector_load %arg10[%parallel_loop3A_663, %parallel_loop3A_664] {strides = array<i32>} : memref<16x1024xf32, #tpu.memory_space<vmem>>, vector<1x16xf32>,
        %parallel_loop3A_666 = vector.shape_cast %parallel_loop3A_665 : vector<1x16xf32> to vector<16xf32>
        %parallel_loop3A_667 = arith.addf %parallel_loop3A_662, %parallel_loop3A_666 : vector<16xf32>
        %parallel_loop3A_668 = arith.index_cast %parallel_loop3A_154 : i32 to index
        %parallel_loop3A_669 = arith.constant 576 : index
        %parallel_loop3A_670 = tpu.vector_load %arg8[%parallel_loop3A_668, %parallel_loop3A_669] {strides = array<i32>} : memref<16x1024xf32, #tpu.memory_space<vmem>>, vector<1x16xf32>,
        %parallel_loop3A_671 = vector.shape_cast %parallel_loop3A_670 : vector<1x16xf32> to vector<16xf32>
        %parallel_loop3A_672 = vector.shape_cast %parallel_loop3A_667 : vector<16xf32> to vector<1x16xf32>
        tpu.vector_store %arg8[%parallel_loop3A_668, %parallel_loop3A_669], %parallel_loop3A_672 {strides = array<i32>} : memref<16x1024xf32, #tpu.memory_space<vmem>>, vector<1x16xf32>,
        %parallel_loop3A_673 = arith.index_cast %parallel_loop3A_154 : i32 to index
        %parallel_loop3A_674 = arith.constant 592 : index
        %parallel_loop3A_675 = tpu.vector_load %arg8[%parallel_loop3A_673, %parallel_loop3A_674] {strides = array<i32>} : memref<16x1024xf32, #tpu.memory_space<vmem>>, vector<1x16xf32>,
        %parallel_loop3A_676 = vector.shape_cast %parallel_loop3A_675 : vector<1x16xf32> to vector<16xf32>
        %parallel_loop3A_677 = arith.index_cast %parallel_loop3A_154 : i32 to index
        %parallel_loop3A_678 = arith.constant 592 : index
        %parallel_loop3A_679 = tpu.vector_load %arg10[%parallel_loop3A_677, %parallel_loop3A_678] {strides = array<i32>} : memref<16x1024xf32, #tpu.memory_space<vmem>>, vector<1x16xf32>,
        %parallel_loop3A_680 = vector.shape_cast %parallel_loop3A_679 : vector<1x16xf32> to vector<16xf32>
        %parallel_loop3A_681 = arith.addf %parallel_loop3A_676, %parallel_loop3A_680 : vector<16xf32>
        %parallel_loop3A_682 = arith.index_cast %parallel_loop3A_154 : i32 to index
        %parallel_loop3A_683 = arith.constant 592 : index
        %parallel_loop3A_684 = tpu.vector_load %arg8[%parallel_loop3A_682, %parallel_loop3A_683] {strides = array<i32>} : memref<16x1024xf32, #tpu.memory_space<vmem>>, vector<1x16xf32>,
        %parallel_loop3A_685 = vector.shape_cast %parallel_loop3A_684 : vector<1x16xf32> to vector<16xf32>
        %parallel_loop3A_686 = vector.shape_cast %parallel_loop3A_681 : vector<16xf32> to vector<1x16xf32>
        tpu.vector_store %arg8[%parallel_loop3A_682, %parallel_loop3A_683], %parallel_loop3A_686 {strides = array<i32>} : memref<16x1024xf32, #tpu.memory_space<vmem>>, vector<1x16xf32>,
        %parallel_loop3A_687 = arith.index_cast %parallel_loop3A_154 : i32 to index
        %parallel_loop3A_688 = arith.constant 608 : index
        %parallel_loop3A_689 = tpu.vector_load %arg8[%parallel_loop3A_687, %parallel_loop3A_688] {strides = array<i32>} : memref<16x1024xf32, #tpu.memory_space<vmem>>, vector<1x16xf32>,
        %parallel_loop3A_690 = vector.shape_cast %parallel_loop3A_689 : vector<1x16xf32> to vector<16xf32>
        %parallel_loop3A_691 = arith.index_cast %parallel_loop3A_154 : i32 to index
        %parallel_loop3A_692 = arith.constant 608 : index
        %parallel_loop3A_693 = tpu.vector_load %arg10[%parallel_loop3A_691, %parallel_loop3A_692] {strides = array<i32>} : memref<16x1024xf32, #tpu.memory_space<vmem>>, vector<1x16xf32>,
        %parallel_loop3A_694 = vector.shape_cast %parallel_loop3A_693 : vector<1x16xf32> to vector<16xf32>
        %parallel_loop3A_695 = arith.addf %parallel_loop3A_690, %parallel_loop3A_694 : vector<16xf32>
        %parallel_loop3A_696 = arith.index_cast %parallel_loop3A_154 : i32 to index
        %parallel_loop3A_697 = arith.constant 608 : index
        %parallel_loop3A_698 = tpu.vector_load %arg8[%parallel_loop3A_696, %parallel_loop3A_697] {strides = array<i32>} : memref<16x1024xf32, #tpu.memory_space<vmem>>, vector<1x16xf32>,
        %parallel_loop3A_699 = vector.shape_cast %parallel_loop3A_698 : vector<1x16xf32> to vector<16xf32>
        %parallel_loop3A_700 = vector.shape_cast %parallel_loop3A_695 : vector<16xf32> to vector<1x16xf32>
        tpu.vector_store %arg8[%parallel_loop3A_696, %parallel_loop3A_697], %parallel_loop3A_700 {strides = array<i32>} : memref<16x1024xf32, #tpu.memory_space<vmem>>, vector<1x16xf32>,
        %parallel_loop3A_701 = arith.index_cast %parallel_loop3A_154 : i32 to index
        %parallel_loop3A_702 = arith.constant 624 : index
        %parallel_loop3A_703 = tpu.vector_load %arg8[%parallel_loop3A_701, %parallel_loop3A_702] {strides = array<i32>} : memref<16x1024xf32, #tpu.memory_space<vmem>>, vector<1x16xf32>,
        %parallel_loop3A_704 = vector.shape_cast %parallel_loop3A_703 : vector<1x16xf32> to vector<16xf32>
        %parallel_loop3A_705 = arith.index_cast %parallel_loop3A_154 : i32 to index
        %parallel_loop3A_706 = arith.constant 624 : index
        %parallel_loop3A_707 = tpu.vector_load %arg10[%parallel_loop3A_705, %parallel_loop3A_706] {strides = array<i32>} : memref<16x1024xf32, #tpu.memory_space<vmem>>, vector<1x16xf32>,
        %parallel_loop3A_708 = vector.shape_cast %parallel_loop3A_707 : vector<1x16xf32> to vector<16xf32>
        %parallel_loop3A_709 = arith.addf %parallel_loop3A_704, %parallel_loop3A_708 : vector<16xf32>
        %parallel_loop3A_710 = arith.index_cast %parallel_loop3A_154 : i32 to index
        %parallel_loop3A_711 = arith.constant 624 : index
        %parallel_loop3A_712 = tpu.vector_load %arg8[%parallel_loop3A_710, %parallel_loop3A_711] {strides = array<i32>} : memref<16x1024xf32, #tpu.memory_space<vmem>>, vector<1x16xf32>,
        %parallel_loop3A_713 = vector.shape_cast %parallel_loop3A_712 : vector<1x16xf32> to vector<16xf32>
        %parallel_loop3A_714 = vector.shape_cast %parallel_loop3A_709 : vector<16xf32> to vector<1x16xf32>
        tpu.vector_store %arg8[%parallel_loop3A_710, %parallel_loop3A_711], %parallel_loop3A_714 {strides = array<i32>} : memref<16x1024xf32, #tpu.memory_space<vmem>>, vector<1x16xf32>,
        %parallel_loop3A_715 = arith.index_cast %parallel_loop3A_154 : i32 to index
        %parallel_loop3A_716 = arith.constant 640 : index
        %parallel_loop3A_717 = tpu.vector_load %arg8[%parallel_loop3A_715, %parallel_loop3A_716] {strides = array<i32>} : memref<16x1024xf32, #tpu.memory_space<vmem>>, vector<1x16xf32>,
        %parallel_loop3A_718 = vector.shape_cast %parallel_loop3A_717 : vector<1x16xf32> to vector<16xf32>
        %parallel_loop3A_719 = arith.index_cast %parallel_loop3A_154 : i32 to index
        %parallel_loop3A_720 = arith.constant 640 : index
        %parallel_loop3A_721 = tpu.vector_load %arg10[%parallel_loop3A_719, %parallel_loop3A_720] {strides = array<i32>} : memref<16x1024xf32, #tpu.memory_space<vmem>>, vector<1x16xf32>,
        %parallel_loop3A_722 = vector.shape_cast %parallel_loop3A_721 : vector<1x16xf32> to vector<16xf32>
        %parallel_loop3A_723 = arith.addf %parallel_loop3A_718, %parallel_loop3A_722 : vector<16xf32>
        %parallel_loop3A_724 = arith.index_cast %parallel_loop3A_154 : i32 to index
        %parallel_loop3A_725 = arith.constant 640 : index
        %parallel_loop3A_726 = tpu.vector_load %arg8[%parallel_loop3A_724, %parallel_loop3A_725] {strides = array<i32>} : memref<16x1024xf32, #tpu.memory_space<vmem>>, vector<1x16xf32>,
        %parallel_loop3A_727 = vector.shape_cast %parallel_loop3A_726 : vector<1x16xf32> to vector<16xf32>
        %parallel_loop3A_728 = vector.shape_cast %parallel_loop3A_723 : vector<16xf32> to vector<1x16xf32>
        tpu.vector_store %arg8[%parallel_loop3A_724, %parallel_loop3A_725], %parallel_loop3A_728 {strides = array<i32>} : memref<16x1024xf32, #tpu.memory_space<vmem>>, vector<1x16xf32>,
        %parallel_loop3A_729 = arith.index_cast %parallel_loop3A_154 : i32 to index
        %parallel_loop3A_730 = arith.constant 656 : index
        %parallel_loop3A_731 = tpu.vector_load %arg8[%parallel_loop3A_729, %parallel_loop3A_730] {strides = array<i32>} : memref<16x1024xf32, #tpu.memory_space<vmem>>, vector<1x16xf32>,
        %parallel_loop3A_732 = vector.shape_cast %parallel_loop3A_731 : vector<1x16xf32> to vector<16xf32>
        %parallel_loop3A_733 = arith.index_cast %parallel_loop3A_154 : i32 to index
        %parallel_loop3A_734 = arith.constant 656 : index
        %parallel_loop3A_735 = tpu.vector_load %arg10[%parallel_loop3A_733, %parallel_loop3A_734] {strides = array<i32>} : memref<16x1024xf32, #tpu.memory_space<vmem>>, vector<1x16xf32>,
        %parallel_loop3A_736 = vector.shape_cast %parallel_loop3A_735 : vector<1x16xf32> to vector<16xf32>
        %parallel_loop3A_737 = arith.addf %parallel_loop3A_732, %parallel_loop3A_736 : vector<16xf32>
        %parallel_loop3A_738 = arith.index_cast %parallel_loop3A_154 : i32 to index
        %parallel_loop3A_739 = arith.constant 656 : index
        %parallel_loop3A_740 = tpu.vector_load %arg8[%parallel_loop3A_738, %parallel_loop3A_739] {strides = array<i32>} : memref<16x1024xf32, #tpu.memory_space<vmem>>, vector<1x16xf32>,
        %parallel_loop3A_741 = vector.shape_cast %parallel_loop3A_740 : vector<1x16xf32> to vector<16xf32>
        %parallel_loop3A_742 = vector.shape_cast %parallel_loop3A_737 : vector<16xf32> to vector<1x16xf32>
        tpu.vector_store %arg8[%parallel_loop3A_738, %parallel_loop3A_739], %parallel_loop3A_742 {strides = array<i32>} : memref<16x1024xf32, #tpu.memory_space<vmem>>, vector<1x16xf32>,
        %parallel_loop3A_743 = arith.index_cast %parallel_loop3A_154 : i32 to index
        %parallel_loop3A_744 = arith.constant 672 : index
        %parallel_loop3A_745 = tpu.vector_load %arg8[%parallel_loop3A_743, %parallel_loop3A_744] {strides = array<i32>} : memref<16x1024xf32, #tpu.memory_space<vmem>>, vector<1x16xf32>,
        %parallel_loop3A_746 = vector.shape_cast %parallel_loop3A_745 : vector<1x16xf32> to vector<16xf32>
        %parallel_loop3A_747 = arith.index_cast %parallel_loop3A_154 : i32 to index
        %parallel_loop3A_748 = arith.constant 672 : index
        %parallel_loop3A_749 = tpu.vector_load %arg10[%parallel_loop3A_747, %parallel_loop3A_748] {strides = array<i32>} : memref<16x1024xf32, #tpu.memory_space<vmem>>, vector<1x16xf32>,
        %parallel_loop3A_750 = vector.shape_cast %parallel_loop3A_749 : vector<1x16xf32> to vector<16xf32>
        %parallel_loop3A_751 = arith.addf %parallel_loop3A_746, %parallel_loop3A_750 : vector<16xf32>
        %parallel_loop3A_752 = arith.index_cast %parallel_loop3A_154 : i32 to index
        %parallel_loop3A_753 = arith.constant 672 : index
        %parallel_loop3A_754 = tpu.vector_load %arg8[%parallel_loop3A_752, %parallel_loop3A_753] {strides = array<i32>} : memref<16x1024xf32, #tpu.memory_space<vmem>>, vector<1x16xf32>,
        %parallel_loop3A_755 = vector.shape_cast %parallel_loop3A_754 : vector<1x16xf32> to vector<16xf32>
        %parallel_loop3A_756 = vector.shape_cast %parallel_loop3A_751 : vector<16xf32> to vector<1x16xf32>
        tpu.vector_store %arg8[%parallel_loop3A_752, %parallel_loop3A_753], %parallel_loop3A_756 {strides = array<i32>} : memref<16x1024xf32, #tpu.memory_space<vmem>>, vector<1x16xf32>,
        %parallel_loop3A_757 = arith.index_cast %parallel_loop3A_154 : i32 to index
        %parallel_loop3A_758 = arith.constant 688 : index
        %parallel_loop3A_759 = tpu.vector_load %arg8[%parallel_loop3A_757, %parallel_loop3A_758] {strides = array<i32>} : memref<16x1024xf32, #tpu.memory_space<vmem>>, vector<1x16xf32>,
        %parallel_loop3A_760 = vector.shape_cast %parallel_loop3A_759 : vector<1x16xf32> to vector<16xf32>
        %parallel_loop3A_761 = arith.index_cast %parallel_loop3A_154 : i32 to index
        %parallel_loop3A_762 = arith.constant 688 : index
        %parallel_loop3A_763 = tpu.vector_load %arg10[%parallel_loop3A_761, %parallel_loop3A_762] {strides = array<i32>} : memref<16x1024xf32, #tpu.memory_space<vmem>>, vector<1x16xf32>,
        %parallel_loop3A_764 = vector.shape_cast %parallel_loop3A_763 : vector<1x16xf32> to vector<16xf32>
        %parallel_loop3A_765 = arith.addf %parallel_loop3A_760, %parallel_loop3A_764 : vector<16xf32>
        %parallel_loop3A_766 = arith.index_cast %parallel_loop3A_154 : i32 to index
        %parallel_loop3A_767 = arith.constant 688 : index
        %parallel_loop3A_768 = tpu.vector_load %arg8[%parallel_loop3A_766, %parallel_loop3A_767] {strides = array<i32>} : memref<16x1024xf32, #tpu.memory_space<vmem>>, vector<1x16xf32>,
        %parallel_loop3A_769 = vector.shape_cast %parallel_loop3A_768 : vector<1x16xf32> to vector<16xf32>
        %parallel_loop3A_770 = vector.shape_cast %parallel_loop3A_765 : vector<16xf32> to vector<1x16xf32>
        tpu.vector_store %arg8[%parallel_loop3A_766, %parallel_loop3A_767], %parallel_loop3A_770 {strides = array<i32>} : memref<16x1024xf32, #tpu.memory_space<vmem>>, vector<1x16xf32>,
        %parallel_loop3A_771 = arith.index_cast %parallel_loop3A_154 : i32 to index
        %parallel_loop3A_772 = arith.constant 704 : index
        %parallel_loop3A_773 = tpu.vector_load %arg8[%parallel_loop3A_771, %parallel_loop3A_772] {strides = array<i32>} : memref<16x1024xf32, #tpu.memory_space<vmem>>, vector<1x16xf32>,
        %parallel_loop3A_774 = vector.shape_cast %parallel_loop3A_773 : vector<1x16xf32> to vector<16xf32>
        %parallel_loop3A_775 = arith.index_cast %parallel_loop3A_154 : i32 to index
        %parallel_loop3A_776 = arith.constant 704 : index
        %parallel_loop3A_777 = tpu.vector_load %arg10[%parallel_loop3A_775, %parallel_loop3A_776] {strides = array<i32>} : memref<16x1024xf32, #tpu.memory_space<vmem>>, vector<1x16xf32>,
        %parallel_loop3A_778 = vector.shape_cast %parallel_loop3A_777 : vector<1x16xf32> to vector<16xf32>
        %parallel_loop3A_779 = arith.addf %parallel_loop3A_774, %parallel_loop3A_778 : vector<16xf32>
        %parallel_loop3A_780 = arith.index_cast %parallel_loop3A_154 : i32 to index
        %parallel_loop3A_781 = arith.constant 704 : index
        %parallel_loop3A_782 = tpu.vector_load %arg8[%parallel_loop3A_780, %parallel_loop3A_781] {strides = array<i32>} : memref<16x1024xf32, #tpu.memory_space<vmem>>, vector<1x16xf32>,
        %parallel_loop3A_783 = vector.shape_cast %parallel_loop3A_782 : vector<1x16xf32> to vector<16xf32>
        %parallel_loop3A_784 = vector.shape_cast %parallel_loop3A_779 : vector<16xf32> to vector<1x16xf32>
        tpu.vector_store %arg8[%parallel_loop3A_780, %parallel_loop3A_781], %parallel_loop3A_784 {strides = array<i32>} : memref<16x1024xf32, #tpu.memory_space<vmem>>, vector<1x16xf32>,
        %parallel_loop3A_785 = arith.index_cast %parallel_loop3A_154 : i32 to index
        %parallel_loop3A_786 = arith.constant 720 : index
        %parallel_loop3A_787 = tpu.vector_load %arg8[%parallel_loop3A_785, %parallel_loop3A_786] {strides = array<i32>} : memref<16x1024xf32, #tpu.memory_space<vmem>>, vector<1x16xf32>,
        %parallel_loop3A_788 = vector.shape_cast %parallel_loop3A_787 : vector<1x16xf32> to vector<16xf32>
        %parallel_loop3A_789 = arith.index_cast %parallel_loop3A_154 : i32 to index
        %parallel_loop3A_790 = arith.constant 720 : index
        %parallel_loop3A_791 = tpu.vector_load %arg10[%parallel_loop3A_789, %parallel_loop3A_790] {strides = array<i32>} : memref<16x1024xf32, #tpu.memory_space<vmem>>, vector<1x16xf32>,
        %parallel_loop3A_792 = vector.shape_cast %parallel_loop3A_791 : vector<1x16xf32> to vector<16xf32>
        %parallel_loop3A_793 = arith.addf %parallel_loop3A_788, %parallel_loop3A_792 : vector<16xf32>
        %parallel_loop3A_794 = arith.index_cast %parallel_loop3A_154 : i32 to index
        %parallel_loop3A_795 = arith.constant 720 : index
        %parallel_loop3A_796 = tpu.vector_load %arg8[%parallel_loop3A_794, %parallel_loop3A_795] {strides = array<i32>} : memref<16x1024xf32, #tpu.memory_space<vmem>>, vector<1x16xf32>,
        %parallel_loop3A_797 = vector.shape_cast %parallel_loop3A_796 : vector<1x16xf32> to vector<16xf32>
        %parallel_loop3A_798 = vector.shape_cast %parallel_loop3A_793 : vector<16xf32> to vector<1x16xf32>
        tpu.vector_store %arg8[%parallel_loop3A_794, %parallel_loop3A_795], %parallel_loop3A_798 {strides = array<i32>} : memref<16x1024xf32, #tpu.memory_space<vmem>>, vector<1x16xf32>,
        %parallel_loop3A_799 = arith.index_cast %parallel_loop3A_154 : i32 to index
        %parallel_loop3A_800 = arith.constant 736 : index
        %parallel_loop3A_801 = tpu.vector_load %arg8[%parallel_loop3A_799, %parallel_loop3A_800] {strides = array<i32>} : memref<16x1024xf32, #tpu.memory_space<vmem>>, vector<1x16xf32>,
        %parallel_loop3A_802 = vector.shape_cast %parallel_loop3A_801 : vector<1x16xf32> to vector<16xf32>
        %parallel_loop3A_803 = arith.index_cast %parallel_loop3A_154 : i32 to index
        %parallel_loop3A_804 = arith.constant 736 : index
        %parallel_loop3A_805 = tpu.vector_load %arg10[%parallel_loop3A_803, %parallel_loop3A_804] {strides = array<i32>} : memref<16x1024xf32, #tpu.memory_space<vmem>>, vector<1x16xf32>,
        %parallel_loop3A_806 = vector.shape_cast %parallel_loop3A_805 : vector<1x16xf32> to vector<16xf32>
        %parallel_loop3A_807 = arith.addf %parallel_loop3A_802, %parallel_loop3A_806 : vector<16xf32>
        %parallel_loop3A_808 = arith.index_cast %parallel_loop3A_154 : i32 to index
        %parallel_loop3A_809 = arith.constant 736 : index
        %parallel_loop3A_810 = tpu.vector_load %arg8[%parallel_loop3A_808, %parallel_loop3A_809] {strides = array<i32>} : memref<16x1024xf32, #tpu.memory_space<vmem>>, vector<1x16xf32>,
        %parallel_loop3A_811 = vector.shape_cast %parallel_loop3A_810 : vector<1x16xf32> to vector<16xf32>
        %parallel_loop3A_812 = vector.shape_cast %parallel_loop3A_807 : vector<16xf32> to vector<1x16xf32>
        tpu.vector_store %arg8[%parallel_loop3A_808, %parallel_loop3A_809], %parallel_loop3A_812 {strides = array<i32>} : memref<16x1024xf32, #tpu.memory_space<vmem>>, vector<1x16xf32>,
        %parallel_loop3A_813 = arith.index_cast %parallel_loop3A_154 : i32 to index
        %parallel_loop3A_814 = arith.constant 752 : index
        %parallel_loop3A_815 = tpu.vector_load %arg8[%parallel_loop3A_813, %parallel_loop3A_814] {strides = array<i32>} : memref<16x1024xf32, #tpu.memory_space<vmem>>, vector<1x16xf32>,
        %parallel_loop3A_816 = vector.shape_cast %parallel_loop3A_815 : vector<1x16xf32> to vector<16xf32>
        %parallel_loop3A_817 = arith.index_cast %parallel_loop3A_154 : i32 to index
        %parallel_loop3A_818 = arith.constant 752 : index
        %parallel_loop3A_819 = tpu.vector_load %arg10[%parallel_loop3A_817, %parallel_loop3A_818] {strides = array<i32>} : memref<16x1024xf32, #tpu.memory_space<vmem>>, vector<1x16xf32>,
        %parallel_loop3A_820 = vector.shape_cast %parallel_loop3A_819 : vector<1x16xf32> to vector<16xf32>
        %parallel_loop3A_821 = arith.addf %parallel_loop3A_816, %parallel_loop3A_820 : vector<16xf32>
        %parallel_loop3A_822 = arith.index_cast %parallel_loop3A_154 : i32 to index
        %parallel_loop3A_823 = arith.constant 752 : index
        %parallel_loop3A_824 = tpu.vector_load %arg8[%parallel_loop3A_822, %parallel_loop3A_823] {strides = array<i32>} : memref<16x1024xf32, #tpu.memory_space<vmem>>, vector<1x16xf32>,
        %parallel_loop3A_825 = vector.shape_cast %parallel_loop3A_824 : vector<1x16xf32> to vector<16xf32>
        %parallel_loop3A_826 = vector.shape_cast %parallel_loop3A_821 : vector<16xf32> to vector<1x16xf32>
        tpu.vector_store %arg8[%parallel_loop3A_822, %parallel_loop3A_823], %parallel_loop3A_826 {strides = array<i32>} : memref<16x1024xf32, #tpu.memory_space<vmem>>, vector<1x16xf32>,
        %parallel_loop3A_827 = arith.index_cast %parallel_loop3A_154 : i32 to index
        %parallel_loop3A_828 = arith.constant 768 : index
        %parallel_loop3A_829 = tpu.vector_load %arg8[%parallel_loop3A_827, %parallel_loop3A_828] {strides = array<i32>} : memref<16x1024xf32, #tpu.memory_space<vmem>>, vector<1x16xf32>,
        %parallel_loop3A_830 = vector.shape_cast %parallel_loop3A_829 : vector<1x16xf32> to vector<16xf32>
        %parallel_loop3A_831 = arith.index_cast %parallel_loop3A_154 : i32 to index
        %parallel_loop3A_832 = arith.constant 768 : index
        %parallel_loop3A_833 = tpu.vector_load %arg10[%parallel_loop3A_831, %parallel_loop3A_832] {strides = array<i32>} : memref<16x1024xf32, #tpu.memory_space<vmem>>, vector<1x16xf32>,
        %parallel_loop3A_834 = vector.shape_cast %parallel_loop3A_833 : vector<1x16xf32> to vector<16xf32>
        %parallel_loop3A_835 = arith.addf %parallel_loop3A_830, %parallel_loop3A_834 : vector<16xf32>
        %parallel_loop3A_836 = arith.index_cast %parallel_loop3A_154 : i32 to index
        %parallel_loop3A_837 = arith.constant 768 : index
        %parallel_loop3A_838 = tpu.vector_load %arg8[%parallel_loop3A_836, %parallel_loop3A_837] {strides = array<i32>} : memref<16x1024xf32, #tpu.memory_space<vmem>>, vector<1x16xf32>,
        %parallel_loop3A_839 = vector.shape_cast %parallel_loop3A_838 : vector<1x16xf32> to vector<16xf32>
        %parallel_loop3A_840 = vector.shape_cast %parallel_loop3A_835 : vector<16xf32> to vector<1x16xf32>
        tpu.vector_store %arg8[%parallel_loop3A_836, %parallel_loop3A_837], %parallel_loop3A_840 {strides = array<i32>} : memref<16x1024xf32, #tpu.memory_space<vmem>>, vector<1x16xf32>,
        %parallel_loop3A_841 = arith.index_cast %parallel_loop3A_154 : i32 to index
        %parallel_loop3A_842 = arith.constant 784 : index
        %parallel_loop3A_843 = tpu.vector_load %arg8[%parallel_loop3A_841, %parallel_loop3A_842] {strides = array<i32>} : memref<16x1024xf32, #tpu.memory_space<vmem>>, vector<1x16xf32>,
        %parallel_loop3A_844 = vector.shape_cast %parallel_loop3A_843 : vector<1x16xf32> to vector<16xf32>
        %parallel_loop3A_845 = arith.index_cast %parallel_loop3A_154 : i32 to index
        %parallel_loop3A_846 = arith.constant 784 : index
        %parallel_loop3A_847 = tpu.vector_load %arg10[%parallel_loop3A_845, %parallel_loop3A_846] {strides = array<i32>} : memref<16x1024xf32, #tpu.memory_space<vmem>>, vector<1x16xf32>,
        %parallel_loop3A_848 = vector.shape_cast %parallel_loop3A_847 : vector<1x16xf32> to vector<16xf32>
        %parallel_loop3A_849 = arith.addf %parallel_loop3A_844, %parallel_loop3A_848 : vector<16xf32>
        %parallel_loop3A_850 = arith.index_cast %parallel_loop3A_154 : i32 to index
        %parallel_loop3A_851 = arith.constant 784 : index
        %parallel_loop3A_852 = tpu.vector_load %arg8[%parallel_loop3A_850, %parallel_loop3A_851] {strides = array<i32>} : memref<16x1024xf32, #tpu.memory_space<vmem>>, vector<1x16xf32>,
        %parallel_loop3A_853 = vector.shape_cast %parallel_loop3A_852 : vector<1x16xf32> to vector<16xf32>
        %parallel_loop3A_854 = vector.shape_cast %parallel_loop3A_849 : vector<16xf32> to vector<1x16xf32>
        tpu.vector_store %arg8[%parallel_loop3A_850, %parallel_loop3A_851], %parallel_loop3A_854 {strides = array<i32>} : memref<16x1024xf32, #tpu.memory_space<vmem>>, vector<1x16xf32>,
        %parallel_loop3A_855 = arith.index_cast %parallel_loop3A_154 : i32 to index
        %parallel_loop3A_856 = arith.constant 800 : index
        %parallel_loop3A_857 = tpu.vector_load %arg8[%parallel_loop3A_855, %parallel_loop3A_856] {strides = array<i32>} : memref<16x1024xf32, #tpu.memory_space<vmem>>, vector<1x16xf32>,
        %parallel_loop3A_858 = vector.shape_cast %parallel_loop3A_857 : vector<1x16xf32> to vector<16xf32>
        %parallel_loop3A_859 = arith.index_cast %parallel_loop3A_154 : i32 to index
        %parallel_loop3A_860 = arith.constant 800 : index
        %parallel_loop3A_861 = tpu.vector_load %arg10[%parallel_loop3A_859, %parallel_loop3A_860] {strides = array<i32>} : memref<16x1024xf32, #tpu.memory_space<vmem>>, vector<1x16xf32>,
        %parallel_loop3A_862 = vector.shape_cast %parallel_loop3A_861 : vector<1x16xf32> to vector<16xf32>
        %parallel_loop3A_863 = arith.addf %parallel_loop3A_858, %parallel_loop3A_862 : vector<16xf32>
        %parallel_loop3A_864 = arith.index_cast %parallel_loop3A_154 : i32 to index
        %parallel_loop3A_865 = arith.constant 800 : index
        %parallel_loop3A_866 = tpu.vector_load %arg8[%parallel_loop3A_864, %parallel_loop3A_865] {strides = array<i32>} : memref<16x1024xf32, #tpu.memory_space<vmem>>, vector<1x16xf32>,
        %parallel_loop3A_867 = vector.shape_cast %parallel_loop3A_866 : vector<1x16xf32> to vector<16xf32>
        %parallel_loop3A_868 = vector.shape_cast %parallel_loop3A_863 : vector<16xf32> to vector<1x16xf32>
        tpu.vector_store %arg8[%parallel_loop3A_864, %parallel_loop3A_865], %parallel_loop3A_868 {strides = array<i32>} : memref<16x1024xf32, #tpu.memory_space<vmem>>, vector<1x16xf32>,
        %parallel_loop3A_869 = arith.index_cast %parallel_loop3A_154 : i32 to index
        %parallel_loop3A_870 = arith.constant 816 : index
        %parallel_loop3A_871 = tpu.vector_load %arg8[%parallel_loop3A_869, %parallel_loop3A_870] {strides = array<i32>} : memref<16x1024xf32, #tpu.memory_space<vmem>>, vector<1x16xf32>,
        %parallel_loop3A_872 = vector.shape_cast %parallel_loop3A_871 : vector<1x16xf32> to vector<16xf32>
        %parallel_loop3A_873 = arith.index_cast %parallel_loop3A_154 : i32 to index
        %parallel_loop3A_874 = arith.constant 816 : index
        %parallel_loop3A_875 = tpu.vector_load %arg10[%parallel_loop3A_873, %parallel_loop3A_874] {strides = array<i32>} : memref<16x1024xf32, #tpu.memory_space<vmem>>, vector<1x16xf32>,
        %parallel_loop3A_876 = vector.shape_cast %parallel_loop3A_875 : vector<1x16xf32> to vector<16xf32>
        %parallel_loop3A_877 = arith.addf %parallel_loop3A_872, %parallel_loop3A_876 : vector<16xf32>
        %parallel_loop3A_878 = arith.index_cast %parallel_loop3A_154 : i32 to index
        %parallel_loop3A_879 = arith.constant 816 : index
        %parallel_loop3A_880 = tpu.vector_load %arg8[%parallel_loop3A_878, %parallel_loop3A_879] {strides = array<i32>} : memref<16x1024xf32, #tpu.memory_space<vmem>>, vector<1x16xf32>,
        %parallel_loop3A_881 = vector.shape_cast %parallel_loop3A_880 : vector<1x16xf32> to vector<16xf32>
        %parallel_loop3A_882 = vector.shape_cast %parallel_loop3A_877 : vector<16xf32> to vector<1x16xf32>
        tpu.vector_store %arg8[%parallel_loop3A_878, %parallel_loop3A_879], %parallel_loop3A_882 {strides = array<i32>} : memref<16x1024xf32, #tpu.memory_space<vmem>>, vector<1x16xf32>,
        %parallel_loop3A_883 = arith.index_cast %parallel_loop3A_154 : i32 to index
        %parallel_loop3A_884 = arith.constant 832 : index
        %parallel_loop3A_885 = tpu.vector_load %arg8[%parallel_loop3A_883, %parallel_loop3A_884] {strides = array<i32>} : memref<16x1024xf32, #tpu.memory_space<vmem>>, vector<1x16xf32>,
        %parallel_loop3A_886 = vector.shape_cast %parallel_loop3A_885 : vector<1x16xf32> to vector<16xf32>
        %parallel_loop3A_887 = arith.index_cast %parallel_loop3A_154 : i32 to index
        %parallel_loop3A_888 = arith.constant 832 : index
        %parallel_loop3A_889 = tpu.vector_load %arg10[%parallel_loop3A_887, %parallel_loop3A_888] {strides = array<i32>} : memref<16x1024xf32, #tpu.memory_space<vmem>>, vector<1x16xf32>,
        %parallel_loop3A_890 = vector.shape_cast %parallel_loop3A_889 : vector<1x16xf32> to vector<16xf32>
        %parallel_loop3A_891 = arith.addf %parallel_loop3A_886, %parallel_loop3A_890 : vector<16xf32>
        %parallel_loop3A_892 = arith.index_cast %parallel_loop3A_154 : i32 to index
        %parallel_loop3A_893 = arith.constant 832 : index
        %parallel_loop3A_894 = tpu.vector_load %arg8[%parallel_loop3A_892, %parallel_loop3A_893] {strides = array<i32>} : memref<16x1024xf32, #tpu.memory_space<vmem>>, vector<1x16xf32>,
        %parallel_loop3A_895 = vector.shape_cast %parallel_loop3A_894 : vector<1x16xf32> to vector<16xf32>
        %parallel_loop3A_896 = vector.shape_cast %parallel_loop3A_891 : vector<16xf32> to vector<1x16xf32>
        tpu.vector_store %arg8[%parallel_loop3A_892, %parallel_loop3A_893], %parallel_loop3A_896 {strides = array<i32>} : memref<16x1024xf32, #tpu.memory_space<vmem>>, vector<1x16xf32>,
        %parallel_loop3A_897 = arith.index_cast %parallel_loop3A_154 : i32 to index
        %parallel_loop3A_898 = arith.constant 848 : index
        %parallel_loop3A_899 = tpu.vector_load %arg8[%parallel_loop3A_897, %parallel_loop3A_898] {strides = array<i32>} : memref<16x1024xf32, #tpu.memory_space<vmem>>, vector<1x16xf32>,
        %parallel_loop3A_900 = vector.shape_cast %parallel_loop3A_899 : vector<1x16xf32> to vector<16xf32>
        %parallel_loop3A_901 = arith.index_cast %parallel_loop3A_154 : i32 to index
        %parallel_loop3A_902 = arith.constant 848 : index
        %parallel_loop3A_903 = tpu.vector_load %arg10[%parallel_loop3A_901, %parallel_loop3A_902] {strides = array<i32>} : memref<16x1024xf32, #tpu.memory_space<vmem>>, vector<1x16xf32>,
        %parallel_loop3A_904 = vector.shape_cast %parallel_loop3A_903 : vector<1x16xf32> to vector<16xf32>
        %parallel_loop3A_905 = arith.addf %parallel_loop3A_900, %parallel_loop3A_904 : vector<16xf32>
        %parallel_loop3A_906 = arith.index_cast %parallel_loop3A_154 : i32 to index
        %parallel_loop3A_907 = arith.constant 848 : index
        %parallel_loop3A_908 = tpu.vector_load %arg8[%parallel_loop3A_906, %parallel_loop3A_907] {strides = array<i32>} : memref<16x1024xf32, #tpu.memory_space<vmem>>, vector<1x16xf32>,
        %parallel_loop3A_909 = vector.shape_cast %parallel_loop3A_908 : vector<1x16xf32> to vector<16xf32>
        %parallel_loop3A_910 = vector.shape_cast %parallel_loop3A_905 : vector<16xf32> to vector<1x16xf32>
        tpu.vector_store %arg8[%parallel_loop3A_906, %parallel_loop3A_907], %parallel_loop3A_910 {strides = array<i32>} : memref<16x1024xf32, #tpu.memory_space<vmem>>, vector<1x16xf32>,
        %parallel_loop3A_911 = arith.index_cast %parallel_loop3A_154 : i32 to index
        %parallel_loop3A_912 = arith.constant 864 : index
        %parallel_loop3A_913 = tpu.vector_load %arg8[%parallel_loop3A_911, %parallel_loop3A_912] {strides = array<i32>} : memref<16x1024xf32, #tpu.memory_space<vmem>>, vector<1x16xf32>,
        %parallel_loop3A_914 = vector.shape_cast %parallel_loop3A_913 : vector<1x16xf32> to vector<16xf32>
        %parallel_loop3A_915 = arith.index_cast %parallel_loop3A_154 : i32 to index
        %parallel_loop3A_916 = arith.constant 864 : index
        %parallel_loop3A_917 = tpu.vector_load %arg10[%parallel_loop3A_915, %parallel_loop3A_916] {strides = array<i32>} : memref<16x1024xf32, #tpu.memory_space<vmem>>, vector<1x16xf32>,
        %parallel_loop3A_918 = vector.shape_cast %parallel_loop3A_917 : vector<1x16xf32> to vector<16xf32>
        %parallel_loop3A_919 = arith.addf %parallel_loop3A_914, %parallel_loop3A_918 : vector<16xf32>
        %parallel_loop3A_920 = arith.index_cast %parallel_loop3A_154 : i32 to index
        %parallel_loop3A_921 = arith.constant 864 : index
        %parallel_loop3A_922 = tpu.vector_load %arg8[%parallel_loop3A_920, %parallel_loop3A_921] {strides = array<i32>} : memref<16x1024xf32, #tpu.memory_space<vmem>>, vector<1x16xf32>,
        %parallel_loop3A_923 = vector.shape_cast %parallel_loop3A_922 : vector<1x16xf32> to vector<16xf32>
        %parallel_loop3A_924 = vector.shape_cast %parallel_loop3A_919 : vector<16xf32> to vector<1x16xf32>
        tpu.vector_store %arg8[%parallel_loop3A_920, %parallel_loop3A_921], %parallel_loop3A_924 {strides = array<i32>} : memref<16x1024xf32, #tpu.memory_space<vmem>>, vector<1x16xf32>,
        %parallel_loop3A_925 = arith.index_cast %parallel_loop3A_154 : i32 to index
        %parallel_loop3A_926 = arith.constant 880 : index
        %parallel_loop3A_927 = tpu.vector_load %arg8[%parallel_loop3A_925, %parallel_loop3A_926] {strides = array<i32>} : memref<16x1024xf32, #tpu.memory_space<vmem>>, vector<1x16xf32>,
        %parallel_loop3A_928 = vector.shape_cast %parallel_loop3A_927 : vector<1x16xf32> to vector<16xf32>
        %parallel_loop3A_929 = arith.index_cast %parallel_loop3A_154 : i32 to index
        %parallel_loop3A_930 = arith.constant 880 : index
        %parallel_loop3A_931 = tpu.vector_load %arg10[%parallel_loop3A_929, %parallel_loop3A_930] {strides = array<i32>} : memref<16x1024xf32, #tpu.memory_space<vmem>>, vector<1x16xf32>,
        %parallel_loop3A_932 = vector.shape_cast %parallel_loop3A_931 : vector<1x16xf32> to vector<16xf32>
        %parallel_loop3A_933 = arith.addf %parallel_loop3A_928, %parallel_loop3A_932 : vector<16xf32>
        %parallel_loop3A_934 = arith.index_cast %parallel_loop3A_154 : i32 to index
        %parallel_loop3A_935 = arith.constant 880 : index
        %parallel_loop3A_936 = tpu.vector_load %arg8[%parallel_loop3A_934, %parallel_loop3A_935] {strides = array<i32>} : memref<16x1024xf32, #tpu.memory_space<vmem>>, vector<1x16xf32>,
        %parallel_loop3A_937 = vector.shape_cast %parallel_loop3A_936 : vector<1x16xf32> to vector<16xf32>
        %parallel_loop3A_938 = vector.shape_cast %parallel_loop3A_933 : vector<16xf32> to vector<1x16xf32>
        tpu.vector_store %arg8[%parallel_loop3A_934, %parallel_loop3A_935], %parallel_loop3A_938 {strides = array<i32>} : memref<16x1024xf32, #tpu.memory_space<vmem>>, vector<1x16xf32>,
        %parallel_loop3A_939 = arith.index_cast %parallel_loop3A_154 : i32 to index
        %parallel_loop3A_940 = arith.constant 896 : index
        %parallel_loop3A_941 = tpu.vector_load %arg8[%parallel_loop3A_939, %parallel_loop3A_940] {strides = array<i32>} : memref<16x1024xf32, #tpu.memory_space<vmem>>, vector<1x16xf32>,
        %parallel_loop3A_942 = vector.shape_cast %parallel_loop3A_941 : vector<1x16xf32> to vector<16xf32>
        %parallel_loop3A_943 = arith.index_cast %parallel_loop3A_154 : i32 to index
        %parallel_loop3A_944 = arith.constant 896 : index
        %parallel_loop3A_945 = tpu.vector_load %arg10[%parallel_loop3A_943, %parallel_loop3A_944] {strides = array<i32>} : memref<16x1024xf32, #tpu.memory_space<vmem>>, vector<1x16xf32>,
        %parallel_loop3A_946 = vector.shape_cast %parallel_loop3A_945 : vector<1x16xf32> to vector<16xf32>
        %parallel_loop3A_947 = arith.addf %parallel_loop3A_942, %parallel_loop3A_946 : vector<16xf32>
        %parallel_loop3A_948 = arith.index_cast %parallel_loop3A_154 : i32 to index
        %parallel_loop3A_949 = arith.constant 896 : index
        %parallel_loop3A_950 = tpu.vector_load %arg8[%parallel_loop3A_948, %parallel_loop3A_949] {strides = array<i32>} : memref<16x1024xf32, #tpu.memory_space<vmem>>, vector<1x16xf32>,
        %parallel_loop3A_951 = vector.shape_cast %parallel_loop3A_950 : vector<1x16xf32> to vector<16xf32>
        %parallel_loop3A_952 = vector.shape_cast %parallel_loop3A_947 : vector<16xf32> to vector<1x16xf32>
        tpu.vector_store %arg8[%parallel_loop3A_948, %parallel_loop3A_949], %parallel_loop3A_952 {strides = array<i32>} : memref<16x1024xf32, #tpu.memory_space<vmem>>, vector<1x16xf32>,
        %parallel_loop3A_953 = arith.index_cast %parallel_loop3A_154 : i32 to index
        %parallel_loop3A_954 = arith.constant 912 : index
        %parallel_loop3A_955 = tpu.vector_load %arg8[%parallel_loop3A_953, %parallel_loop3A_954] {strides = array<i32>} : memref<16x1024xf32, #tpu.memory_space<vmem>>, vector<1x16xf32>,
        %parallel_loop3A_956 = vector.shape_cast %parallel_loop3A_955 : vector<1x16xf32> to vector<16xf32>
        %parallel_loop3A_957 = arith.index_cast %parallel_loop3A_154 : i32 to index
        %parallel_loop3A_958 = arith.constant 912 : index
        %parallel_loop3A_959 = tpu.vector_load %arg10[%parallel_loop3A_957, %parallel_loop3A_958] {strides = array<i32>} : memref<16x1024xf32, #tpu.memory_space<vmem>>, vector<1x16xf32>,
        %parallel_loop3A_960 = vector.shape_cast %parallel_loop3A_959 : vector<1x16xf32> to vector<16xf32>
        %parallel_loop3A_961 = arith.addf %parallel_loop3A_956, %parallel_loop3A_960 : vector<16xf32>
        %parallel_loop3A_962 = arith.index_cast %parallel_loop3A_154 : i32 to index
        %parallel_loop3A_963 = arith.constant 912 : index
        %parallel_loop3A_964 = tpu.vector_load %arg8[%parallel_loop3A_962, %parallel_loop3A_963] {strides = array<i32>} : memref<16x1024xf32, #tpu.memory_space<vmem>>, vector<1x16xf32>,
        %parallel_loop3A_965 = vector.shape_cast %parallel_loop3A_964 : vector<1x16xf32> to vector<16xf32>
        %parallel_loop3A_966 = vector.shape_cast %parallel_loop3A_961 : vector<16xf32> to vector<1x16xf32>
        tpu.vector_store %arg8[%parallel_loop3A_962, %parallel_loop3A_963], %parallel_loop3A_966 {strides = array<i32>} : memref<16x1024xf32, #tpu.memory_space<vmem>>, vector<1x16xf32>,
        %parallel_loop3A_967 = arith.index_cast %parallel_loop3A_154 : i32 to index
        %parallel_loop3A_968 = arith.constant 928 : index
        %parallel_loop3A_969 = tpu.vector_load %arg8[%parallel_loop3A_967, %parallel_loop3A_968] {strides = array<i32>} : memref<16x1024xf32, #tpu.memory_space<vmem>>, vector<1x16xf32>,
        %parallel_loop3A_970 = vector.shape_cast %parallel_loop3A_969 : vector<1x16xf32> to vector<16xf32>
        %parallel_loop3A_971 = arith.index_cast %parallel_loop3A_154 : i32 to index
        %parallel_loop3A_972 = arith.constant 928 : index
        %parallel_loop3A_973 = tpu.vector_load %arg10[%parallel_loop3A_971, %parallel_loop3A_972] {strides = array<i32>} : memref<16x1024xf32, #tpu.memory_space<vmem>>, vector<1x16xf32>,
        %parallel_loop3A_974 = vector.shape_cast %parallel_loop3A_973 : vector<1x16xf32> to vector<16xf32>
        %parallel_loop3A_975 = arith.addf %parallel_loop3A_970, %parallel_loop3A_974 : vector<16xf32>
        %parallel_loop3A_976 = arith.index_cast %parallel_loop3A_154 : i32 to index
        %parallel_loop3A_977 = arith.constant 928 : index
        %parallel_loop3A_978 = tpu.vector_load %arg8[%parallel_loop3A_976, %parallel_loop3A_977] {strides = array<i32>} : memref<16x1024xf32, #tpu.memory_space<vmem>>, vector<1x16xf32>,
        %parallel_loop3A_979 = vector.shape_cast %parallel_loop3A_978 : vector<1x16xf32> to vector<16xf32>
        %parallel_loop3A_980 = vector.shape_cast %parallel_loop3A_975 : vector<16xf32> to vector<1x16xf32>
        tpu.vector_store %arg8[%parallel_loop3A_976, %parallel_loop3A_977], %parallel_loop3A_980 {strides = array<i32>} : memref<16x1024xf32, #tpu.memory_space<vmem>>, vector<1x16xf32>,
        %parallel_loop3A_981 = arith.index_cast %parallel_loop3A_154 : i32 to index
        %parallel_loop3A_982 = arith.constant 944 : index
        %parallel_loop3A_983 = tpu.vector_load %arg8[%parallel_loop3A_981, %parallel_loop3A_982] {strides = array<i32>} : memref<16x1024xf32, #tpu.memory_space<vmem>>, vector<1x16xf32>,
        %parallel_loop3A_984 = vector.shape_cast %parallel_loop3A_983 : vector<1x16xf32> to vector<16xf32>
        %parallel_loop3A_985 = arith.index_cast %parallel_loop3A_154 : i32 to index
        %parallel_loop3A_986 = arith.constant 944 : index
        %parallel_loop3A_987 = tpu.vector_load %arg10[%parallel_loop3A_985, %parallel_loop3A_986] {strides = array<i32>} : memref<16x1024xf32, #tpu.memory_space<vmem>>, vector<1x16xf32>,
        %parallel_loop3A_988 = vector.shape_cast %parallel_loop3A_987 : vector<1x16xf32> to vector<16xf32>
        %parallel_loop3A_989 = arith.addf %parallel_loop3A_984, %parallel_loop3A_988 : vector<16xf32>
        %parallel_loop3A_990 = arith.index_cast %parallel_loop3A_154 : i32 to index
        %parallel_loop3A_991 = arith.constant 944 : index
        %parallel_loop3A_992 = tpu.vector_load %arg8[%parallel_loop3A_990, %parallel_loop3A_991] {strides = array<i32>} : memref<16x1024xf32, #tpu.memory_space<vmem>>, vector<1x16xf32>,
        %parallel_loop3A_993 = vector.shape_cast %parallel_loop3A_992 : vector<1x16xf32> to vector<16xf32>
        %parallel_loop3A_994 = vector.shape_cast %parallel_loop3A_989 : vector<16xf32> to vector<1x16xf32>
        tpu.vector_store %arg8[%parallel_loop3A_990, %parallel_loop3A_991], %parallel_loop3A_994 {strides = array<i32>} : memref<16x1024xf32, #tpu.memory_space<vmem>>, vector<1x16xf32>,
        %parallel_loop3A_995 = arith.index_cast %parallel_loop3A_154 : i32 to index
        %parallel_loop3A_996 = arith.constant 960 : index
        %parallel_loop3A_997 = tpu.vector_load %arg8[%parallel_loop3A_995, %parallel_loop3A_996] {strides = array<i32>} : memref<16x1024xf32, #tpu.memory_space<vmem>>, vector<1x16xf32>,
        %parallel_loop3A_998 = vector.shape_cast %parallel_loop3A_997 : vector<1x16xf32> to vector<16xf32>
        %parallel_loop3A_999 = arith.index_cast %parallel_loop3A_154 : i32 to index
        %parallel_loop3A_1000 = arith.constant 960 : index
        %parallel_loop3A_1001 = tpu.vector_load %arg10[%parallel_loop3A_999, %parallel_loop3A_1000] {strides = array<i32>} : memref<16x1024xf32, #tpu.memory_space<vmem>>, vector<1x16xf32>,
        %parallel_loop3A_1002 = vector.shape_cast %parallel_loop3A_1001 : vector<1x16xf32> to vector<16xf32>
        %parallel_loop3A_1003 = arith.addf %parallel_loop3A_998, %parallel_loop3A_1002 : vector<16xf32>
        %parallel_loop3A_1004 = arith.index_cast %parallel_loop3A_154 : i32 to index
        %parallel_loop3A_1005 = arith.constant 960 : index
        %parallel_loop3A_1006 = tpu.vector_load %arg8[%parallel_loop3A_1004, %parallel_loop3A_1005] {strides = array<i32>} : memref<16x1024xf32, #tpu.memory_space<vmem>>, vector<1x16xf32>,
        %parallel_loop3A_1007 = vector.shape_cast %parallel_loop3A_1006 : vector<1x16xf32> to vector<16xf32>
        %parallel_loop3A_1008 = vector.shape_cast %parallel_loop3A_1003 : vector<16xf32> to vector<1x16xf32>
        tpu.vector_store %arg8[%parallel_loop3A_1004, %parallel_loop3A_1005], %parallel_loop3A_1008 {strides = array<i32>} : memref<16x1024xf32, #tpu.memory_space<vmem>>, vector<1x16xf32>,
        %parallel_loop3A_1009 = arith.index_cast %parallel_loop3A_154 : i32 to index
        %parallel_loop3A_1010 = arith.constant 976 : index
        %parallel_loop3A_1011 = tpu.vector_load %arg8[%parallel_loop3A_1009, %parallel_loop3A_1010] {strides = array<i32>} : memref<16x1024xf32, #tpu.memory_space<vmem>>, vector<1x16xf32>,
        %parallel_loop3A_1012 = vector.shape_cast %parallel_loop3A_1011 : vector<1x16xf32> to vector<16xf32>
        %parallel_loop3A_1013 = arith.index_cast %parallel_loop3A_154 : i32 to index
        %parallel_loop3A_1014 = arith.constant 976 : index
        %parallel_loop3A_1015 = tpu.vector_load %arg10[%parallel_loop3A_1013, %parallel_loop3A_1014] {strides = array<i32>} : memref<16x1024xf32, #tpu.memory_space<vmem>>, vector<1x16xf32>,
        %parallel_loop3A_1016 = vector.shape_cast %parallel_loop3A_1015 : vector<1x16xf32> to vector<16xf32>
        %parallel_loop3A_1017 = arith.addf %parallel_loop3A_1012, %parallel_loop3A_1016 : vector<16xf32>
        %parallel_loop3A_1018 = arith.index_cast %parallel_loop3A_154 : i32 to index
        %parallel_loop3A_1019 = arith.constant 976 : index
        %parallel_loop3A_1020 = tpu.vector_load %arg8[%parallel_loop3A_1018, %parallel_loop3A_1019] {strides = array<i32>} : memref<16x1024xf32, #tpu.memory_space<vmem>>, vector<1x16xf32>,
        %parallel_loop3A_1021 = vector.shape_cast %parallel_loop3A_1020 : vector<1x16xf32> to vector<16xf32>
        %parallel_loop3A_1022 = vector.shape_cast %parallel_loop3A_1017 : vector<16xf32> to vector<1x16xf32>
        tpu.vector_store %arg8[%parallel_loop3A_1018, %parallel_loop3A_1019], %parallel_loop3A_1022 {strides = array<i32>} : memref<16x1024xf32, #tpu.memory_space<vmem>>, vector<1x16xf32>,
        %parallel_loop3A_1023 = arith.index_cast %parallel_loop3A_154 : i32 to index
        %parallel_loop3A_1024 = arith.constant 992 : index
        %parallel_loop3A_1025 = tpu.vector_load %arg8[%parallel_loop3A_1023, %parallel_loop3A_1024] {strides = array<i32>} : memref<16x1024xf32, #tpu.memory_space<vmem>>, vector<1x16xf32>,
        %parallel_loop3A_1026 = vector.shape_cast %parallel_loop3A_1025 : vector<1x16xf32> to vector<16xf32>
        %parallel_loop3A_1027 = arith.index_cast %parallel_loop3A_154 : i32 to index
        %parallel_loop3A_1028 = arith.constant 992 : index
        %parallel_loop3A_1029 = tpu.vector_load %arg10[%parallel_loop3A_1027, %parallel_loop3A_1028] {strides = array<i32>} : memref<16x1024xf32, #tpu.memory_space<vmem>>, vector<1x16xf32>,
        %parallel_loop3A_1030 = vector.shape_cast %parallel_loop3A_1029 : vector<1x16xf32> to vector<16xf32>
        %parallel_loop3A_1031 = arith.addf %parallel_loop3A_1026, %parallel_loop3A_1030 : vector<16xf32>
        %parallel_loop3A_1032 = arith.index_cast %parallel_loop3A_154 : i32 to index
        %parallel_loop3A_1033 = arith.constant 992 : index
        %parallel_loop3A_1034 = tpu.vector_load %arg8[%parallel_loop3A_1032, %parallel_loop3A_1033] {strides = array<i32>} : memref<16x1024xf32, #tpu.memory_space<vmem>>, vector<1x16xf32>,
        %parallel_loop3A_1035 = vector.shape_cast %parallel_loop3A_1034 : vector<1x16xf32> to vector<16xf32>
        %parallel_loop3A_1036 = vector.shape_cast %parallel_loop3A_1031 : vector<16xf32> to vector<1x16xf32>
        tpu.vector_store %arg8[%parallel_loop3A_1032, %parallel_loop3A_1033], %parallel_loop3A_1036 {strides = array<i32>} : memref<16x1024xf32, #tpu.memory_space<vmem>>, vector<1x16xf32>,
        %parallel_loop3A_1037 = arith.index_cast %parallel_loop3A_154 : i32 to index
        %parallel_loop3A_1038 = arith.constant 1008 : index
        %parallel_loop3A_1039 = tpu.vector_load %arg8[%parallel_loop3A_1037, %parallel_loop3A_1038] {strides = array<i32>} : memref<16x1024xf32, #tpu.memory_space<vmem>>, vector<1x16xf32>,
        %parallel_loop3A_1040 = vector.shape_cast %parallel_loop3A_1039 : vector<1x16xf32> to vector<16xf32>
        %parallel_loop3A_1041 = arith.index_cast %parallel_loop3A_154 : i32 to index
        %parallel_loop3A_1042 = arith.constant 1008 : index
        %parallel_loop3A_1043 = tpu.vector_load %arg10[%parallel_loop3A_1041, %parallel_loop3A_1042] {strides = array<i32>} : memref<16x1024xf32, #tpu.memory_space<vmem>>, vector<1x16xf32>,
        %parallel_loop3A_1044 = vector.shape_cast %parallel_loop3A_1043 : vector<1x16xf32> to vector<16xf32>
        %parallel_loop3A_1045 = arith.addf %parallel_loop3A_1040, %parallel_loop3A_1044 : vector<16xf32>
        %parallel_loop3A_1046 = arith.index_cast %parallel_loop3A_154 : i32 to index
        %parallel_loop3A_1047 = arith.constant 1008 : index
        %parallel_loop3A_1048 = tpu.vector_load %arg8[%parallel_loop3A_1046, %parallel_loop3A_1047] {strides = array<i32>} : memref<16x1024xf32, #tpu.memory_space<vmem>>, vector<1x16xf32>,
        %parallel_loop3A_1049 = vector.shape_cast %parallel_loop3A_1048 : vector<1x16xf32> to vector<16xf32>
        %parallel_loop3A_1050 = vector.shape_cast %parallel_loop3A_1045 : vector<16xf32> to vector<1x16xf32>
        tpu.vector_store %arg8[%parallel_loop3A_1046, %parallel_loop3A_1047], %parallel_loop3A_1050 {strides = array<i32>} : memref<16x1024xf32, #tpu.memory_space<vmem>>, vector<1x16xf32>,
      } {sc.loop_unroll_factor = 1 : i64, sc.parallel_access}
      %mul3A_145 = arith.constant 16 : i32
      %mul3A_146 = arith.muli %add3A_126, %mul3A_145 : i32
      %add3A_147 = arith.addi %mul3A_32, %mul3A_146 : i32
      %dma_start3A_148 = arith.constant 0 : i32
      %dma_start3A_149 = tpu.memref_slice %arg5[%select_n3A, %add3A_147, %dma_start3A_148] : memref<4x2048x1024xf32, #tpu.memory_space<hbm>> -> memref<1x16x1024xf32, #tpu.memory_space<hbm>>
      %dma_start3A_150 = tpu.memref_squeeze %dma_start3A_149 : memref<1x16x1024xf32, #tpu.memory_space<hbm>> -> memref<16x1024xf32, #tpu.memory_space<hbm>>
      %dma_start3A_151 = arith.constant 0 : i32
      %dma_start3A_152 = tpu.memref_slice %arg5[%select_n3A, %add3A_147, %dma_start3A_151] : memref<4x2048x1024xf32, #tpu.memory_space<hbm>> -> memref<1x16x1024xf32, #tpu.memory_space<hbm>>
      %dma_start3A_153 = tpu.memref_squeeze %dma_start3A_152 : memref<1x16x1024xf32, #tpu.memory_space<hbm>> -> memref<16x1024xf32, #tpu.memory_space<hbm>>
      tpu.enqueue_dma source(%arg8 : memref<16x1024xf32, #tpu.memory_space<vmem>>) target(%dma_start3A_153 : memref<16x1024xf32, #tpu.memory_space<hbm>>) target_semaphore(%arg16 : memref<!tpu.dma_semaphore, #tpu.memory_space<semaphore_mem>>)
    }
    %scan3A_54 = arith.constant 8 : i32
    %add3A_55 = arith.constant 240 : i32
    %add3A_56 = arith.addi %mul3A_32, %add3A_55 : i32
    %dma_wait3A_57 = arith.constant 0 : i32
    %dma_wait3A_58 = tpu.memref_slice %arg5[%select_n3A, %add3A_56, %dma_wait3A_57] : memref<4x2048x1024xf32, #tpu.memory_space<hbm>> -> memref<1x16x1024xf32, #tpu.memory_space<hbm>>
    %dma_wait3A_59 = tpu.memref_squeeze %dma_wait3A_58 : memref<1x16x1024xf32, #tpu.memory_space<hbm>> -> memref<16x1024xf32, #tpu.memory_space<hbm>>
    %dma_wait3A_60 = arith.constant 0 : i32
    %dma_wait3A_61 = tpu.memref_slice %arg5[%select_n3A, %add3A_56, %dma_wait3A_60] : memref<4x2048x1024xf32, #tpu.memory_space<hbm>> -> memref<1x16x1024xf32, #tpu.memory_space<hbm>>
    %dma_wait3A_62 = tpu.memref_squeeze %dma_wait3A_61 : memref<1x16x1024xf32, #tpu.memory_space<hbm>> -> memref<16x1024xf32, #tpu.memory_space<hbm>>
    tpu.wait_dma2 semaphore(%arg16 : memref<!tpu.dma_semaphore, #tpu.memory_space<semaphore_mem>>) src(%arg8 : memref<16x1024xf32, #tpu.memory_space<vmem>>) dst(%dma_wait3A_62 : memref<16x1024xf32, #tpu.memory_space<hbm>>)
    return
  }
}

</mosaic_0001>

<sc_bundles>
// kernel: kernel.3.cloned.1.call-start
scs
__scs_entry_jumppad:
0x0: {  	(pc) =	sbr.rel $0x88, $3  }
0x1: {  	(tag) =	ssettag $0x0;
	lr =	simm.s32 $0x1  }
0x2: {  	[smem:$0x3F9E] =	sst lr;
	_ =	strace $0xD0000000  }
0x3: {  	_ = 	snop  }
0x4: {  	_ = 	snop  }
0x5: {  	_ = 	snop  }
0x6: {  	_ = 	snop  }
0x7: {  	_ = 	snop  }
__scs_overlays_trampoline_lowered:
0x8: {  	[smem:$0x3FAD] =	sst s0  }
0x9: {  	[smem:$0x3FAE] =	sst s1  }
0xa: {  	[smem:$0x3FAF] =	sst s2  }
0xb: {  	[smem:$0x3FB0] =	sst s3  }
0xc: {  	[smem:$0x3FB1] =	sst s4  }
0xd: {  	[smem:$0x3FB2] =	sst s5  }
0xe: {  	[smem:$0x3FB3] =	sst s6  }
0xf: {  	[smem:$0x3FB4] =	sst s7  }
0x10: {  	[smem:$0x3FB5] =	sst s8  }
0x11: {  	[smem:$0x3FB6] =	sst s9;
	s0 =	simm.s32 @!p0 $0x0  }
0x12: {  	s1 =	sld [smem:$0x3F9C];
	s0 =	simm.s32 @p0 $0x1  }
0x13: {  	[smem:$0x3FB7] =	sst s0;
	s0 =	simm.s32 @!p1 $0x0  }
0x14: {  	s2 =	sld [smem:$0x3F9B];
	s0 =	simm.s32 @p1 $0x1  }
0x15: {  	[smem:$0x3FB8] =	sst s0;
	s0 =	simm.s32 @!p2 $0x0  }
0x16: {  	s3 =	sld [smem:$0x3FDB];
	s0 =	simm.s32 @p2 $0x1  }
0x17: {  	s4 =	simm.s32 $0x1BF5;
	[smem:$0x3FBA] =	sst s0  }
0x18: {  	s0 =	sld [smem:$0x3F9D];
	_ =	swait.ge [sflag:s4], $0x0  }
0x19: {  	s7 =	sld [smem:$0x3F9E]  }
0x1a: {  	s8 =	sadd.s32 $0xFFFFE003, lr  }
0x1b: {  	s9 =	sadd.s32 $0xFFFFFEF7, lr;
	s5 =	simm.s32 $0xFFFFFFFF;
	p2 =	slt.u32 s8, $0xFFFFF086  }
0x1c: {  	p1 =	slt.u32 s9, $0xF7A;
	s5 =	simm.s32 @!p2 $0x0  }
0x1d: {  	s5 =	simm.s32 @p1 $0x1;
	p0 =	seq.s32 s7, s2  }
0x1e: {  	s7 =	smul.u32 @!p0 $0xF7A, s2;
	p2 =	seq.s32 @!p0 s5, $0x0  }
0x1f: {  	s9 =	smul.u32 $0xF7A, s1;
	s8 =	simm.s32 @!p0 $0x1BF5;
	p2 =	por !p2, p0  }
0x20: {  	[sflag:s8] =	ssyncset.s32 @!p0 $0xFFFFF086;
	s6 =	sadd.s32 @!p0 s3, s7;
	s7 =	simm.s32 @!p0 $0x108  }
0x21: {  	s3 =	sadd.s32 s3, s9;
	s6 =	sadd.s32 @!p0 $0x88, s6;
	s7 =	simm.s32 @p2 $0x1082  }
0x22: {  	[simem:s7], [sflag:s8] =	dma.local @!p0 [hbm:s6], $0xF7A  }
0x23: {  	s9 =	sor.u32 $0xD0000000, s2;
	s6 =	simm.s32 $0x108;
	_ =	swait.ge @!p0 [sflag:s8], $0x0  }
0x24: {  	s3 =	sadd.s32 $0x88, s3;
	s6 =	simm.s32 @!p1 $0x1082;
	[sflag:s4] =	ssyncset.s32 $0xFFFFF086  }
0x25: {  	[simem:s6], [sflag:s4] =	dma.local [hbm:s3], $0xF7A  }
0x26: {  	[smem:$0x3F9E] =	sst s1;
	(tag) =	ssettag s2;
	_ =	strace s9  }
0x27: {  	s1 =	sld [smem:$0x3FAE]  }
0x28: {  	s2 =	sld [smem:$0x3FAF]  }
0x29: {  	s4 =	sld [smem:$0x3FB1]  }
0x2a: {  	p0 =	seq.s32 s5, $0x0;
	s5 =	sld [smem:$0x3FB2]  }
0x2b: {  	s6 =	sld [smem:$0x3FB3]  }
0x2c: {  	s7 =	sld [smem:$0x3FB4]  }
0x2d: {  	s3 =	simm.s32 $0x108;
	s8 =	sld [smem:$0x3FB5]  }
0x2e: {  	s3 =	simm.s32 @!p0 $0x1082;
	s9 =	sld [smem:$0x3FB6]  }
0x2f: {  	lr =	sadd.s32 s0, s3;
	s0 =	sld [smem:$0x3FAD]  }
0x30: {  	s3 =	sld [smem:$0x3FB0]  }
0x31: {  	[smem:$0x3FB9] =	sst s10  }
0x32: {  	s10 =	sld [smem:$0x3FB7];
	_ =	sdelay $0x3  }
0x33: {  	p0 =	seq.s32 s10, $0x1;
	s10 =	sld [smem:$0x3FB9];
	_ =	sdelay $0x3  }
0x34: {  	[smem:$0x3FB9] =	sst s10  }
0x35: {  	s10 =	sld [smem:$0x3FB8];
	_ =	sdelay $0x3  }
0x36: {  	p1 =	seq.s32 s10, $0x1;
	s10 =	sld [smem:$0x3FB9];
	_ =	sdelay $0x3  }
0x37: {  	[smem:$0x3FB9] =	sst s10  }
0x38: {  	s10 =	sld [smem:$0x3FBA]  }
0x39: {  	_ = 	snop;
	(pc) =	sbr.ind lr, $3  }
0x3a: {  	_ = 	snop  }
0x3b: {  	_ = 	snop  }
0x3c: {  	p2 =	seq.s32 s10, $0x1;
	s10 =	sld [smem:$0x3FB9]  }
0x3d: {  	_ =	shalt  }
0x3e: {  	_ =	shalt  }
0x3f: {  	_ =	shalt  }
0x40: {  	_ =	shalt  }
0x41: {  	_ =	shalt  }
0x42: {  	_ =	shalt  }
0x43: {  	_ =	shalt  }
0x44: {  	_ =	shalt  }
0x45: {  	_ =	shalt  }
0x46: {  	_ =	shalt  }
0x47: {  	_ =	shalt  }
0x48: {  	_ =	shalt  }
0x49: {  	_ =	shalt  }
0x4a: {  	_ =	shalt  }
0x4b: {  	_ =	shalt  }
0x4c: {  	_ =	shalt  }
0x4d: {  	_ =	shalt  }
0x4e: {  	_ =	shalt  }
0x4f: {  	_ =	shalt  }
0x50: {  	_ =	shalt  }
0x51: {  	_ =	shalt  }
0x52: {  	_ =	shalt  }
0x53: {  	_ =	shalt  }
0x54: {  	_ =	shalt  }
0x55: {  	_ =	shalt  }
0x56: {  	_ =	shalt  }
0x57: {  	_ =	shalt  }
0x58: {  	_ =	shalt  }
0x59: {  	_ =	shalt  }
0x5a: {  	_ =	shalt  }
0x5b: {  	_ =	shalt  }
0x5c: {  	_ =	shalt  }
0x5d: {  	_ =	shalt  }
0x5e: {  	_ =	shalt  }
0x5f: {  	_ =	shalt  }
0x60: {  	_ =	shalt  }
0x61: {  	_ =	shalt  }
0x62: {  	_ =	shalt  }
0x63: {  	_ =	shalt  }
0x64: {  	_ =	shalt  }
0x65: {  	_ =	shalt  }
0x66: {  	_ =	shalt  }
0x67: {  	_ =	shalt  }
0x68: {  	_ =	shalt  }
0x69: {  	_ =	shalt  }
0x6a: {  	_ =	shalt  }
0x6b: {  	_ =	shalt  }
0x6c: {  	_ =	shalt  }
0x6d: {  	_ =	shalt  }
0x6e: {  	_ =	shalt  }
0x6f: {  	_ =	shalt  }
0x70: {  	_ =	shalt  }
0x71: {  	_ =	shalt  }
0x72: {  	_ =	shalt  }
0x73: {  	_ =	shalt  }
0x74: {  	_ =	shalt  }
0x75: {  	_ =	shalt  }
0x76: {  	_ =	shalt  }
0x77: {  	_ =	shalt  }
0x78: {  	_ =	shalt  }
0x79: {  	_ =	shalt  }
0x7a: {  	_ =	shalt  }
0x7b: {  	_ =	shalt  }
0x7c: {  	_ =	shalt  }
0x7d: {  	_ =	shalt  }
0x7e: {  	_ =	shalt  }
0x7f: {  	_ =	shalt  }
0x80: {  	_ =	shalt  }
0x81: {  	_ =	shalt  }
0x82: {  	_ =	shalt  }
0x83: {  	_ =	shalt  }
0x84: {  	_ =	shalt  }
0x85: {  	_ =	shalt  }
0x86: {  	_ =	shalt  }
0x87: {  	_ =	shalt  }
.Lfunc_end0:
.L_simem_size_0:
called_computation_lowered:
.L_overlay_start_0:
0x88: {  	s2 =	sld [smem:$0x3FD9]  }
0x89: {  	s3 =	sld [smem:$0x3FFE];
	_ =	sdelay $0x1  }
0x8a: {  	s1 =	srdreg.scid  }
0x8b: {  	s0 =	sand.u32 $0x1, s1  }
0x8c: {  	s18 =	sshll.u32 s0, $0xA;
	s2 =	sadd.s32 s3, s2  }
0x8d: {  	s2 =	sadd.s32 s2, s18  }
0x8e: {  	[smem:$0x3FC5] =	sst s2  }
0x8f: {  	_ = 	snop  }
0x90: {  	s2 =	sld [smem:$0x3FC9]  }
0x91: {  	s19 =	sld [smem:$0x3FC8]  }
0x92: {  	s4 =	sld [smem:$0x3FC7]  }
0x93: {  	s5 =	sld [smem:$0x3FD0];
	(tm) =	ssettm $0x1  }
0x94: {  	s6 =	sld [smem:$0x3FFB];
	_ =	sdelay $0x3  }
0x95: {  	_ =	strace s6  }
0x96: {  	s6 =	sld [smem:$0x3FFC];
	_ =	sdelay $0x3  }
0x97: {  	_ =	strace s6  }
0x98: {  	s6 =	sld [smem:$0x3FFD];
	_ =	sdelay $0x3  }
0x99: {  	_ =	strace s6  }
0x9a: {  	_ =	strace $0x8FFFFFFF  }
0x9b: {  	s20 =	sld [smem:$0x3FDB];
	_ =	sdelay $0x1  }
0x9c: {  	s7 =	simm.s32 $_scs_section_size  }
0x9d: {  	s8 =	simm.s32 $_size__tile_overlayer_lowered;
	s9 =	simm.s32 $_tile_overlayer_lowered  }
0x9e: {  	s23 =	simm.s32 $0x1BFF;
	s22 =	sshll.u32 s9, $0x1;
	s6 =	sadd.s32 s7, s20  }
0x9f: {  	s10 =	simm.s32 $0x0;
	s21 =	sshll.u32 s8, $0x1;
	s8 =	sadd.s32 s22, s6  }
0xa0: {  	[timem:s10], [sflag:s23] =	dma.local [hbm:s8], s21  }
0xa1: {  	_ =	swait.ge [sflag:s23], s21  }
0xa2: {  	s7 =	ssub.s32 $0x0, s21;
	[sflag:s23] =	ssyncset.done $0x0  }
0xa3: {  	[sflag:s23] =	ssyncadd.s32 s7;
	_ =	sdelay $0x1  }
0xa4: {  	s24 =	simm.s32 $0x1B8B  }
0xa5: {  	_ =	swait.ge [sflag:s24], $0x1  }
0xa6: {  	[sflag:s24] =	ssyncset.done $0x0  }
0xa7: {  	s25 =	simm.s32 $0x1B8E;
	[sflag:s24] =	ssyncadd.s32 $0xFFFFFFFF  }
0xa8: {  	s26 =	simm.s32 $execute0_lowered;
	[smem:$0x3FD2] =	sst s25  }
0xa9: {  	s7 =	sshll.u32 s26, $0x1;
	_ =	strace $0x80000046;
	[dreg:$0x1] =	wrdreg $0xFFFFFFFF  }
0xaa: {  	s28 =	simm.s32 $_size_execute0_lowered;
	s6 =	sadd.s32 s6, s7;
	[dreg:$0x0] =	wrdreg $0x0  }
0xab: {  	s7 =	sshll.u32 s28, $0x1;
	[dreg:$0x2] =	wrdreg s6  }
0xac: {  	[dreg:$0x3] =	wrdreg s7  }
0xad: {  	[dreg:$0x4] =	wrdreg $0xC0  }
0xae: {  	_ =	task [dreg:s10], $0x5FFFF  }
0xaf: {  	[dreg:$0x1] =	wrdreg $0xFFFFFFFF  }
0xb0: {  	[dreg:$0x0] =	wrdreg $0x60  }
0xb1: {  	[dreg:$0x2] =	wrdreg s2  }
0xb2: {  	[dreg:$0x3] =	wrdreg s19  }
0xb3: {  	[dreg:$0x4] =	wrdreg s4  }
0xb4: {  	[dreg:$0x5] =	wrdreg s5  }
0xb5: {  	[dreg:$0x6] =	wrdreg $0x9  }
0xb6: {  	_ =	task.clear_ibuf [dreg:s10], $0x7FFFF;
	_ =	strace $0x90000046  }
0xb7: {  	s29 =	simm.s32 $0x9;
	_ =	strace $0x80000048  }
0xb8: {  	_ =	swait.ge [sflag:s29], $0x1  }
0xb9: {  	[sflag:s29] =	ssyncadd.s32 $0xFFFFFFFF  }
0xba: {  	_ =	strace $0x90000048  }
0xbb: {  	_ =	sfence  }
0xbc: {  	s30 =	sld [smem:$0x0];
	_ =	sdelay $0x2  }
0xbd: {  	s31 =	sshll.u32 s1, $0xD;
	s1 =	sshrl.u32 s1, $0x2  }
0xbe: {  	s3 =	sand.u32 $0x4000, s31;
	s1 =	sadd.s32 s1, s30  }
0xbf: {  	s0 =	sor.u32 s3, s0;
	s1 =	sshll.u32 s1, $0x11  }
0xc0: {  	s0 =	sor.u32 s1, s0  }
0xc1: {  	s0 =	sadd.s32 $0x8F2B, s0  }
0xc2: {  	[sflag:s0] =	ssyncadd.remote.s32 $0x1  }
0xc3: {  	_ =	sfence.sel $0xFFFF  }
0xc4: {  	[dreg:$0x0] =	wrdreg $0xFFFFFFFF;
	(pc) =	sbr.abs _section_cstart, $3  }
0xc5: {  	[dreg:$0x1] =	wrdreg $0xFFFFFFFF  }
0xc6: {  	_ =	task.clear_ibuf [dreg:s10], $0x2FFFF;
	_ =	strace $0x9FFFFFFF  }
0xc7: {  	(tm) =	ssettm $0x7FFFFFFF  }
tec
execute0_lowered:
.L_overlay_start_1:
0x0: {  	(tag) =	ssettag $0x1  }
0x1: {  	s1 =	rddreg [dreg:$0x0]  }
0x2: {  	s0 =	rddreg [dreg:$0x1]  }
0x3: {  	s2 =	rddreg [dreg:$0x2]  }
0x4: {  	s4 =	rddreg [dreg:$0x3];
	s5 =	simm.s32 $0x0  }
0x5: {  	s3 =	srdreg.scid;
	s9 =	stileid.u32;
	s17 =	simm.s32 $0x100  }
0x6: {  	s18 =	simm.s32 $0x4;
	s28 =	simm.s32 $0x4100;
	s16 =	simm.s32 $0xF100  }
0x7: {  	s19 =	simm.s32 $0xF900;
	s20 =	simm.s32 $0x1;
	s21 =	simm.s32 $0x3  }
0x8: {  	s22 =	simm.s32 $0x5;
	s23 =	simm.s32 $0x2;
	[smem:$0x7FF] =	sst s5  }
0x9: {  	s3 =	sand.u32 $0x1, s3;
	s6 =	sshll.u32 s9, $0x1;
	s9 =	sshrl.u32 s9, $0x2  }
0xa: {  	s11 =	sadd.s32 $0x100, s2;
	s7 =	ssub.s32 $0x2, s3;
	s6 =	sand.u32 $0x6, s6  }
0xb: {  	s8 =	sshrl.u32 s7, $0x1;
	s3 =	sor.u32 s3, s6;
	s6 =	sshll.u32 s9, $0x15  }
0xc: {  	s9 =	sshll.u32 s9, $0x4;
	s10 =	ssub.s32 s7, s8;
	s26 =	sshll.u32 s3, $0x12  }
0xd: {  	s7 =	sshll.u32 s3, $0x8;
	s3 =	sshll.u32 s3, $0x7;
	s0 =	sadd.s32 s0, s9  }
0xe: {  	_ =	strace $0x80000047;
	s8 =	sor.u32 s6, s26;
	s0 =	sadd.s32 s3, s0  }
0xf: {  	v2 =	vlaneseq.u32;
	s31 =	smax.u32 s10, $0x1;
	s29 =	sshrl.u32 s8, $0x3;
	[dreg:$0x5] =	wrdreg s0  }
0x10: {  	s12 =	sadd.s32 $0x200, s2;
	v0 =	vand.u32 $0x7, v2;
	v1 =	vshrl.u32 v2, $0x3;
	[dreg:$0x7] =	wrdreg s31;
	s30 =	sadd.s32 s1, s29  }
0x11: {  	vm0 =	vmmov $0xffff;
	s13 =	sadd.s32 $0x300, s2;
	v2 =	vor.u32 $0x8, v2;
	[tilespmem:$0x1FFF0] =	vst v0;
	v1 =	vmul.u32 $0x8, v1;
	s9 =	simm.s32 $0x0;
	[dreg:$0x6] =	wrdreg s30  }
.LBB2_1:
0x12: {  	[dreg:$0x8] =	wrdreg s9  }
0x13: {  	s0 =	rddreg [dreg:$0x5];
	s3 =	simm.s32 $0x80;
	s31 =	simm.s32 $0x200  }
0x14: {  	[tilespmem:s5], [sflag:$0x4] =	stream.strided.gather [hbm4b:s0+s3], $0x100, s31, s3, $0x38;
	[tilespmem:$0x10100] =	vst v63  }
0x15: {  	s10 =	rddreg [dreg:$0x6]  }
0x16: {  	[tilespmem:s17], [sflag:$0x1] =	stream.linear.gather [hbm4b:s10+s5], $0x4000, $0x38;
	[tilespmem:$0x10100] =	vst v63  }
0x17: {  	_ =	swait.ge [sflag:s18], $0x100  }
0x18: {  	[sflag:s18] =	ssyncset.done $0x0  }
0x19: {  	[sflag:s18] =	ssyncadd.s32 $0xFFFFFF00  }
0x1a: {  	v3 =	vld [tilespmem:$0x0];
	_ =	sdelay $0x2  }
0x1b: {  	v0 =	vld [tilespmem:$0x1FFF0];
	_ =	sdelay $0x1  }
0x1c: {  	v4 =	vshll.u32 v3, $0x3  }
0x1d: {  	v3 =	vand.u32 $0x7, v3;
	v4 =	vand.u32 $0xFFFFFFC0, v4  }
0x1e: {  	v3 =	vor.u32 v3, v4  }
0x1f: {  	v4 =	vperm.xlane v3, v0;
	_ =	sdelay $0x1  }
0x20: {  	v4 =	vadd.s32 v1, v4;
	_ =	sdelay $0x3  }
0x21: {  	s14 =	simm.s32 $0x8100  }
0x22: {  	[tilespmem:s14], [sflag:$0x3] =	stream.indirect_vreg.gather [hbm4b:s2+s5], $0x80, v4, vm0, $0xb8;
	[tilespmem:$0x10100] =	vst v63  }
0x23: {  	s15 =	simm.s32 $0x8900;
	v3 =	vperm.xlane v3, v2  }
0x24: {  	[tilespmem:s15], [sflag:$0x3] =	stream.indirect_vreg.gather [hbm4b:s11+s5], $0x80, v4, vm0, $0xb8;
	[tilespmem:$0x10100] =	vst v63  }
0x25: {  	s24 =	simm.s32 $0x9100;
	v3 =	vadd.s32 v1, v3  }
0x26: {  	[tilespmem:s24], [sflag:$0x3] =	stream.indirect_vreg.gather [hbm4b:s12+s5], $0x80, v4, vm0, $0xb8;
	[tilespmem:$0x10100] =	vst v63  }
0x27: {  	s25 =	simm.s32 $0x9900  }
0x28: {  	[tilespmem:s25], [sflag:$0x3] =	stream.indirect_vreg.gather [hbm4b:s13+s5], $0x80, v4, vm0, $0xb8;
	[tilespmem:$0x10100] =	vst v63  }
0x29: {  	s26 =	simm.s32 $0xA100  }
0x2a: {  	[tilespmem:s26], [sflag:$0x3] =	stream.indirect_vreg.gather [hbm4b:s2+s5], $0x80, v3, vm0, $0xb8;
	[tilespmem:$0x10100] =	vst v63  }
0x2b: {  	s29 =	simm.s32 $0xA900  }
0x2c: {  	[tilespmem:s29], [sflag:$0x3] =	stream.indirect_vreg.gather [hbm4b:s11+s5], $0x80, v3, vm0, $0xb8;
	[tilespmem:$0x10100] =	vst v63  }
0x2d: {  	s30 =	simm.s32 $0xB100  }
0x2e: {  	[tilespmem:s30], [sflag:$0x3] =	stream.indirect_vreg.gather [hbm4b:s12+s5], $0x80, v3, vm0, $0xb8;
	[tilespmem:$0x10100] =	vst v63  }
0x2f: {  	s31 =	simm.s32 $0xB900;
	s26 =	simm.s32 $0x0  }
0x30: {  	[tilespmem:s31], [sflag:$0x3] =	stream.indirect_vreg.gather [hbm4b:s13+s5], $0x80, v3, vm0, $0xb8;
	[tilespmem:$0x10100] =	vst v63  }
.LBB2_2:
0x31: {  	s10 =	sshll.u32 s26, $0x5  }
0x32: {  	s24 =	sor.u32 $0x10, s10  }
0x33: {  	p0 =	seq.s32 s26, $0x0;
	s9 =	sadd.s32 s7, s24  }
0x34: {  	s14 =	simm.s32 @!p0 $0x6;
	s9 =	sshll.u32 s9, $0xA  }
0x35: {  	_ =	swait.ge @!p0 [sflag:s14], $0x4000;
	s9 =	sadd.s32 s6, s9  }
0x36: {  	[sflag:s14] =	ssyncset.done @!p0 $0x0;
	s9 =	sshrl.u32 s9, $0x3  }
0x37: {  	[sflag:s14] =	ssyncadd.s32 @!p0 $0xFFFFC000;
	s14 =	simm.s32 $0x0;
	s25 =	sadd.s32 s1, s9  }
0x38: {  	[tilespmem:s28], [sflag:$0x2] =	stream.linear.gather [hbm4b:s25+s14], $0x4000, $0x38;
	[tilespmem:$0x10100] =	vst v63  }
0x39: {  	v3 =	vld [tilespmem:s24+$0x0];
	_ =	sdelay $0x2  }
0x3a: {  	v0 =	vld [tilespmem:$0x1FFF0];
	_ =	sdelay $0x1  }
0x3b: {  	v4 =	vshll.u32 v3, $0x3  }
0x3c: {  	v3 =	vand.u32 $0x7, v3;
	v4 =	vand.u32 $0xFFFFFFC0, v4  }
0x3d: {  	v3 =	vor.u32 v3, v4  }
0x3e: {  	v4 =	vperm.xlane v3, v0;
	_ =	sdelay $0x1  }
0x3f: {  	v4 =	vadd.s32 v1, v4;
	_ =	sdelay $0x3  }
0x40: {  	s0 =	simm.s32 $0xC100  }
0x41: {  	[tilespmem:s0], [sflag:$0x4] =	stream.indirect_vreg.gather [hbm4b:s2+s14], $0x80, v4, vm0, $0xb8;
	[tilespmem:$0x10100] =	vst v63  }
0x42: {  	s25 =	simm.s32 $0xC900;
	v3 =	vperm.xlane v3, v2  }
0x43: {  	[tilespmem:s25], [sflag:$0x4] =	stream.indirect_vreg.gather [hbm4b:s11+s14], $0x80, v4, vm0, $0xb8;
	[tilespmem:$0x10100] =	vst v63  }
0x44: {  	s3 =	simm.s32 $0xD100;
	v3 =	vadd.s32 v1, v3  }
0x45: {  	[tilespmem:s3], [sflag:$0x4] =	stream.indirect_vreg.gather [hbm4b:s12+s14], $0x80, v4, vm0, $0xb8;
	[tilespmem:$0x10100] =	vst v63  }
0x46: {  	s15 =	simm.s32 $0xD900  }
0x47: {  	[tilespmem:s15], [sflag:$0x4] =	stream.indirect_vreg.gather [hbm4b:s13+s14], $0x80, v4, vm0, $0xb8;
	[tilespmem:$0x10100] =	vst v63  }
0x48: {  	s24 =	simm.s32 $0xE100  }
0x49: {  	[tilespmem:s24], [sflag:$0x4] =	stream.indirect_vreg.gather [hbm4b:s2+s14], $0x80, v3, vm0, $0xb8;
	[tilespmem:$0x10100] =	vst v63  }
0x4a: {  	s25 =	simm.s32 $0xE900  }
0x4b: {  	[tilespmem:s25], [sflag:$0x4] =	stream.indirect_vreg.gather [hbm4b:s11+s14], $0x80, v3, vm0, $0xb8;
	[tilespmem:$0x10100] =	vst v63  }
0x4c: {  	_ = 	snop  }
0x4d: {  	[tilespmem:s16], [sflag:$0x4] =	stream.indirect_vreg.gather [hbm4b:s12+s14], $0x80, v3, vm0, $0xb8;
	[tilespmem:$0x10100] =	vst v63  }
0x4e: {  	_ = 	snop  }
0x4f: {  	[tilespmem:s19], [sflag:$0x4] =	stream.indirect_vreg.gather [hbm4b:s13+s14], $0x80, v3, vm0, $0xb8;
	[tilespmem:$0x10100] =	vst v63  }
0x50: {  	_ =	swait.ge [sflag:s20], $0x4000  }
0x51: {  	[sflag:s20] =	ssyncset.done $0x0  }
0x52: {  	[sflag:s20] =	ssyncadd.s32 $0xFFFFC000  }
0x53: {  	s3 =	simm.s32 $0x0;
	_ =	swait.ge [sflag:s21], $0x4000  }
0x54: {  	s15 =	sand.u32 $0x380, s14;
	s24 =	sand.u32 $0x2000, s3;
	[sflag:s21] =	ssyncset.done $0x0  }
0x55: {  	s24 =	sor.u32 s15, s24;
	[sflag:s21] =	ssyncadd.s32 $0xFFFFC000  }
0x56: {  	v3 =	vld [tilespmem:s24+$0x100]  }
0x57: {  	v4 =	vld [tilespmem:s24+$0x8100]  }
0x58: {  	v5 =	vld [tilespmem:s24+$0x110]  }
0x59: {  	v6 =	vld [tilespmem:s24+$0x8110]  }
0x5a: {  	v7 =	vld [tilespmem:s24+$0x120]  }
0x5b: {  	v8 =	vld [tilespmem:s24+$0x8120]  }
0x5c: {  	v9 =	vld [tilespmem:s24+$0x130]  }
0x5d: {  	v10 =	vld [tilespmem:s24+$0x8130]  }
0x5e: {  	v11 =	vld [tilespmem:s24+$0x140]  }
0x5f: {  	v12 =	vld [tilespmem:s24+$0x8140]  }
0x60: {  	v13 =	vld [tilespmem:s24+$0x150]  }
0x61: {  	v14 =	vld [tilespmem:s24+$0x8150]  }
0x62: {  	v15 =	vld [tilespmem:s24+$0x160]  }
0x63: {  	v16 =	vld [tilespmem:s24+$0x8160]  }
0x64: {  	v17 =	vld [tilespmem:s24+$0x170]  }
0x65: {  	v18 =	vld [tilespmem:s24+$0x8170]  }
0x66: {  	v19 =	vld [tilespmem:s24+$0x500]  }
0x67: {  	v20 =	vld [tilespmem:s24+$0x8500]  }
0x68: {  	v21 =	vld [tilespmem:s24+$0x510]  }
0x69: {  	v22 =	vld [tilespmem:s24+$0x8510]  }
0x6a: {  	v23 =	vld [tilespmem:s24+$0x520]  }
0x6b: {  	v24 =	vld [tilespmem:s24+$0x8520]  }
0x6c: {  	v25 =	vld [tilespmem:s24+$0x530]  }
0x6d: {  	v26 =	vld [tilespmem:s24+$0x8530]  }
0x6e: {  	v27 =	vld [tilespmem:s24+$0x540]  }
0x6f: {  	v28 =	vld [tilespmem:s24+$0x8540]  }
0x70: {  	v29 =	vld [tilespmem:s24+$0x550]  }
0x71: {  	v30 =	vld [tilespmem:s24+$0x8550]  }
0x72: {  	v31 =	vld [tilespmem:s24+$0x560]  }
0x73: {  	v32 =	vld [tilespmem:s24+$0x8560]  }
0x74: {  	v33 =	vld [tilespmem:s24+$0x570]  }
0x75: {  	v34 =	vld [tilespmem:s24+$0x8570]  }
0x76: {  	v35 =	vld [tilespmem:s24+$0x900]  }
0x77: {  	v36 =	vld [tilespmem:s24+$0x8900]  }
0x78: {  	v37 =	vld [tilespmem:s24+$0x910]  }
0x79: {  	v38 =	vld [tilespmem:s24+$0x8910]  }
0x7a: {  	v39 =	vld [tilespmem:s24+$0x920]  }
0x7b: {  	v40 =	vld [tilespmem:s24+$0x8920]  }
0x7c: {  	v41 =	vld [tilespmem:s24+$0x930]  }
0x7d: {  	v42 =	vld [tilespmem:s24+$0x8930]  }
0x7e: {  	v43 =	vld [tilespmem:s24+$0x940]  }
0x7f: {  	v44 =	vld [tilespmem:s24+$0x8940]  }
0x80: {  	v45 =	vld [tilespmem:s24+$0x950]  }
0x81: {  	v46 =	vld [tilespmem:s24+$0x8950]  }
0x82: {  	v47 =	vld [tilespmem:s24+$0x960]  }
0x83: {  	v48 =	vld [tilespmem:s24+$0x8960]  }
0x84: {  	v49 =	vld [tilespmem:s24+$0x970]  }
0x85: {  	v50 =	vld [tilespmem:s24+$0x8970]  }
0x86: {  	v51 =	vld [tilespmem:s24+$0xD00]  }
0x87: {  	v52 =	vld [tilespmem:s24+$0x8D00]  }
0x88: {  	v53 =	vld [tilespmem:s24+$0xD10]  }
0x89: {  	v54 =	vld [tilespmem:s24+$0x8D10]  }
0x8a: {  	v55 =	vld [tilespmem:s24+$0xD20]  }
0x8b: {  	v56 =	vld [tilespmem:s24+$0x8D20]  }
0x8c: {  	v57 =	vld [tilespmem:s24+$0xD30]  }
0x8d: {  	v58 =	vld [tilespmem:s24+$0x8D30]  }
0x8e: {  	v59 =	vld [tilespmem:s24+$0xD40]  }
0x8f: {  	v60 =	vld [tilespmem:s24+$0x8D40]  }
0x90: {  	v61 =	vld [tilespmem:s24+$0xD50]  }
0x91: {  	v62 =	vld [tilespmem:s24+$0x8D50]  }
0x92: {  	v63 =	vld [tilespmem:s24+$0xD60]  }
0x93: {  	v0 =	vld [tilespmem:s24+$0xD70];
	v3 =	vadd.f32 v4, v3  }
0x94: {  	v4 =	vld [tilespmem:s24+$0x8D60];
	v5 =	vadd.f32 v6, v5  }
0x95: {  	v6 =	vadd.f32 v8, v7;
	v7 =	vadd.f32 v10, v9;
	v9 =	vld [tilespmem:s24+$0x1120];
	[tilespmem:s24+$0x100] =	vst v3  }
0x96: {  	v10 =	vld [tilespmem:s24+$0x9120];
	[tilespmem:s24+$0x110] =	vst v5  }
0x97: {  	v8 =	vadd.f32 v12, v11;
	v11 =	vld [tilespmem:s24+$0x1130];
	[tilespmem:s24+$0x120] =	vst v6  }
0x98: {  	v14 =	vadd.f32 v14, v13;
	v12 =	vld [tilespmem:s24+$0x9130];
	[tilespmem:s24+$0x130] =	vst v7  }
0x99: {  	v16 =	vadd.f32 v16, v15;
	v13 =	vld [tilespmem:s24+$0x1140];
	[tilespmem:s24+$0x140] =	vst v8  }
0x9a: {  	v18 =	vadd.f32 v18, v17;
	v19 =	vadd.f32 v20, v19;
	v15 =	vld [tilespmem:s24+$0x1150];
	[tilespmem:s24+$0x150] =	vst v14  }
0x9b: {  	v20 =	vadd.f32 v22, v21;
	v21 =	vadd.f32 v24, v23;
	v17 =	vld [tilespmem:s24+$0x1160];
	[tilespmem:s24+$0x160] =	vst v16  }
0x9c: {  	v23 =	vadd.f32 v28, v27;
	v27 =	vadd.f32 v36, v35;
	v36 =	vld [tilespmem:s24+$0x1530];
	[tilespmem:s24+$0x170] =	vst v18  }
0x9d: {  	v22 =	vadd.f32 v26, v25;
	v28 =	vadd.f32 v38, v37;
	v38 =	vld [tilespmem:s24+$0x9530];
	[tilespmem:s24+$0x500] =	vst v19  }
0x9e: {  	v24 =	vadd.f32 v30, v29;
	v29 =	vadd.f32 v40, v39;
	v40 =	vld [tilespmem:s24+$0x1540];
	[tilespmem:s24+$0x510] =	vst v20  }
0x9f: {  	v30 =	vadd.f32 v42, v41;
	v42 =	vld [tilespmem:s24+$0x9540];
	[tilespmem:s24+$0x520] =	vst v21  }
0xa0: {  	v25 =	vadd.f32 v32, v31;
	v31 =	vadd.f32 v44, v43;
	v44 =	vld [tilespmem:s24+$0x1550];
	[tilespmem:s24+$0x530] =	vst v22  }
0xa1: {  	v32 =	vadd.f32 v46, v45;
	v46 =	vld [tilespmem:s24+$0x9550];
	[tilespmem:s24+$0x540] =	vst v23  }
0xa2: {  	v26 =	vadd.f32 v34, v33;
	v33 =	vadd.f32 v48, v47;
	v47 =	vld [tilespmem:s24+$0x1560];
	[tilespmem:s24+$0x550] =	vst v24  }
0xa3: {  	v34 =	vadd.f32 v50, v49;
	v49 =	vld [tilespmem:s24+$0x9910];
	[tilespmem:s24+$0x560] =	vst v25  }
0xa4: {  	v50 =	vld [tilespmem:s24+$0x1920];
	[tilespmem:s24+$0x570] =	vst v26  }
0xa5: {  	v35 =	vadd.f32 v52, v51;
	v52 =	vld [tilespmem:s24+$0x9920];
	[tilespmem:s24+$0x900] =	vst v27  }
0xa6: {  	v37 =	vadd.f32 v54, v53;
	v53 =	vld [tilespmem:s24+$0x1930];
	[tilespmem:s24+$0x910] =	vst v28  }
0xa7: {  	v39 =	vadd.f32 v56, v55;
	v55 =	vld [tilespmem:s24+$0x9930];
	[tilespmem:s24+$0x920] =	vst v29  }
0xa8: {  	v41 =	vadd.f32 v58, v57;
	v58 =	vld [tilespmem:s24+$0x1950];
	[tilespmem:s24+$0x930] =	vst v30  }
0xa9: {  	v43 =	vadd.f32 v60, v59;
	v60 =	vld [tilespmem:s24+$0x9950];
	[tilespmem:s24+$0x940] =	vst v31  }
0xaa: {  	v3 =	vld [tilespmem:s24+$0x8D70];
	[tilespmem:s24+$0x950] =	vst v32  }
0xab: {  	v5 =	vld [tilespmem:s24+$0x1100];
	[tilespmem:s24+$0x960] =	vst v33  }
0xac: {  	v6 =	vld [tilespmem:s24+$0x9100];
	[tilespmem:s24+$0x970] =	vst v34  }
0xad: {  	v7 =	vld [tilespmem:s24+$0x1110];
	[tilespmem:s24+$0xD00] =	vst v35  }
0xae: {  	v8 =	vld [tilespmem:s24+$0x9110];
	[tilespmem:s24+$0xD10] =	vst v37  }
0xaf: {  	v14 =	vld [tilespmem:s24+$0x9140];
	[tilespmem:s24+$0xD20] =	vst v39  }
0xb0: {  	v45 =	vadd.f32 v62, v61;
	v16 =	vld [tilespmem:s24+$0x9150];
	[tilespmem:s24+$0xD30] =	vst v41  }
0xb1: {  	v18 =	vld [tilespmem:s24+$0x9160];
	[tilespmem:s24+$0xD40] =	vst v43;
	v4 =	vadd.f32 v4, v63  }
0xb2: {  	v19 =	vld [tilespmem:s24+$0x1170];
	[tilespmem:s24+$0xD50] =	vst v45;
	v57 =	vadd.f32 v38, v36  }
0xb3: {  	v20 =	vld [tilespmem:s24+$0x9170];
	v59 =	vadd.f32 v42, v40;
	[tilespmem:s24+$0xD60] =	vst v4  }
0xb4: {  	v21 =	vld [tilespmem:s24+$0x1500];
	v61 =	vadd.f32 v46, v44;
	[tilespmem:s24+$0x1530] =	vst v57  }
0xb5: {  	v23 =	vld [tilespmem:s24+$0x1510];
	v0 =	vadd.f32 v3, v0;
	[tilespmem:s24+$0x1540] =	vst v59  }
0xb6: {  	v24 =	vld [tilespmem:s24+$0x9510];
	v3 =	vadd.f32 v6, v5;
	[tilespmem:s24+$0x1550] =	vst v61  }
0xb7: {  	v25 =	vld [tilespmem:s24+$0x1520];
	v5 =	vadd.f32 v8, v7;
	[tilespmem:s24+$0xD70] =	vst v0  }
0xb8: {  	v26 =	vld [tilespmem:s24+$0x9520];
	v7 =	vadd.f32 v12, v11;
	[tilespmem:s24+$0x1100] =	vst v3  }
0xb9: {  	v4 =	vld [tilespmem:s24+$0x9560];
	v48 =	vadd.f32 v16, v15;
	[tilespmem:s24+$0x1110] =	vst v5  }
0xba: {  	v6 =	vld [tilespmem:s24+$0x9570];
	v51 =	vadd.f32 v20, v19;
	[tilespmem:s24+$0x1130] =	vst v7  }
0xbb: {  	v8 =	vld [tilespmem:s24+$0x9900];
	v54 =	vadd.f32 v24, v23;
	[tilespmem:s24+$0x1150] =	vst v48  }
0xbc: {  	v0 =	vld [tilespmem:s24+$0x1570];
	v3 =	vadd.f32 v10, v9;
	[tilespmem:s24+$0x1170] =	vst v51  }
0xbd: {  	v56 =	vadd.f32 v26, v25;
	v5 =	vld [tilespmem:s24+$0x1900];
	[tilespmem:s24+$0x1510] =	vst v54  }
0xbe: {  	v22 =	vld [tilespmem:s24+$0x9500];
	[tilespmem:s24+$0x1120] =	vst v3;
	v3 =	vadd.f32 v14, v13  }
0xbf: {  	v7 =	vld [tilespmem:s24+$0x1910];
	[tilespmem:s24+$0x1520] =	vst v56;
	v4 =	vadd.f32 v4, v47  }
0xc0: {  	v62 =	vld [tilespmem:s24+$0x1960];
	[tilespmem:s24+$0x1140] =	vst v3;
	v3 =	vadd.f32 v18, v17  }
0xc1: {  	v63 =	vld [tilespmem:s24+$0x9960];
	v0 =	vadd.f32 v6, v0;
	[tilespmem:s24+$0x1560] =	vst v4  }
0xc2: {  	v6 =	vld [tilespmem:s24+$0x1970];
	v4 =	vadd.f32 v8, v5;
	[tilespmem:s24+$0x1160] =	vst v3  }
0xc3: {  	v3 =	vadd.f32 v22, v21;
	[tilespmem:s24+$0x1570] =	vst v0;
	v0 =	vld [tilespmem:s24+$0x9970]  }
0xc4: {  	v5 =	vadd.f32 v49, v7;
	[tilespmem:s24+$0x1900] =	vst v4;
	v4 =	vld [tilespmem:s24+$0x9940]  }
0xc5: {  	v7 =	vadd.f32 v52, v50;
	[tilespmem:s24+$0x1500] =	vst v3;
	v3 =	vld [tilespmem:s24+$0x1940]  }
0xc6: {  	[tilespmem:s24+$0x1910] =	vst v5;
	v5 =	vadd.f32 v55, v53  }
0xc7: {  	[tilespmem:s24+$0x1920] =	vst v7;
	v7 =	vadd.f32 v60, v58  }
0xc8: {  	s30 =	simm.s32 $0x0;
	s29 =	sand.u32 $0x7, s14;
	[tilespmem:s24+$0x1930] =	vst v5;
	v5 =	vadd.f32 v63, v62  }
0xc9: {  	s31 =	sshll.u32 s29, $0x7;
	s29 =	simm.s32 $0x80;
	s25 =	simm.s32 $0xFFFFC000;
	[tilespmem:s24+$0x1950] =	vst v7;
	v6 =	vadd.f32 v0, v6  }
.LBB2_3:
0xca: {  	p0 =	sne.s32 s29, $0x780;
	s31 =	sadd.s32 s31, s14;
	v0 =	vadd.f32 v4, v3;
	[tilespmem:s24+$0x1960] =	vst v5;
	s25 =	sadd.s32 $0x400, s25  }
0xcb: {  	s0 =	sadd.s32 $0x4000, s25;
	[tilespmem:s24+$0x1970] =	vst v6;
	s3 =	sor.u32 $0x1C00, s31  }
0xcc: {  	s15 =	sand.u32 $0x380, s29;
	s0 =	sand.u32 $0x2000, s0;
	[tilespmem:s24+$0x1940] =	vst v0;
	v0 =	vld [tilespmem:s3+$0x100]  }
0xcd: {  	s24 =	sor.u32 s15, s0;
	v7 =	vld [tilespmem:s3+$0x8100]  }
0xce: {  	v3 =	vld [tilespmem:s24+$0x100]  }
0xcf: {  	v6 =	vld [tilespmem:s24+$0x8100]  }
0xd0: {  	v4 =	vld [tilespmem:s24+$0x110]  }
0xd1: {  	v8 =	vld [tilespmem:s24+$0x8110]  }
0xd2: {  	v5 =	vld [tilespmem:s24+$0x120];
	v0 =	vadd.f32 v7, v0  }
0xd3: {  	v9 =	vld [tilespmem:s24+$0x8120]  }
0xd4: {  	s0 =	sor.u32 $0x1C10, s31;
	v7 =	vld [tilespmem:s24+$0x130];
	[tilespmem:s3+$0x100] =	vst v0  }
0xd5: {  	v0 =	vld [tilespmem:s0+$0x100]  }
0xd6: {  	v12 =	vld [tilespmem:s0+$0x8100]  }
0xd7: {  	v13 =	vld [tilespmem:s24+$0x8130]  }
0xd8: {  	v10 =	vld [tilespmem:s24+$0x140]  }
0xd9: {  	v14 =	vld [tilespmem:s24+$0x8140]  }
0xda: {  	v11 =	vld [tilespmem:s24+$0x150]  }
0xdb: {  	v15 =	vld [tilespmem:s24+$0x8150];
	v0 =	vadd.f32 v12, v0  }
0xdc: {  	v12 =	vld [tilespmem:s24+$0x160]  }
0xdd: {  	v16 =	vld [tilespmem:s24+$0x8160];
	[tilespmem:s0+$0x100] =	vst v0;
	s0 =	sor.u32 $0x1C20, s31  }
0xde: {  	v0 =	vld [tilespmem:s0+$0x100]  }
0xdf: {  	v20 =	vld [tilespmem:s0+$0x8100]  }
0xe0: {  	v17 =	vld [tilespmem:s24+$0x170]  }
0xe1: {  	v21 =	vld [tilespmem:s24+$0x8170]  }
0xe2: {  	v18 =	vld [tilespmem:s24+$0x500]  }
0xe3: {  	v22 =	vld [tilespmem:s24+$0x8500]  }
0xe4: {  	v19 =	vld [tilespmem:s24+$0x510];
	v0 =	vadd.f32 v20, v0  }
0xe5: {  	v23 =	vld [tilespmem:s24+$0x8510]  }
0xe6: {  	v20 =	vld [tilespmem:s24+$0x520];
	[tilespmem:s0+$0x100] =	vst v0;
	s0 =	sor.u32 $0x1C30, s31  }
0xe7: {  	v0 =	vld [tilespmem:s0+$0x100]  }
0xe8: {  	v26 =	vld [tilespmem:s0+$0x8100]  }
0xe9: {  	v27 =	vld [tilespmem:s24+$0x8520]  }
0xea: {  	v24 =	vld [tilespmem:s24+$0x530]  }
0xeb: {  	v28 =	vld [tilespmem:s24+$0x8530]  }
0xec: {  	v25 =	vld [tilespmem:s24+$0x540]  }
0xed: {  	v29 =	vld [tilespmem:s24+$0x8540];
	v0 =	vadd.f32 v26, v0  }
0xee: {  	v26 =	vld [tilespmem:s24+$0x550]  }
0xef: {  	v30 =	vld [tilespmem:s24+$0x8550];
	[tilespmem:s0+$0x100] =	vst v0;
	s0 =	sor.u32 $0x1C40, s31  }
0xf0: {  	v0 =	vld [tilespmem:s0+$0x100]  }
0xf1: {  	v34 =	vld [tilespmem:s0+$0x8100]  }
0xf2: {  	v31 =	vld [tilespmem:s24+$0x560]  }
0xf3: {  	v35 =	vld [tilespmem:s24+$0x8560]  }
0xf4: {  	v32 =	vld [tilespmem:s24+$0x570]  }
0xf5: {  	v36 =	vld [tilespmem:s24+$0x8570]  }
0xf6: {  	v33 =	vld [tilespmem:s24+$0x900];
	v0 =	vadd.f32 v34, v0  }
0xf7: {  	v37 =	vld [tilespmem:s24+$0x8900]  }
0xf8: {  	v34 =	vld [tilespmem:s24+$0x910];
	[tilespmem:s0+$0x100] =	vst v0;
	s0 =	sor.u32 $0x1C50, s31  }
0xf9: {  	v0 =	vld [tilespmem:s0+$0x100]  }
0xfa: {  	v40 =	vld [tilespmem:s0+$0x8100]  }
0xfb: {  	v41 =	vld [tilespmem:s24+$0x8910]  }
0xfc: {  	v38 =	vld [tilespmem:s24+$0x920]  }
0xfd: {  	v42 =	vld [tilespmem:s24+$0x8920]  }
0xfe: {  	v39 =	vld [tilespmem:s24+$0x930]  }
0xff: {  	v43 =	vld [tilespmem:s24+$0x8930];
	v0 =	vadd.f32 v40, v0  }
0x100: {  	v40 =	vld [tilespmem:s24+$0x940]  }
0x101: {  	v44 =	vld [tilespmem:s24+$0x8940];
	[tilespmem:s0+$0x100] =	vst v0;
	s0 =	sor.u32 $0x1C60, s31  }
0x102: {  	v0 =	vld [tilespmem:s0+$0x100]  }
0x103: {  	v48 =	vld [tilespmem:s0+$0x8100]  }
0x104: {  	v45 =	vld [tilespmem:s24+$0x950]  }
0x105: {  	v49 =	vld [tilespmem:s24+$0x8950]  }
0x106: {  	v46 =	vld [tilespmem:s24+$0x960]  }
0x107: {  	v50 =	vld [tilespmem:s24+$0x8960]  }
0x108: {  	v47 =	vld [tilespmem:s24+$0x970];
	v0 =	vadd.f32 v48, v0  }
0x109: {  	v51 =	vld [tilespmem:s24+$0x8970]  }
0x10a: {  	v48 =	vld [tilespmem:s24+$0xD00];
	[tilespmem:s0+$0x100] =	vst v0;
	s0 =	sor.u32 $0x1C70, s31  }
0x10b: {  	v0 =	vld [tilespmem:s0+$0x100]  }
0x10c: {  	v52 =	vld [tilespmem:s0+$0x8100]  }
0x10d: {  	v53 =	vld [tilespmem:s24+$0x8D00]  }
0x10e: {  	v54 =	vld [tilespmem:s24+$0xD10]  }
0x10f: {  	v55 =	vld [tilespmem:s24+$0x8D10]  }
0x110: {  	v56 =	vld [tilespmem:s24+$0xD20]  }
0x111: {  	v57 =	vld [tilespmem:s24+$0x8D20];
	v0 =	vadd.f32 v52, v0  }
0x112: {  	v52 =	vld [tilespmem:s24+$0xD30]  }
0x113: {  	v58 =	vld [tilespmem:s24+$0x8D30];
	[tilespmem:s0+$0x100] =	vst v0  }
0x114: {  	v0 =	vld [tilespmem:s24+$0xD40]  }
0x115: {  	v59 =	vld [tilespmem:s24+$0x8D40]  }
0x116: {  	v60 =	vld [tilespmem:s24+$0xD50]  }
0x117: {  	v61 =	vld [tilespmem:s24+$0x8D50]  }
0x118: {  	v62 =	vld [tilespmem:s24+$0xD60]  }
0x119: {  	v3 =	vadd.f32 v6, v3;
	v6 =	vld [tilespmem:s24+$0x8D60]  }
0x11a: {  	v4 =	vadd.f32 v8, v4;
	v8 =	vld [tilespmem:s24+$0xD70]  }
0x11b: {  	[tilespmem:s24+$0x100] =	vst v3;
	v3 =	vadd.f32 v9, v5;
	v5 =	vld [tilespmem:s24+$0x8D70]  }
0x11c: {  	[tilespmem:s24+$0x110] =	vst v4;
	v4 =	vadd.f32 v13, v7;
	v7 =	vld [tilespmem:s24+$0x1100]  }
0x11d: {  	[tilespmem:s24+$0x120] =	vst v3;
	v3 =	vadd.f32 v14, v10;
	v9 =	vld [tilespmem:s24+$0x9100]  }
0x11e: {  	[tilespmem:s24+$0x130] =	vst v4;
	v4 =	vadd.f32 v15, v11;
	v10 =	vld [tilespmem:s24+$0x1110]  }
0x11f: {  	[tilespmem:s24+$0x140] =	vst v3;
	v3 =	vadd.f32 v16, v12;
	v11 =	vld [tilespmem:s24+$0x9110]  }
0x120: {  	[tilespmem:s24+$0x150] =	vst v4;
	v4 =	vadd.f32 v21, v17;
	v12 =	vld [tilespmem:s24+$0x1120]  }
0x121: {  	[tilespmem:s24+$0x160] =	vst v3;
	v3 =	vadd.f32 v22, v18;
	v13 =	vld [tilespmem:s24+$0x9120]  }
0x122: {  	[tilespmem:s24+$0x170] =	vst v4;
	v4 =	vadd.f32 v23, v19;
	v14 =	vld [tilespmem:s24+$0x1130]  }
0x123: {  	[tilespmem:s24+$0x500] =	vst v3;
	v3 =	vadd.f32 v27, v20;
	v15 =	vld [tilespmem:s24+$0x9130]  }
0x124: {  	[tilespmem:s24+$0x510] =	vst v4;
	v4 =	vadd.f32 v28, v24;
	v16 =	vld [tilespmem:s24+$0x1140]  }
0x125: {  	[tilespmem:s24+$0x520] =	vst v3;
	v3 =	vadd.f32 v29, v25;
	v17 =	vld [tilespmem:s24+$0x9140]  }
0x126: {  	[tilespmem:s24+$0x530] =	vst v4;
	v4 =	vadd.f32 v30, v26;
	v18 =	vld [tilespmem:s24+$0x1150]  }
0x127: {  	[tilespmem:s24+$0x540] =	vst v3;
	v3 =	vadd.f32 v35, v31;
	v19 =	vld [tilespmem:s24+$0x9150]  }
0x128: {  	[tilespmem:s24+$0x550] =	vst v4;
	v4 =	vadd.f32 v36, v32;
	v20 =	vld [tilespmem:s24+$0x1160]  }
0x129: {  	[tilespmem:s24+$0x560] =	vst v3;
	v3 =	vadd.f32 v37, v33;
	v21 =	vld [tilespmem:s24+$0x9160]  }
0x12a: {  	[tilespmem:s24+$0x570] =	vst v4;
	v4 =	vadd.f32 v41, v34;
	v22 =	vld [tilespmem:s24+$0x1170]  }
0x12b: {  	[tilespmem:s24+$0x900] =	vst v3;
	v3 =	vadd.f32 v42, v38;
	v23 =	vld [tilespmem:s24+$0x9170]  }
0x12c: {  	[tilespmem:s24+$0x910] =	vst v4;
	v4 =	vadd.f32 v43, v39;
	v24 =	vld [tilespmem:s24+$0x1500]  }
0x12d: {  	[tilespmem:s24+$0x920] =	vst v3;
	v3 =	vadd.f32 v44, v40;
	v25 =	vld [tilespmem:s24+$0x9500]  }
0x12e: {  	[tilespmem:s24+$0x930] =	vst v4;
	v4 =	vadd.f32 v49, v45;
	v26 =	vld [tilespmem:s24+$0x1510]  }
0x12f: {  	[tilespmem:s24+$0x940] =	vst v3;
	v3 =	vadd.f32 v50, v46;
	v27 =	vld [tilespmem:s24+$0x9510]  }
0x130: {  	[tilespmem:s24+$0x950] =	vst v4;
	v4 =	vadd.f32 v51, v47;
	v28 =	vld [tilespmem:s24+$0x1520]  }
0x131: {  	[tilespmem:s24+$0x960] =	vst v3;
	v3 =	vadd.f32 v53, v48;
	v29 =	vld [tilespmem:s24+$0x9520]  }
0x132: {  	[tilespmem:s24+$0x970] =	vst v4;
	v4 =	vadd.f32 v55, v54;
	v30 =	vld [tilespmem:s24+$0x1530]  }
0x133: {  	[tilespmem:s24+$0xD00] =	vst v3;
	v3 =	vadd.f32 v57, v56;
	v31 =	vld [tilespmem:s24+$0x9530]  }
0x134: {  	[tilespmem:s24+$0xD10] =	vst v4;
	v4 =	vadd.f32 v58, v52;
	v32 =	vld [tilespmem:s24+$0x1540]  }
0x135: {  	v0 =	vadd.f32 v59, v0;
	[tilespmem:s24+$0xD20] =	vst v3;
	v33 =	vld [tilespmem:s24+$0x9540]  }
0x136: {  	v3 =	vadd.f32 v61, v60;
	[tilespmem:s24+$0xD30] =	vst v4;
	v4 =	vld [tilespmem:s24+$0x1550]  }
0x137: {  	[tilespmem:s24+$0xD40] =	vst v0;
	v0 =	vadd.f32 v6, v62;
	v6 =	vld [tilespmem:s24+$0x9550]  }
0x138: {  	[tilespmem:s24+$0xD50] =	vst v3;
	v3 =	vadd.f32 v5, v8;
	v5 =	vld [tilespmem:s24+$0x1560]  }
0x139: {  	[tilespmem:s24+$0xD60] =	vst v0;
	v0 =	vadd.f32 v9, v7;
	v7 =	vld [tilespmem:s24+$0x9560]  }
0x13a: {  	[tilespmem:s24+$0xD70] =	vst v3;
	v3 =	vadd.f32 v11, v10;
	v8 =	vld [tilespmem:s24+$0x1570]  }
0x13b: {  	[tilespmem:s24+$0x1100] =	vst v0;
	v0 =	vadd.f32 v13, v12;
	v9 =	vld [tilespmem:s24+$0x9570]  }
0x13c: {  	[tilespmem:s24+$0x1110] =	vst v3;
	v3 =	vadd.f32 v15, v14;
	v10 =	vld [tilespmem:s24+$0x1900]  }
0x13d: {  	[tilespmem:s24+$0x1120] =	vst v0;
	v0 =	vadd.f32 v17, v16;
	v11 =	vld [tilespmem:s24+$0x9900]  }
0x13e: {  	[tilespmem:s24+$0x1130] =	vst v3;
	v3 =	vadd.f32 v19, v18;
	v12 =	vld [tilespmem:s24+$0x1910]  }
0x13f: {  	[tilespmem:s24+$0x1140] =	vst v0;
	v0 =	vadd.f32 v21, v20;
	v13 =	vld [tilespmem:s24+$0x9910]  }
0x140: {  	[tilespmem:s24+$0x1150] =	vst v3;
	v3 =	vadd.f32 v23, v22;
	v14 =	vld [tilespmem:s24+$0x1920]  }
0x141: {  	[tilespmem:s24+$0x1160] =	vst v0;
	v0 =	vadd.f32 v25, v24;
	v15 =	vld [tilespmem:s24+$0x9920]  }
0x142: {  	[tilespmem:s24+$0x1170] =	vst v3;
	v3 =	vadd.f32 v27, v26;
	v16 =	vld [tilespmem:s24+$0x1930]  }
0x143: {  	[tilespmem:s24+$0x1500] =	vst v0;
	v0 =	vadd.f32 v29, v28;
	v17 =	vld [tilespmem:s24+$0x9930]  }
0x144: {  	v18 =	vadd.f32 v31, v30;
	[tilespmem:s24+$0x1510] =	vst v3;
	v3 =	vld [tilespmem:s24+$0x1940]  }
0x145: {  	[tilespmem:s24+$0x1520] =	vst v0;
	v0 =	vadd.f32 v33, v32;
	v19 =	vld [tilespmem:s24+$0x1950]  }
0x146: {  	v4 =	vadd.f32 v6, v4;
	[tilespmem:s24+$0x1530] =	vst v18;
	v6 =	vld [tilespmem:s24+$0x9950]  }
0x147: {  	[tilespmem:s24+$0x1540] =	vst v0;
	v0 =	vadd.f32 v7, v5;
	v5 =	vld [tilespmem:s24+$0x1960]  }
0x148: {  	[tilespmem:s24+$0x1550] =	vst v4;
	v4 =	vadd.f32 v9, v8;
	v7 =	vld [tilespmem:s24+$0x9960]  }
0x149: {  	[tilespmem:s24+$0x1560] =	vst v0;
	v0 =	vadd.f32 v11, v10;
	v8 =	vld [tilespmem:s24+$0x1970]  }
0x14a: {  	v9 =	vadd.f32 v13, v12;
	[tilespmem:s24+$0x1570] =	vst v4;
	v10 =	vld [tilespmem:s24+$0x9970]  }
.Ltmp0:
0x14b: {  	[tilespmem:s24+$0x1900] =	vst v0;
	v0 =	vadd.f32 v15, v14;
	v4 =	vld [tilespmem:s24+$0x9940];
	(pc) =	sbr.rel @p0 .LBB2_3-.Ltmp0, $4  }
0x14c: {  	[tilespmem:s24+$0x1910] =	vst v9;
	v9 =	vadd.f32 v17, v16  }
0x14d: {  	s30 =	sadd.s32 $0x1, s30;
	[tilespmem:s24+$0x1920] =	vst v0;
	v0 =	vadd.f32 v6, v19  }
0x14e: {  	s0 =	sand.u32 $0x7, s30;
	v5 =	vadd.f32 v7, v5;
	[tilespmem:s24+$0x1930] =	vst v9  }
0x14f: {  	s29 =	sadd.s32 $0x80, s29;
	s14 =	sadd.s32 $0x400, s14;
	s31 =	sshll.u32 s0, $0x7;
	[tilespmem:s24+$0x1950] =	vst v0;
	v6 =	vadd.f32 v10, v8  }
0x150: {  	v0 =	vadd.f32 v4, v3;
	[tilespmem:s24+$0x1960] =	vst v5  }
0x151: {  	s0 =	sadd.s32 s31, s14;
	[tilespmem:s24+$0x1970] =	vst v6  }
0x152: {  	s3 =	sor.u32 $0x1C00, s0;
	[tilespmem:s24+$0x1940] =	vst v0  }
0x153: {  	v0 =	vld [tilespmem:s3+$0x100]  }
0x154: {  	v3 =	vld [tilespmem:s3+$0x8100];
	_ =	sdelay $0x4  }
0x155: {  	v0 =	vadd.f32 v3, v0;
	_ =	sdelay $0x1  }
0x156: {  	s31 =	sor.u32 $0x1C10, s0;
	[tilespmem:s3+$0x100] =	vst v0  }
0x157: {  	v0 =	vld [tilespmem:s31+$0x100]  }
0x158: {  	v3 =	vld [tilespmem:s31+$0x8100];
	_ =	sdelay $0x4  }
0x159: {  	v0 =	vadd.f32 v3, v0;
	_ =	sdelay $0x1  }
0x15a: {  	s14 =	sor.u32 $0x1C20, s0;
	[tilespmem:s31+$0x100] =	vst v0  }
0x15b: {  	v0 =	vld [tilespmem:s14+$0x100]  }
0x15c: {  	v3 =	vld [tilespmem:s14+$0x8100];
	_ =	sdelay $0x4  }
0x15d: {  	v0 =	vadd.f32 v3, v0;
	_ =	sdelay $0x1  }
0x15e: {  	s15 =	sor.u32 $0x1C30, s0;
	[tilespmem:s14+$0x100] =	vst v0  }
0x15f: {  	v0 =	vld [tilespmem:s15+$0x100]  }
0x160: {  	v3 =	vld [tilespmem:s15+$0x8100];
	_ =	sdelay $0x4  }
0x161: {  	v0 =	vadd.f32 v3, v0;
	_ =	sdelay $0x1  }
0x162: {  	s24 =	sor.u32 $0x1C40, s0;
	[tilespmem:s15+$0x100] =	vst v0  }
0x163: {  	v0 =	vld [tilespmem:s24+$0x100]  }
0x164: {  	v3 =	vld [tilespmem:s24+$0x8100];
	_ =	sdelay $0x4  }
0x165: {  	v0 =	vadd.f32 v3, v0;
	_ =	sdelay $0x1  }
0x166: {  	s25 =	sor.u32 $0x1C50, s0;
	[tilespmem:s24+$0x100] =	vst v0  }
0x167: {  	v0 =	vld [tilespmem:s25+$0x100]  }
0x168: {  	v3 =	vld [tilespmem:s25+$0x8100];
	_ =	sdelay $0x4  }
0x169: {  	v0 =	vadd.f32 v3, v0;
	_ =	sdelay $0x1  }
0x16a: {  	s31 =	sor.u32 $0x1C60, s0;
	[tilespmem:s25+$0x100] =	vst v0  }
0x16b: {  	v0 =	vld [tilespmem:s31+$0x100]  }
0x16c: {  	v3 =	vld [tilespmem:s31+$0x8100];
	_ =	sdelay $0x4  }
0x16d: {  	v0 =	vadd.f32 v3, v0;
	_ =	sdelay $0x1  }
0x16e: {  	s0 =	sor.u32 $0x1C70, s0;
	[tilespmem:s31+$0x100] =	vst v0  }
0x16f: {  	v0 =	vld [tilespmem:s0+$0x100]  }
0x170: {  	v3 =	vld [tilespmem:s0+$0x8100];
	_ =	sdelay $0x3  }
0x171: {  	s14 =	sshll.u32 s26, $0xF  }
0x172: {  	s3 =	sadd.s32 s8, s14;
	v0 =	vadd.f32 v3, v0  }
0x173: {  	p0 =	seq.s32 s26, $0x7;
	s3 =	sshrl.u32 s3, $0x3  }
0x174: {  	s15 =	sadd.s32 s4, s3;
	[tilespmem:s0+$0x100] =	vst v0;
	s0 =	sadd.s32 @!p0 $0x20, s10  }
0x175: {  	[hbm4b:s15+s5] =	stream.linear.scatter [tilespmem:s17], [sflag:$0x5], $0x4000, $0x38;
	[tilespmem:$0x10100] =	vst v63  }
0x176: {  	s0 =	sadd.s32 @!p0 s7, s0  }
0x177: {  	s0 =	sshll.u32 @!p0 s0, $0xA  }
0x178: {  	_ =	swait.ge [sflag:s22], $0x4000;
	s0 =	sadd.s32 @!p0 s6, s0  }
0x179: {  	s14 =	simm.s32 @!p0 $0x100;
	[sflag:s22] =	ssyncset.done $0x0;
	s0 =	sshrl.u32 @!p0 s0, $0x3  }
0x17a: {  	s3 =	simm.s32 @!p0 $0x0;
	[sflag:s22] =	ssyncadd.s32 $0xFFFFC000;
	s0 =	sadd.s32 @!p0 s1, s0  }
0x17b: {  	[tilespmem:s14], [sflag:$0x1] =	stream.linear.gather @!p0 [hbm4b:s0+s3], $0x4000, $0x38;
	[tilespmem:$0x10100] =	vst v63  }
0x17c: {  	v0 =	vld @!p0 [tilespmem:s10+$0x20];
	_ =	sdelay $0x4  }
0x17d: {  	v3 =	vshll.u32 @!p0 v0, $0x3  }
0x17e: {  	v4 =	vlaneseq.u32 @!p0;
	v0 =	vand.u32 @!p0 $0x7, v0;
	v3 =	vand.u32 @!p0 $0xFFFFFFC0, v3  }
0x17f: {  	v5 =	vshrl.u32 @!p0 v4, $0x3;
	v0 =	vor.u32 @!p0 v0, v3;
	v3 =	vand.u32 @!p0 $0x7, v4  }
0x180: {  	v5 =	vmul.u32 @!p0 $0x8, v5;
	v3 =	vperm.xlane @!p0 v0, v3;
	_ =	sdelay $0x1  }
0x181: {  	v3 =	vadd.s32 @!p0 v5, v3;
	_ =	sdelay $0x3  }
0x182: {  	vm1 =	vmmov @!p0 $0xffff;
	s0 =	simm.s32 @!p0 $0x8100  }
0x183: {  	v4 =	vor.u32 @!p0 $0x8, v4;
	[tilespmem:s0], [sflag:$0x3] =	stream.indirect_vreg.gather @!p0 [hbm4b:s2+s3], $0x80, v3, vm1, $0xb8;
	[tilespmem:$0x10100] =	vst v63  }
0x184: {  	v0 =	vperm.xlane @!p0 v0, v4;
	s0 =	simm.s32 @!p0 $0x8900  }
0x185: {  	[tilespmem:s0], [sflag:$0x3] =	stream.indirect_vreg.gather @!p0 [hbm4b:s11+s3], $0x80, v3, vm1, $0xb8;
	[tilespmem:$0x10100] =	vst v63  }
0x186: {  	v0 =	vadd.s32 @!p0 v5, v0;
	s0 =	simm.s32 @!p0 $0x9100  }
0x187: {  	[tilespmem:s0], [sflag:$0x3] =	stream.indirect_vreg.gather @!p0 [hbm4b:s12+s3], $0x80, v3, vm1, $0xb8;
	[tilespmem:$0x10100] =	vst v63  }
0x188: {  	s0 =	simm.s32 @!p0 $0x9900  }
0x189: {  	[tilespmem:s0], [sflag:$0x3] =	stream.indirect_vreg.gather @!p0 [hbm4b:s13+s3], $0x80, v3, vm1, $0xb8;
	[tilespmem:$0x10100] =	vst v63  }
0x18a: {  	s0 =	simm.s32 @!p0 $0xA100  }
0x18b: {  	[tilespmem:s0], [sflag:$0x3] =	stream.indirect_vreg.gather @!p0 [hbm4b:s2+s3], $0x80, v0, vm1, $0xb8;
	[tilespmem:$0x10100] =	vst v63  }
0x18c: {  	s0 =	simm.s32 @!p0 $0xA900  }
0x18d: {  	[tilespmem:s0], [sflag:$0x3] =	stream.indirect_vreg.gather @!p0 [hbm4b:s11+s3], $0x80, v0, vm1, $0xb8;
	[tilespmem:$0x10100] =	vst v63  }
0x18e: {  	s0 =	simm.s32 @!p0 $0xB100  }
0x18f: {  	[tilespmem:s0], [sflag:$0x3] =	stream.indirect_vreg.gather @!p0 [hbm4b:s12+s3], $0x80, v0, vm1, $0xb8;
	[tilespmem:$0x10100] =	vst v63  }
0x190: {  	s0 =	simm.s32 @!p0 $0xB900  }
0x191: {  	[tilespmem:s0], [sflag:$0x3] =	stream.indirect_vreg.gather @!p0 [hbm4b:s13+s3], $0x80, v0, vm1, $0xb8;
	[tilespmem:$0x10100] =	vst v63  }
0x192: {  	_ =	swait.ge [sflag:s23], $0x4000  }
0x193: {  	[sflag:s23] =	ssyncset.done $0x0  }
0x194: {  	[sflag:s23] =	ssyncadd.s32 $0xFFFFC000  }
0x195: {  	s24 =	simm.s32 $0x0;
	s10 =	simm.s32 $0x0;
	_ =	swait.ge [sflag:s18], $0x4000  }
0x196: {  	s25 =	sand.u32 $0x380, s10;
	s0 =	sand.u32 $0x2000, s24;
	[sflag:s18] =	ssyncset.done $0x0  }
0x197: {  	s14 =	sor.u32 s25, s0;
	[sflag:s18] =	ssyncadd.s32 $0xFFFFC000  }
0x198: {  	v0 =	vld [tilespmem:s14+$0x4100]  }
0x199: {  	v3 =	vld [tilespmem:s14+$0xC100]  }
0x19a: {  	v4 =	vld [tilespmem:s14+$0x4110]  }
0x19b: {  	v5 =	vld [tilespmem:s14+$0xC110]  }
0x19c: {  	v6 =	vld [tilespmem:s14+$0x4120]  }
0x19d: {  	v7 =	vld [tilespmem:s14+$0xC120]  }
0x19e: {  	v8 =	vld [tilespmem:s14+$0x4130]  }
0x19f: {  	v9 =	vld [tilespmem:s14+$0xC130]  }
0x1a0: {  	v10 =	vld [tilespmem:s14+$0x4140]  }
0x1a1: {  	v11 =	vld [tilespmem:s14+$0xC140]  }
0x1a2: {  	v12 =	vld [tilespmem:s14+$0x4150]  }
0x1a3: {  	v13 =	vld [tilespmem:s14+$0xC150]  }
0x1a4: {  	v14 =	vld [tilespmem:s14+$0x4160]  }
0x1a5: {  	v15 =	vld [tilespmem:s14+$0xC160]  }
0x1a6: {  	v16 =	vld [tilespmem:s14+$0x4170]  }
0x1a7: {  	v17 =	vld [tilespmem:s14+$0xC170]  }
0x1a8: {  	v18 =	vld [tilespmem:s14+$0x4500]  }
0x1a9: {  	v19 =	vld [tilespmem:s14+$0xC500]  }
0x1aa: {  	v20 =	vld [tilespmem:s14+$0x4510]  }
0x1ab: {  	v21 =	vld [tilespmem:s14+$0xC510]  }
0x1ac: {  	v22 =	vld [tilespmem:s14+$0x4520]  }
0x1ad: {  	v23 =	vld [tilespmem:s14+$0xC520]  }
0x1ae: {  	v24 =	vld [tilespmem:s14+$0x4530]  }
0x1af: {  	v25 =	vld [tilespmem:s14+$0xC530]  }
0x1b0: {  	v26 =	vld [tilespmem:s14+$0x4540]  }
0x1b1: {  	v27 =	vld [tilespmem:s14+$0xC540]  }
0x1b2: {  	v28 =	vld [tilespmem:s14+$0x4550]  }
0x1b3: {  	v29 =	vld [tilespmem:s14+$0xC550]  }
0x1b4: {  	v30 =	vld [tilespmem:s14+$0x4560]  }
0x1b5: {  	v31 =	vld [tilespmem:s14+$0xC560]  }
0x1b6: {  	v32 =	vld [tilespmem:s14+$0x4570]  }
0x1b7: {  	v33 =	vld [tilespmem:s14+$0xC570]  }
0x1b8: {  	v34 =	vld [tilespmem:s14+$0x4900]  }
0x1b9: {  	v35 =	vld [tilespmem:s14+$0xC900]  }
0x1ba: {  	v36 =	vld [tilespmem:s14+$0x4910]  }
0x1bb: {  	v37 =	vld [tilespmem:s14+$0xC910]  }
0x1bc: {  	v38 =	vld [tilespmem:s14+$0x4920]  }
0x1bd: {  	v39 =	vld [tilespmem:s14+$0xC920]  }
0x1be: {  	v40 =	vld [tilespmem:s14+$0x4930]  }
0x1bf: {  	v41 =	vld [tilespmem:s14+$0xC930]  }
0x1c0: {  	v42 =	vld [tilespmem:s14+$0x4940]  }
0x1c1: {  	v43 =	vld [tilespmem:s14+$0xC940]  }
0x1c2: {  	v44 =	vld [tilespmem:s14+$0x4950]  }
0x1c3: {  	v45 =	vld [tilespmem:s14+$0xC950]  }
0x1c4: {  	v46 =	vld [tilespmem:s14+$0x4960]  }
0x1c5: {  	v47 =	vld [tilespmem:s14+$0xC960]  }
0x1c6: {  	v48 =	vld [tilespmem:s14+$0x4970]  }
0x1c7: {  	v49 =	vld [tilespmem:s14+$0xC970]  }
0x1c8: {  	v50 =	vld [tilespmem:s14+$0x4D00]  }
0x1c9: {  	v51 =	vld [tilespmem:s14+$0xCD00]  }
0x1ca: {  	v52 =	vld [tilespmem:s14+$0x4D10]  }
0x1cb: {  	v53 =	vld [tilespmem:s14+$0xCD10]  }
0x1cc: {  	v54 =	vld [tilespmem:s14+$0x4D20]  }
0x1cd: {  	v55 =	vld [tilespmem:s14+$0xCD20]  }
0x1ce: {  	v56 =	vld [tilespmem:s14+$0x4D30]  }
0x1cf: {  	v57 =	vld [tilespmem:s14+$0xCD30]  }
0x1d0: {  	v58 =	vld [tilespmem:s14+$0x4D40]  }
0x1d1: {  	v59 =	vld [tilespmem:s14+$0xCD40]  }
0x1d2: {  	v60 =	vld [tilespmem:s14+$0x4D50]  }
0x1d3: {  	v61 =	vld [tilespmem:s14+$0xCD50]  }
0x1d4: {  	v62 =	vld [tilespmem:s14+$0x4D60]  }
0x1d5: {  	v63 =	vld [tilespmem:s14+$0x4D70];
	v0 =	vadd.f32 v3, v0  }
0x1d6: {  	v3 =	vld [tilespmem:s14+$0xCD60];
	v4 =	vadd.f32 v5, v4  }
0x1d7: {  	v5 =	vadd.f32 v7, v6;
	v6 =	vadd.f32 v9, v8;
	v9 =	vld [tilespmem:s14+$0xD120];
	[tilespmem:s14+$0x4100] =	vst v0  }
0x1d8: {  	v7 =	vadd.f32 v11, v10;
	v10 =	vld [tilespmem:s14+$0x5130];
	[tilespmem:s14+$0x4110] =	vst v4  }
0x1d9: {  	v11 =	vld [tilespmem:s14+$0xD130];
	[tilespmem:s14+$0x4120] =	vst v5  }
0x1da: {  	v8 =	vadd.f32 v13, v12;
	v12 =	vld [tilespmem:s14+$0x5140];
	[tilespmem:s14+$0x4130] =	vst v6  }
0x1db: {  	v15 =	vadd.f32 v15, v14;
	v13 =	vld [tilespmem:s14+$0xD140];
	[tilespmem:s14+$0x4140] =	vst v7  }
0x1dc: {  	v17 =	vadd.f32 v17, v16;
	v14 =	vld [tilespmem:s14+$0x5150];
	[tilespmem:s14+$0x4150] =	vst v8  }
0x1dd: {  	v19 =	vadd.f32 v19, v18;
	v20 =	vadd.f32 v21, v20;
	v16 =	vld [tilespmem:s14+$0x5160];
	[tilespmem:s14+$0x4160] =	vst v15  }
0x1de: {  	v21 =	vadd.f32 v23, v22;
	v22 =	vadd.f32 v25, v24;
	v18 =	vld [tilespmem:s14+$0x5170];
	[tilespmem:s14+$0x4170] =	vst v17  }
0x1df: {  	v24 =	vadd.f32 v29, v28;
	v28 =	vadd.f32 v37, v36;
	v37 =	vld [tilespmem:s14+$0xD530];
	[tilespmem:s14+$0x4500] =	vst v19  }
0x1e0: {  	v23 =	vadd.f32 v27, v26;
	v29 =	vadd.f32 v39, v38;
	v39 =	vld [tilespmem:s14+$0x5540];
	[tilespmem:s14+$0x4510] =	vst v20  }
0x1e1: {  	v25 =	vadd.f32 v31, v30;
	v30 =	vadd.f32 v41, v40;
	v41 =	vld [tilespmem:s14+$0xD540];
	[tilespmem:s14+$0x4520] =	vst v21  }
0x1e2: {  	v31 =	vadd.f32 v43, v42;
	v43 =	vld [tilespmem:s14+$0x5550];
	[tilespmem:s14+$0x4530] =	vst v22  }
0x1e3: {  	v26 =	vadd.f32 v33, v32;
	v32 =	vadd.f32 v45, v44;
	v45 =	vld [tilespmem:s14+$0xD550];
	[tilespmem:s14+$0x4540] =	vst v23  }
0x1e4: {  	v33 =	vadd.f32 v47, v46;
	v46 =	vld [tilespmem:s14+$0x5560];
	[tilespmem:s14+$0x4550] =	vst v24  }
0x1e5: {  	v27 =	vadd.f32 v35, v34;
	v47 =	vld [tilespmem:s14+$0xD560];
	[tilespmem:s14+$0x4560] =	vst v25  }
0x1e6: {  	v34 =	vadd.f32 v49, v48;
	v48 =	vld [tilespmem:s14+$0xD910];
	[tilespmem:s14+$0x4570] =	vst v26  }
0x1e7: {  	v35 =	vadd.f32 v51, v50;
	v50 =	vld [tilespmem:s14+$0xD920];
	[tilespmem:s14+$0x4900] =	vst v27  }
0x1e8: {  	v51 =	vld [tilespmem:s14+$0x5930];
	[tilespmem:s14+$0x4910] =	vst v28  }
0x1e9: {  	v36 =	vadd.f32 v53, v52;
	v53 =	vld [tilespmem:s14+$0xD930];
	[tilespmem:s14+$0x4920] =	vst v29  }
0x1ea: {  	v40 =	vadd.f32 v57, v56;
	v56 =	vld [tilespmem:s14+$0x5950];
	[tilespmem:s14+$0x4930] =	vst v30  }
0x1eb: {  	v42 =	vadd.f32 v59, v58;
	v58 =	vld [tilespmem:s14+$0xD950];
	[tilespmem:s14+$0x4940] =	vst v31  }
0x1ec: {  	v44 =	vadd.f32 v61, v60;
	v60 =	vld [tilespmem:s14+$0x5960];
	[tilespmem:s14+$0x4950] =	vst v32  }
0x1ed: {  	v0 =	vld [tilespmem:s14+$0xCD70];
	[tilespmem:s14+$0x4960] =	vst v33  }
0x1ee: {  	v4 =	vld [tilespmem:s14+$0x5100];
	[tilespmem:s14+$0x4970] =	vst v34  }
0x1ef: {  	v38 =	vadd.f32 v55, v54;
	v5 =	vld [tilespmem:s14+$0xD100];
	[tilespmem:s14+$0x4D00] =	vst v35  }
0x1f0: {  	v6 =	vld [tilespmem:s14+$0x5110];
	[tilespmem:s14+$0x4D10] =	vst v36  }
0x1f1: {  	v7 =	vld [tilespmem:s14+$0xD110];
	[tilespmem:s14+$0x4D20] =	vst v38  }
0x1f2: {  	v8 =	vld [tilespmem:s14+$0x5120];
	[tilespmem:s14+$0x4D30] =	vst v40  }
0x1f3: {  	v15 =	vld [tilespmem:s14+$0xD150];
	[tilespmem:s14+$0x4D40] =	vst v42;
	v3 =	vadd.f32 v3, v62  }
0x1f4: {  	v19 =	vld [tilespmem:s14+$0xD170];
	[tilespmem:s14+$0x4D50] =	vst v44;
	v57 =	vadd.f32 v41, v39  }
0x1f5: {  	v22 =	vld [tilespmem:s14+$0x5510];
	v59 =	vadd.f32 v45, v43;
	[tilespmem:s14+$0x4D60] =	vst v3  }
0x1f6: {  	v23 =	vld [tilespmem:s14+$0xD510];
	v61 =	vadd.f32 v47, v46;
	[tilespmem:s14+$0x5540] =	vst v57  }
0x1f7: {  	v24 =	vld [tilespmem:s14+$0x5520];
	v0 =	vadd.f32 v0, v63;
	[tilespmem:s14+$0x5550] =	vst v59  }
0x1f8: {  	v25 =	vld [tilespmem:s14+$0xD520];
	v3 =	vadd.f32 v5, v4;
	[tilespmem:s14+$0x5560] =	vst v61  }
0x1f9: {  	v17 =	vld [tilespmem:s14+$0xD160];
	v4 =	vadd.f32 v7, v6;
	[tilespmem:s14+$0x4D70] =	vst v0  }
0x1fa: {  	v20 =	vld [tilespmem:s14+$0x5500];
	v6 =	vadd.f32 v11, v10;
	[tilespmem:s14+$0x5100] =	vst v3  }
0x1fb: {  	v26 =	vld [tilespmem:s14+$0x5530];
	v49 =	vadd.f32 v19, v18;
	[tilespmem:s14+$0x5110] =	vst v4  }
0x1fc: {  	v5 =	vld [tilespmem:s14+$0xD570];
	v52 =	vadd.f32 v23, v22;
	[tilespmem:s14+$0x5130] =	vst v6  }
0x1fd: {  	v7 =	vld [tilespmem:s14+$0xD900];
	v54 =	vadd.f32 v25, v24;
	[tilespmem:s14+$0x5170] =	vst v49  }
0x1fe: {  	v0 =	vld [tilespmem:s14+$0x5570];
	v3 =	vadd.f32 v9, v8;
	[tilespmem:s14+$0x5510] =	vst v52  }
0x1ff: {  	v4 =	vld [tilespmem:s14+$0x5900];
	v8 =	vadd.f32 v15, v14;
	[tilespmem:s14+$0x5520] =	vst v54  }
0x200: {  	v21 =	vld [tilespmem:s14+$0xD500];
	[tilespmem:s14+$0x5120] =	vst v3;
	v3 =	vadd.f32 v13, v12  }
0x201: {  	v55 =	vadd.f32 v37, v26;
	v6 =	vld [tilespmem:s14+$0x5910];
	[tilespmem:s14+$0x5150] =	vst v8  }
0x202: {  	v8 =	vld [tilespmem:s14+$0x5920];
	[tilespmem:s14+$0x5140] =	vst v3;
	v3 =	vadd.f32 v17, v16  }
0x203: {  	v62 =	vld [tilespmem:s14+$0xD960];
	[tilespmem:s14+$0x5530] =	vst v55;
	v0 =	vadd.f32 v5, v0  }
0x204: {  	v63 =	vld [tilespmem:s14+$0x5970];
	v4 =	vadd.f32 v7, v4;
	[tilespmem:s14+$0x5160] =	vst v3  }
0x205: {  	v3 =	vadd.f32 v21, v20;
	[tilespmem:s14+$0x5570] =	vst v0;
	v0 =	vld [tilespmem:s14+$0xD970]  }
0x206: {  	v5 =	vadd.f32 v48, v6;
	[tilespmem:s14+$0x5900] =	vst v4;
	v4 =	vld [tilespmem:s14+$0xD940]  }
0x207: {  	v6 =	vadd.f32 v50, v8;
	[tilespmem:s14+$0x5500] =	vst v3;
	v3 =	vld [tilespmem:s14+$0x5940]  }
0x208: {  	[tilespmem:s14+$0x5910] =	vst v5;
	v5 =	vadd.f32 v53, v51  }
0x209: {  	[tilespmem:s14+$0x5920] =	vst v6;
	v6 =	vadd.f32 v58, v56  }
0x20a: {  	s29 =	simm.s32 $0x0;
	s31 =	sand.u32 $0x7, s10;
	[tilespmem:s14+$0x5930] =	vst v5;
	v5 =	vadd.f32 v62, v60  }
0x20b: {  	s30 =	sshll.u32 s31, $0x7;
	s24 =	simm.s32 $0xFFFFC000;
	s25 =	simm.s32 $0x80;
	[tilespmem:s14+$0x5950] =	vst v6;
	v6 =	vadd.f32 v0, v63  }
.LBB2_5:
0x20c: {  	p0 =	sne.s32 s25, $0x780;
	s30 =	sadd.s32 s30, s10;
	v0 =	vadd.f32 v4, v3;
	[tilespmem:s14+$0x5960] =	vst v5;
	s24 =	sadd.s32 $0x400, s24  }
0x20d: {  	s0 =	sadd.s32 $0x4000, s24;
	[tilespmem:s14+$0x5970] =	vst v6;
	s3 =	sor.u32 $0x1C00, s30  }
0x20e: {  	s15 =	sand.u32 $0x380, s25;
	s0 =	sand.u32 $0x2000, s0;
	[tilespmem:s14+$0x5940] =	vst v0;
	v0 =	vld [tilespmem:s3+$0x4100]  }
0x20f: {  	s14 =	sor.u32 s15, s0;
	v7 =	vld [tilespmem:s3+$0xC100]  }
0x210: {  	v3 =	vld [tilespmem:s14+$0x4100]  }
0x211: {  	v6 =	vld [tilespmem:s14+$0xC100]  }
0x212: {  	v4 =	vld [tilespmem:s14+$0x4110]  }
0x213: {  	v8 =	vld [tilespmem:s14+$0xC110]  }
0x214: {  	v5 =	vld [tilespmem:s14+$0x4120];
	v0 =	vadd.f32 v7, v0  }
0x215: {  	v9 =	vld [tilespmem:s14+$0xC120]  }
0x216: {  	s0 =	sor.u32 $0x1C10, s30;
	v7 =	vld [tilespmem:s14+$0x4130];
	[tilespmem:s3+$0x4100] =	vst v0  }
0x217: {  	v0 =	vld [tilespmem:s0+$0x4100]  }
0x218: {  	v12 =	vld [tilespmem:s0+$0xC100]  }
0x219: {  	v13 =	vld [tilespmem:s14+$0xC130]  }
0x21a: {  	v10 =	vld [tilespmem:s14+$0x4140]  }
0x21b: {  	v14 =	vld [tilespmem:s14+$0xC140]  }
0x21c: {  	v11 =	vld [tilespmem:s14+$0x4150]  }
0x21d: {  	v15 =	vld [tilespmem:s14+$0xC150];
	v0 =	vadd.f32 v12, v0  }
0x21e: {  	v12 =	vld [tilespmem:s14+$0x4160]  }
0x21f: {  	v16 =	vld [tilespmem:s14+$0xC160];
	[tilespmem:s0+$0x4100] =	vst v0;
	s0 =	sor.u32 $0x1C20, s30  }
0x220: {  	v0 =	vld [tilespmem:s0+$0x4100]  }
0x221: {  	v20 =	vld [tilespmem:s0+$0xC100]  }
0x222: {  	v17 =	vld [tilespmem:s14+$0x4170]  }
0x223: {  	v21 =	vld [tilespmem:s14+$0xC170]  }
0x224: {  	v18 =	vld [tilespmem:s14+$0x4500]  }
0x225: {  	v22 =	vld [tilespmem:s14+$0xC500]  }
0x226: {  	v19 =	vld [tilespmem:s14+$0x4510];
	v0 =	vadd.f32 v20, v0  }
0x227: {  	v23 =	vld [tilespmem:s14+$0xC510]  }
0x228: {  	v20 =	vld [tilespmem:s14+$0x4520];
	[tilespmem:s0+$0x4100] =	vst v0;
	s0 =	sor.u32 $0x1C30, s30  }
0x229: {  	v0 =	vld [tilespmem:s0+$0x4100]  }
0x22a: {  	v26 =	vld [tilespmem:s0+$0xC100]  }
0x22b: {  	v27 =	vld [tilespmem:s14+$0xC520]  }
0x22c: {  	v24 =	vld [tilespmem:s14+$0x4530]  }
0x22d: {  	v28 =	vld [tilespmem:s14+$0xC530]  }
0x22e: {  	v25 =	vld [tilespmem:s14+$0x4540]  }
0x22f: {  	v29 =	vld [tilespmem:s14+$0xC540];
	v0 =	vadd.f32 v26, v0  }
0x230: {  	v26 =	vld [tilespmem:s14+$0x4550]  }
0x231: {  	v30 =	vld [tilespmem:s14+$0xC550];
	[tilespmem:s0+$0x4100] =	vst v0;
	s0 =	sor.u32 $0x1C40, s30  }
0x232: {  	v0 =	vld [tilespmem:s0+$0x4100]  }
0x233: {  	v34 =	vld [tilespmem:s0+$0xC100]  }
0x234: {  	v31 =	vld [tilespmem:s14+$0x4560]  }
0x235: {  	v35 =	vld [tilespmem:s14+$0xC560]  }
0x236: {  	v32 =	vld [tilespmem:s14+$0x4570]  }
0x237: {  	v36 =	vld [tilespmem:s14+$0xC570]  }
0x238: {  	v33 =	vld [tilespmem:s14+$0x4900];
	v0 =	vadd.f32 v34, v0  }
0x239: {  	v37 =	vld [tilespmem:s14+$0xC900]  }
0x23a: {  	v34 =	vld [tilespmem:s14+$0x4910];
	[tilespmem:s0+$0x4100] =	vst v0;
	s0 =	sor.u32 $0x1C50, s30  }
0x23b: {  	v0 =	vld [tilespmem:s0+$0x4100]  }
0x23c: {  	v40 =	vld [tilespmem:s0+$0xC100]  }
0x23d: {  	v41 =	vld [tilespmem:s14+$0xC910]  }
0x23e: {  	v38 =	vld [tilespmem:s14+$0x4920]  }
0x23f: {  	v42 =	vld [tilespmem:s14+$0xC920]  }
0x240: {  	v39 =	vld [tilespmem:s14+$0x4930]  }
0x241: {  	v43 =	vld [tilespmem:s14+$0xC930];
	v0 =	vadd.f32 v40, v0  }
0x242: {  	v40 =	vld [tilespmem:s14+$0x4940]  }
0x243: {  	v44 =	vld [tilespmem:s14+$0xC940];
	[tilespmem:s0+$0x4100] =	vst v0;
	s0 =	sor.u32 $0x1C60, s30  }
0x244: {  	v0 =	vld [tilespmem:s0+$0x4100]  }
0x245: {  	v48 =	vld [tilespmem:s0+$0xC100]  }
0x246: {  	v45 =	vld [tilespmem:s14+$0x4950]  }
0x247: {  	v49 =	vld [tilespmem:s14+$0xC950]  }
0x248: {  	v46 =	vld [tilespmem:s14+$0x4960]  }
0x249: {  	v50 =	vld [tilespmem:s14+$0xC960]  }
0x24a: {  	v47 =	vld [tilespmem:s14+$0x4970];
	v0 =	vadd.f32 v48, v0  }
0x24b: {  	v51 =	vld [tilespmem:s14+$0xC970]  }
0x24c: {  	v48 =	vld [tilespmem:s14+$0x4D00];
	[tilespmem:s0+$0x4100] =	vst v0;
	s0 =	sor.u32 $0x1C70, s30  }
0x24d: {  	v0 =	vld [tilespmem:s0+$0x4100]  }
0x24e: {  	v52 =	vld [tilespmem:s0+$0xC100]  }
0x24f: {  	v53 =	vld [tilespmem:s14+$0xCD00]  }
0x250: {  	v54 =	vld [tilespmem:s14+$0x4D10]  }
0x251: {  	v55 =	vld [tilespmem:s14+$0xCD10]  }
0x252: {  	v56 =	vld [tilespmem:s14+$0x4D20]  }
0x253: {  	v57 =	vld [tilespmem:s14+$0xCD20];
	v0 =	vadd.f32 v52, v0  }
0x254: {  	v52 =	vld [tilespmem:s14+$0x4D30]  }
0x255: {  	v58 =	vld [tilespmem:s14+$0xCD30];
	[tilespmem:s0+$0x4100] =	vst v0  }
0x256: {  	v0 =	vld [tilespmem:s14+$0x4D40]  }
0x257: {  	v59 =	vld [tilespmem:s14+$0xCD40]  }
0x258: {  	v60 =	vld [tilespmem:s14+$0x4D50]  }
0x259: {  	v61 =	vld [tilespmem:s14+$0xCD50]  }
0x25a: {  	v62 =	vld [tilespmem:s14+$0x4D60]  }
0x25b: {  	v3 =	vadd.f32 v6, v3;
	v6 =	vld [tilespmem:s14+$0xCD60]  }
0x25c: {  	v4 =	vadd.f32 v8, v4;
	v8 =	vld [tilespmem:s14+$0x4D70]  }
0x25d: {  	[tilespmem:s14+$0x4100] =	vst v3;
	v3 =	vadd.f32 v9, v5;
	v5 =	vld [tilespmem:s14+$0xCD70]  }
0x25e: {  	[tilespmem:s14+$0x4110] =	vst v4;
	v4 =	vadd.f32 v13, v7;
	v7 =	vld [tilespmem:s14+$0x5100]  }
0x25f: {  	[tilespmem:s14+$0x4120] =	vst v3;
	v3 =	vadd.f32 v14, v10;
	v9 =	vld [tilespmem:s14+$0xD100]  }
0x260: {  	[tilespmem:s14+$0x4130] =	vst v4;
	v4 =	vadd.f32 v15, v11;
	v10 =	vld [tilespmem:s14+$0x5110]  }
0x261: {  	[tilespmem:s14+$0x4140] =	vst v3;
	v3 =	vadd.f32 v16, v12;
	v11 =	vld [tilespmem:s14+$0xD110]  }
0x262: {  	[tilespmem:s14+$0x4150] =	vst v4;
	v4 =	vadd.f32 v21, v17;
	v12 =	vld [tilespmem:s14+$0x5120]  }
0x263: {  	[tilespmem:s14+$0x4160] =	vst v3;
	v3 =	vadd.f32 v22, v18;
	v13 =	vld [tilespmem:s14+$0xD120]  }
0x264: {  	[tilespmem:s14+$0x4170] =	vst v4;
	v4 =	vadd.f32 v23, v19;
	v14 =	vld [tilespmem:s14+$0x5130]  }
0x265: {  	[tilespmem:s14+$0x4500] =	vst v3;
	v3 =	vadd.f32 v27, v20;
	v15 =	vld [tilespmem:s14+$0xD130]  }
0x266: {  	[tilespmem:s14+$0x4510] =	vst v4;
	v4 =	vadd.f32 v28, v24;
	v16 =	vld [tilespmem:s14+$0x5140]  }
0x267: {  	[tilespmem:s14+$0x4520] =	vst v3;
	v3 =	vadd.f32 v29, v25;
	v17 =	vld [tilespmem:s14+$0xD140]  }
0x268: {  	[tilespmem:s14+$0x4530] =	vst v4;
	v4 =	vadd.f32 v30, v26;
	v18 =	vld [tilespmem:s14+$0x5150]  }
0x269: {  	[tilespmem:s14+$0x4540] =	vst v3;
	v3 =	vadd.f32 v35, v31;
	v19 =	vld [tilespmem:s14+$0xD150]  }
0x26a: {  	[tilespmem:s14+$0x4550] =	vst v4;
	v4 =	vadd.f32 v36, v32;
	v20 =	vld [tilespmem:s14+$0x5160]  }
0x26b: {  	[tilespmem:s14+$0x4560] =	vst v3;
	v3 =	vadd.f32 v37, v33;
	v21 =	vld [tilespmem:s14+$0xD160]  }
0x26c: {  	[tilespmem:s14+$0x4570] =	vst v4;
	v4 =	vadd.f32 v41, v34;
	v22 =	vld [tilespmem:s14+$0x5170]  }
0x26d: {  	[tilespmem:s14+$0x4900] =	vst v3;
	v3 =	vadd.f32 v42, v38;
	v23 =	vld [tilespmem:s14+$0xD170]  }
0x26e: {  	[tilespmem:s14+$0x4910] =	vst v4;
	v4 =	vadd.f32 v43, v39;
	v24 =	vld [tilespmem:s14+$0x5500]  }
0x26f: {  	[tilespmem:s14+$0x4920] =	vst v3;
	v3 =	vadd.f32 v44, v40;
	v25 =	vld [tilespmem:s14+$0xD500]  }
0x270: {  	[tilespmem:s14+$0x4930] =	vst v4;
	v4 =	vadd.f32 v49, v45;
	v26 =	vld [tilespmem:s14+$0x5510]  }
0x271: {  	[tilespmem:s14+$0x4940] =	vst v3;
	v3 =	vadd.f32 v50, v46;
	v27 =	vld [tilespmem:s14+$0xD510]  }
0x272: {  	[tilespmem:s14+$0x4950] =	vst v4;
	v4 =	vadd.f32 v51, v47;
	v28 =	vld [tilespmem:s14+$0x5520]  }
0x273: {  	[tilespmem:s14+$0x4960] =	vst v3;
	v3 =	vadd.f32 v53, v48;
	v29 =	vld [tilespmem:s14+$0xD520]  }
0x274: {  	[tilespmem:s14+$0x4970] =	vst v4;
	v4 =	vadd.f32 v55, v54;
	v30 =	vld [tilespmem:s14+$0x5530]  }
0x275: {  	[tilespmem:s14+$0x4D00] =	vst v3;
	v3 =	vadd.f32 v57, v56;
	v31 =	vld [tilespmem:s14+$0xD530]  }
0x276: {  	[tilespmem:s14+$0x4D10] =	vst v4;
	v4 =	vadd.f32 v58, v52;
	v32 =	vld [tilespmem:s14+$0x5540]  }
0x277: {  	v0 =	vadd.f32 v59, v0;
	[tilespmem:s14+$0x4D20] =	vst v3;
	v33 =	vld [tilespmem:s14+$0xD540]  }
0x278: {  	v3 =	vadd.f32 v61, v60;
	[tilespmem:s14+$0x4D30] =	vst v4;
	v4 =	vld [tilespmem:s14+$0x5550]  }
0x279: {  	[tilespmem:s14+$0x4D40] =	vst v0;
	v0 =	vadd.f32 v6, v62;
	v6 =	vld [tilespmem:s14+$0xD550]  }
0x27a: {  	[tilespmem:s14+$0x4D50] =	vst v3;
	v3 =	vadd.f32 v5, v8;
	v5 =	vld [tilespmem:s14+$0x5560]  }
0x27b: {  	[tilespmem:s14+$0x4D60] =	vst v0;
	v0 =	vadd.f32 v9, v7;
	v7 =	vld [tilespmem:s14+$0xD560]  }
0x27c: {  	[tilespmem:s14+$0x4D70] =	vst v3;
	v3 =	vadd.f32 v11, v10;
	v8 =	vld [tilespmem:s14+$0x5570]  }
0x27d: {  	[tilespmem:s14+$0x5100] =	vst v0;
	v0 =	vadd.f32 v13, v12;
	v9 =	vld [tilespmem:s14+$0xD570]  }
0x27e: {  	[tilespmem:s14+$0x5110] =	vst v3;
	v3 =	vadd.f32 v15, v14;
	v10 =	vld [tilespmem:s14+$0x5900]  }
0x27f: {  	[tilespmem:s14+$0x5120] =	vst v0;
	v0 =	vadd.f32 v17, v16;
	v11 =	vld [tilespmem:s14+$0xD900]  }
0x280: {  	[tilespmem:s14+$0x5130] =	vst v3;
	v3 =	vadd.f32 v19, v18;
	v12 =	vld [tilespmem:s14+$0x5910]  }
0x281: {  	[tilespmem:s14+$0x5140] =	vst v0;
	v0 =	vadd.f32 v21, v20;
	v13 =	vld [tilespmem:s14+$0xD910]  }
0x282: {  	[tilespmem:s14+$0x5150] =	vst v3;
	v3 =	vadd.f32 v23, v22;
	v14 =	vld [tilespmem:s14+$0x5920]  }
0x283: {  	[tilespmem:s14+$0x5160] =	vst v0;
	v0 =	vadd.f32 v25, v24;
	v15 =	vld [tilespmem:s14+$0xD920]  }
0x284: {  	[tilespmem:s14+$0x5170] =	vst v3;
	v3 =	vadd.f32 v27, v26;
	v16 =	vld [tilespmem:s14+$0x5930]  }
0x285: {  	[tilespmem:s14+$0x5500] =	vst v0;
	v0 =	vadd.f32 v29, v28;
	v17 =	vld [tilespmem:s14+$0xD930]  }
0x286: {  	v18 =	vadd.f32 v31, v30;
	[tilespmem:s14+$0x5510] =	vst v3;
	v3 =	vld [tilespmem:s14+$0x5940]  }
0x287: {  	[tilespmem:s14+$0x5520] =	vst v0;
	v0 =	vadd.f32 v33, v32;
	v19 =	vld [tilespmem:s14+$0x5950]  }
0x288: {  	v4 =	vadd.f32 v6, v4;
	[tilespmem:s14+$0x5530] =	vst v18;
	v6 =	vld [tilespmem:s14+$0xD950]  }
0x289: {  	[tilespmem:s14+$0x5540] =	vst v0;
	v0 =	vadd.f32 v7, v5;
	v5 =	vld [tilespmem:s14+$0x5960]  }
0x28a: {  	[tilespmem:s14+$0x5550] =	vst v4;
	v4 =	vadd.f32 v9, v8;
	v7 =	vld [tilespmem:s14+$0xD960]  }
0x28b: {  	[tilespmem:s14+$0x5560] =	vst v0;
	v0 =	vadd.f32 v11, v10;
	v8 =	vld [tilespmem:s14+$0x5970]  }
0x28c: {  	v9 =	vadd.f32 v13, v12;
	[tilespmem:s14+$0x5570] =	vst v4;
	v10 =	vld [tilespmem:s14+$0xD970]  }
.Ltmp1:
0x28d: {  	[tilespmem:s14+$0x5900] =	vst v0;
	v0 =	vadd.f32 v15, v14;
	v4 =	vld [tilespmem:s14+$0xD940];
	(pc) =	sbr.rel @p0 .LBB2_5-.Ltmp1, $4  }
0x28e: {  	[tilespmem:s14+$0x5910] =	vst v9;
	v9 =	vadd.f32 v17, v16  }
0x28f: {  	s29 =	sadd.s32 $0x1, s29;
	[tilespmem:s14+$0x5920] =	vst v0;
	v0 =	vadd.f32 v6, v19  }
0x290: {  	s0 =	sand.u32 $0x7, s29;
	v5 =	vadd.f32 v7, v5;
	[tilespmem:s14+$0x5930] =	vst v9  }
0x291: {  	s25 =	sadd.s32 $0x80, s25;
	s10 =	sadd.s32 $0x400, s10;
	s30 =	sshll.u32 s0, $0x7;
	[tilespmem:s14+$0x5950] =	vst v0;
	v6 =	vadd.f32 v10, v8  }
0x292: {  	v0 =	vadd.f32 v4, v3;
	[tilespmem:s14+$0x5960] =	vst v5  }
0x293: {  	s0 =	sadd.s32 s30, s10;
	[tilespmem:s14+$0x5970] =	vst v6  }
0x294: {  	s3 =	sor.u32 $0x1C00, s0;
	[tilespmem:s14+$0x5940] =	vst v0  }
0x295: {  	v0 =	vld [tilespmem:s3+$0x4100]  }
0x296: {  	v3 =	vld [tilespmem:s3+$0xC100];
	_ =	sdelay $0x4  }
0x297: {  	v0 =	vadd.f32 v3, v0;
	_ =	sdelay $0x1  }
0x298: {  	s14 =	sor.u32 $0x1C10, s0;
	[tilespmem:s3+$0x4100] =	vst v0  }
0x299: {  	v0 =	vld [tilespmem:s14+$0x4100]  }
0x29a: {  	v3 =	vld [tilespmem:s14+$0xC100];
	_ =	sdelay $0x4  }
0x29b: {  	v0 =	vadd.f32 v3, v0;
	_ =	sdelay $0x1  }
0x29c: {  	s15 =	sor.u32 $0x1C20, s0;
	[tilespmem:s14+$0x4100] =	vst v0  }
0x29d: {  	v0 =	vld [tilespmem:s15+$0x4100]  }
0x29e: {  	v3 =	vld [tilespmem:s15+$0xC100];
	_ =	sdelay $0x4  }
0x29f: {  	v0 =	vadd.f32 v3, v0;
	_ =	sdelay $0x1  }
0x2a0: {  	s24 =	sor.u32 $0x1C30, s0;
	[tilespmem:s15+$0x4100] =	vst v0  }
0x2a1: {  	v0 =	vld [tilespmem:s24+$0x4100]  }
0x2a2: {  	v3 =	vld [tilespmem:s24+$0xC100];
	_ =	sdelay $0x4  }
0x2a3: {  	v0 =	vadd.f32 v3, v0;
	_ =	sdelay $0x1  }
0x2a4: {  	s25 =	sor.u32 $0x1C40, s0;
	[tilespmem:s24+$0x4100] =	vst v0  }
0x2a5: {  	v0 =	vld [tilespmem:s25+$0x4100]  }
0x2a6: {  	v3 =	vld [tilespmem:s25+$0xC100];
	_ =	sdelay $0x4  }
0x2a7: {  	v0 =	vadd.f32 v3, v0;
	_ =	sdelay $0x1  }
0x2a8: {  	s29 =	sor.u32 $0x1C50, s0;
	[tilespmem:s25+$0x4100] =	vst v0  }
0x2a9: {  	v0 =	vld [tilespmem:s29+$0x4100]  }
0x2aa: {  	v3 =	vld [tilespmem:s29+$0xC100];
	_ =	sdelay $0x4  }
0x2ab: {  	v0 =	vadd.f32 v3, v0;
	_ =	sdelay $0x1  }
0x2ac: {  	s30 =	sor.u32 $0x1C60, s0;
	[tilespmem:s29+$0x4100] =	vst v0  }
0x2ad: {  	v0 =	vld [tilespmem:s30+$0x4100]  }
0x2ae: {  	v3 =	vld [tilespmem:s30+$0xC100];
	_ =	sdelay $0x4  }
0x2af: {  	v0 =	vadd.f32 v3, v0;
	_ =	sdelay $0x1  }
0x2b0: {  	s0 =	sor.u32 $0x1C70, s0;
	[tilespmem:s30+$0x4100] =	vst v0  }
0x2b1: {  	v0 =	vld [tilespmem:s0+$0x4100]  }
0x2b2: {  	v3 =	vld [tilespmem:s0+$0xC100];
	_ =	sdelay $0x1  }
0x2b3: {  	s26 =	sadd.s32 $0x1, s26  }
0x2b4: {  	p0 =	sne.s32 s26, $0x8  }
.Ltmp2:
0x2b5: {  	_ = 	snop;
	(pc) =	sbr.rel @p0 .LBB2_2-.Ltmp2, $3  }
0x2b6: {  	v0 =	vadd.f32 v3, v0;
	_ =	sdelay $0x1  }
0x2b7: {  	s31 =	sadd.s32 s4, s9;
	[tilespmem:s0+$0x4100] =	vst v0  }
0x2b8: {  	[hbm4b:s31+s5] =	stream.linear.scatter [tilespmem:s28], [sflag:$0x6], $0x4000, $0x38;
	[tilespmem:$0x10100] =	vst v63  }
0x2b9: {  	s3 =	simm.s32 $0x6  }
0x2ba: {  	_ =	swait.ge [sflag:s3], $0x4000  }
0x2bb: {  	s9 =	rddreg [dreg:$0x8]  }
0x2bc: {  	s0 =	rddreg [dreg:$0x7];
	s9 =	sadd.s32 $0x1, s9  }
0x2bd: {  	p0 =	sne.s32 s9, s0  }
.Ltmp3:
0x2be: {  	_ = 	snop;
	(pc) =	sbr.rel @p0 .LBB2_1-.Ltmp3, $3  }
0x2bf: {  	_ =	sdelay $0x1  }
0x2c0: {  	[sflag:s3] =	ssyncset.done $0x0  }
0x2c1: {  	[sflag:s3] =	ssyncadd.s32 $0xFFFFC000  }
0x2c2: {  	_ =	sfence.sel $0x180000  }
0x2c3: {  	[bflag:$0x0] =	sbarrier.arrive $0xFFFF  }
0x2c4: {  	_ =	strace $0x90000047  }
0x2c5: {  	s0 =	stileid.u32;
	[bflag:$0x2] =	sbarrier.arrive $0xFFFF  }
0x2c6: {  	p0 =	sne.s32 s0, $0x0;
	s0 =	rddreg [dreg:$0x4]  }
0x2c7: {  	s0 =	sadd.s32 @!p0 $0x100000, s0  }
0x2c8: {  	[sflag:s0] =	ssyncadd.tile.s32 @!p0 $0x1;
	_ =	shalt  }
.Lfunc_end2:
_tile_overlayer_lowered:
.L_overlay_start_2:
0x2c9: {  	(tag) =	ssettag $0x2  }
0x2ca: {  	s0 =	rddreg [dreg:$0x0];
	s2 =	stileid.u32  }
0x2cb: {  	s1 =	rddreg [dreg:$0x1];
	p0 =	sne.s32 s2, $0x0  }
0x2cc: {  	s3 =	rddreg [dreg:$0x2];
	[bflag:$0x3] =	sbarrier.arrive $0xFFFF;
	s2 =	simm.s32 @!p0 $0x1C07  }
0x2cd: {  	[timem:s3], [sflag:s2] =	dma.local @!p0 [hbm:s0], s1  }
0x2ce: {  	s0 =	simm.s32 @!p0 $0x7  }
0x2cf: {  	_ =	swait.ge @!p0 [sflag:s0], s1  }
0x2d0: {  	s1 =	ssub.s32 @!p0 $0x0, s1;
	[sflag:s0] =	ssyncset.done @!p0 $0x0  }
0x2d1: {  	[sflag:s0] =	ssyncadd.s32 @!p0 s1  }
0x2d2: {  	[bflag:$0x3] =	sbarrier.arrive $0xFFFF  }
0x2d3: {  	_ =	shalt  }

</sc_bundles>
